<compile_context>
chip_gen: v7x
topology: tpu7x:2x2x1
jax: 0.10.2.dev20260603
libtpu: 0.0.44.dev20260713+nightly
codegen_flags: <defaults>
</compile_context>

<pallas_src>
import functools

import jax
import jax.numpy as jnp
from jax import lax
from jax.experimental import pallas as pl
from jax.experimental.pallas import tpu as pltpu
from jax.experimental.pallas import tpu_sc as plsc

N_NODES = 10000
N_EDGES = 320000
C = 128

NROWS = 10240
GROW = 10000
CHUNK = 128
N_WORKERS = 32
CHUNKS_PER_W = 80
E_PAD = N_WORKERS * CHUNKS_PER_W * CHUNK
CF = CHUNKS_PER_W
E_ALLOC = E_PAD
ROWS_PER_TILE = NROWS // 16

_mesh = plsc.VectorSubcoreMesh(core_axis_name="c", subcore_axis_name="s")


def _fill(ref, rows, width, value):
    def body(i, _):
        for l in range(width // 16):
            ref[i, pl.ds(l * 16, 16)] = jnp.full((16,), value, jnp.float32)
        return 0
    lax.fori_loop(0, rows, body, 0)


DROWS = NROWS // CHUNK


@functools.partial(
    pl.kernel,
    out_type=jax.ShapeDtypeStruct((2 * DROWS, CHUNK), jnp.float32),
    mesh=_mesh,
    compiler_params=pltpu.CompilerParams(needs_layout_passes=False),
    scratch_types=[
        pltpu.VMEM((CHUNKS_PER_W, CHUNK), jnp.int32),
        pltpu.VMEM((DROWS, CHUNK), jnp.float32),
        pltpu.VMEM((DROWS,), jnp.int32),
        pltpu.VMEM((8, CHUNK), jnp.float32),
        pltpu.VMEM_SHARED((DROWS, CHUNK), jnp.float32),
    ],
)
def _sc_degree(dst_hbm, out_hbm, didx, local, rowidx, zrows, deg_sp):
    c = lax.axis_index("c")
    s = lax.axis_index("s")
    wid = c * 16 + s
    _fill(zrows, 8, CHUNK, 0.0)
    @pl.when(s < DROWS // 8)
    def _():
        pltpu.sync_copy(zrows, deg_sp.at[pl.ds(s * 8, 8)])
    ones16 = jnp.ones((16,), jnp.float32)

    def zbody(k, _):
        for l in range(8):
            local[k, pl.ds(l * 16, 16)] = jnp.zeros((16,), jnp.float32)
        return 0
    lax.fori_loop(0, DROWS, zbody, 0)
    def ibody(k, _):
        rowidx[pl.ds(k * 16, 16)] = lax.iota(jnp.int32, 16) + k * 16
        return 0
    lax.fori_loop(0, DROWS // 16, ibody, 0)

    pltpu.sync_copy(dst_hbm.at[pl.ds(wid * CHUNKS_PER_W, CHUNKS_PER_W)], didx)

    def body(j, _):
        for g in range(8):
            w = didx[j, pl.ds(g * 16, 16)]
            v = lax.shift_right_logical(w, 16)
            r = lax.shift_right_logical(v, 7)
            cc = lax.bitwise_and(v, 127)
            plsc.addupdate_scatter(local, [r, cc], ones16)
        return 0
    lax.fori_loop(0, CHUNKS_PER_W, body, 0)
    plsc.subcore_barrier()
    pltpu.sync_copy(local, deg_sp.at[rowidx], add=True)
    plsc.subcore_barrier()
    @pl.when(s < DROWS // 8)
    def _():
        pltpu.sync_copy(
            deg_sp.at[pl.ds(s * 8, 8)],
            out_hbm.at[pl.ds(c * DROWS + s * 8, 8)],
        )


@functools.partial(
    pl.kernel,
    out_type=jax.ShapeDtypeStruct((2 * NROWS, C), jnp.float32),
    mesh=_mesh,
    scratch_types=[
        pltpu.VMEM((CF * CHUNK,), jnp.int32),
        pltpu.VMEM((CHUNK,), jnp.int32),
        pltpu.VMEM((CHUNK,), jnp.int32),
        pltpu.VMEM((CHUNK,), jnp.int32),
        pltpu.VMEM((CHUNK,), jnp.int32),
        pltpu.VMEM((CHUNK, C), jnp.float32),
        pltpu.VMEM((CHUNK, C), jnp.float32),
        pltpu.VMEM_SHARED((NROWS, C), jnp.float32),
        pltpu.SemaphoreType.DMA,
        pltpu.SemaphoreType.DMA,
        pltpu.SemaphoreType.DMA,
        pltpu.SemaphoreType.DMA,
    ],
)
def _sc_segsum(y_hbm, pk_hbm, out_hbm, pidx, ia0, ia1, id0, id1, msg0, msg1,
               acc_sp, gsem0, gsem1, ssem0, ssem1):
    c = lax.axis_index("c")
    s = lax.axis_index("s")
    base = (c * 16 + s) * CF
    _fill(msg0, CHUNK, C, 0.0)
    row0 = s * ROWS_PER_TILE
    def zero_body(k, _):
        pltpu.sync_copy(msg0, acc_sp.at[pl.ds(row0 + k * CHUNK, CHUNK)])
        return 0
    lax.fori_loop(0, ROWS_PER_TILE // CHUNK, zero_body, 0)
    pltpu.sync_copy(pk_hbm.at[pl.ds(base * CHUNK, CF * CHUNK)], pidx)
    plsc.subcore_barrier()

    def unpack(ch, ia, idd):
        for g in range(C // 16):
            w = pidx[pl.ds(ch * CHUNK + g * 16, 16)]
            ia[pl.ds(g * 16, 16)] = lax.bitwise_and(w, 0xFFFF)
            idd[pl.ds(g * 16, 16)] = lax.shift_right_logical(w, 16)

    def wait_gather(buf, sem):
        pltpu.make_async_copy(y_hbm.at[ia0], buf, sem).wait()

    def wait_scat(buf, sem):
        pltpu.make_async_copy(buf, acc_sp.at[id0], sem).wait()

    unpack(0, ia0, id0)
    pltpu.async_copy(y_hbm.at[ia0], msg0, gsem0)
    unpack(1, ia1, id1)
    pltpu.async_copy(y_hbm.at[ia1], msg1, gsem1)
    def body(j, _):
        a = 2 * j
        b = 2 * j + 1
        wait_gather(msg0, gsem0)
        pltpu.async_copy(msg0, acc_sp.at[id0], ssem0, add=True)
        wait_gather(msg1, gsem1)
        pltpu.async_copy(msg1, acc_sp.at[id1], ssem1, add=True)
        wait_scat(msg0, ssem0)
        unpack(a + 2, ia0, id0)
        pltpu.async_copy(y_hbm.at[ia0], msg0, gsem0)
        wait_scat(msg1, ssem1)
        unpack(b + 2, ia1, id1)
        pltpu.async_copy(y_hbm.at[ia1], msg1, gsem1)
        return 0
    lax.fori_loop(0, CF // 2 - 1, body, 0)
    wait_gather(msg0, gsem0)
    pltpu.async_copy(msg0, acc_sp.at[id0], ssem0, add=True)
    wait_gather(msg1, gsem1)
    pltpu.async_copy(msg1, acc_sp.at[id1], ssem1, add=True)
    wait_scat(msg0, ssem0)
    wait_scat(msg1, ssem1)
    plsc.subcore_barrier()
    pltpu.sync_copy(
        acc_sp.at[pl.ds(row0, ROWS_PER_TILE)],
        out_hbm.at[pl.ds(c * NROWS + row0, ROWS_PER_TILE)],
    )


_BS = 1024
_GRID = NROWS // _BS


def _tc1_body(d0_ref, d1_ref, x_ref, w_ref, y_ref, dinv_ref):
    deg = d0_ref[...] + d1_ref[...] + 1.0
    dinv8 = lax.rsqrt(deg)
    nrow = _BS // CHUNK
    i0 = lax.broadcasted_iota(jnp.int32, (_BS, nrow), 0)
    i1 = lax.broadcasted_iota(jnp.int32, (_BS, nrow), 1)
    rowsel = (i0 // CHUNK == i1).astype(jnp.float32)
    t = jnp.dot(rowsel, dinv8, preferred_element_type=jnp.float32)
    j0 = lax.broadcasted_iota(jnp.int32, (_BS, CHUNK), 0)
    j1 = lax.broadcasted_iota(jnp.int32, (_BS, CHUNK), 1)
    lanemask = (j1 == j0 % CHUNK).astype(jnp.float32)
    dinv = jnp.sum(t * lanemask, axis=1, keepdims=True)
    xw = jnp.dot(x_ref[...], w_ref[...], preferred_element_type=jnp.float32)
    y_ref[...] = xw * dinv
    dinv_ref[...] = jnp.broadcast_to(dinv, (_BS, 16))


def _tc2_body(p0_ref, p1_ref, y1_ref, dinv_ref, w_ref, b1_ref, y2_ref):
    dv = dinv_ref[:, 0:1]
    agg = p0_ref[...] + p1_ref[...] + y1_ref[...]
    h = jnp.maximum(agg * dv + b1_ref[...], 0.0)
    y2_ref[...] = jnp.dot(h, w_ref[...], preferred_element_type=jnp.float32) * dv


def _tc3_body(q0_ref, q1_ref, y2_ref, dinv_ref, b2_ref, out_ref):
    dv = dinv_ref[:, 0:1]
    out_ref[...] = (q0_ref[...] + q1_ref[...] + y2_ref[...]) * dv + b2_ref[...]


def _rows(i):
    return (i, 0)


def _rows_hi(i):
    return (i + _GRID, 0)


def _rep(i):
    return (0, 0)


def kernel(x, edge_index, W1, b1, W2, b2):
    ei = edge_index.astype(jnp.int32)
    src = jnp.concatenate(
        [ei[0], jnp.zeros((E_ALLOC - N_EDGES,), jnp.int32)])
    pad_dst = GROW + jnp.arange(E_ALLOC - N_EDGES, dtype=jnp.int32) % (NROWS - GROW)
    dst = jnp.concatenate([ei[1], pad_dst])
    packed = src | (dst << 16)
    packed2d = packed[:E_PAD].reshape(-1, CHUNK)
    x_pad = jnp.concatenate(
        [x, jnp.zeros((NROWS - N_NODES, C), jnp.float32)], axis=0)
    b1r = b1.reshape(1, C)
    b2r = b2.reshape(1, C)

    degp = _sc_degree(packed2d)

    y1, dinv = pl.pallas_call(
        _tc1_body,
        grid=(_GRID,),
        in_specs=[
            pl.BlockSpec((_BS // CHUNK, CHUNK), _rows),
            pl.BlockSpec((_BS // CHUNK, CHUNK), _rows_hi),
            pl.BlockSpec((_BS, C), _rows),
            pl.BlockSpec((C, C), _rep),
        ],
        out_specs=[
            pl.BlockSpec((_BS, C), _rows),
            pl.BlockSpec((_BS, 16), _rows),
        ],
        out_shape=[
            jax.ShapeDtypeStruct((NROWS, C), jnp.float32),
            jax.ShapeDtypeStruct((NROWS, 16), jnp.float32),
        ],
    )(degp, degp, x_pad, W1)

    p = _sc_segsum(y1, packed)

    y2 = pl.pallas_call(
        _tc2_body,
        grid=(_GRID,),
        in_specs=[
            pl.BlockSpec((_BS, C), _rows),
            pl.BlockSpec((_BS, C), _rows_hi),
            pl.BlockSpec((_BS, C), _rows),
            pl.BlockSpec((_BS, 16), _rows),
            pl.BlockSpec((C, C), _rep),
            pl.BlockSpec((1, C), _rep),
        ],
        out_specs=pl.BlockSpec((_BS, C), _rows),
        out_shape=jax.ShapeDtypeStruct((NROWS, C), jnp.float32),
    )(p, p, y1, dinv, W2, b1r)

    q = _sc_segsum(y2, packed)

    out = pl.pallas_call(
        _tc3_body,
        grid=(_GRID,),
        in_specs=[
            pl.BlockSpec((_BS, C), _rows),
            pl.BlockSpec((_BS, C), _rows_hi),
            pl.BlockSpec((_BS, C), _rows),
            pl.BlockSpec((_BS, 16), _rows),
            pl.BlockSpec((1, C), _rep),
        ],
        out_specs=pl.BlockSpec((_BS, C), _rows),
        out_shape=jax.ShapeDtypeStruct((NROWS, C), jnp.float32),
    )(q, q, y2, dinv, b2r)

    return out[:N_NODES]

# --- scband reference (transcript-rebuilt; emitter-appended) ---
"""Pipeline reference for scband-gcn-51943334477917 (READ-ONLY COPY).

The authoritative reference and input builder live on the scoring server;
editing this copy changes nothing except your own understanding.
"""

import jax, jax.numpy as jnp
import numpy as np

N_NODES = 10000
N_EDGES = 320000
IN_CH = 128
HID_CH = 128
OUT_CH = 128


def setup_inputs(seed: int = 0) -> dict:
    key = jax.random.key(seed)
    k_x, k_ei, k_w1, k_b1, k_w2, k_b2 = jax.random.split(key, 6)
    x = jax.random.normal(k_x, (N_NODES, IN_CH), dtype=jnp.float32)
    edge_index = jax.random.randint(k_ei, (2, N_EDGES), 0, N_NODES, dtype=jnp.int64)
    # Glorot-style init for GCNConv weights, zeros for biases (PyG default)
    s1 = jnp.sqrt(6.0 / (IN_CH + HID_CH))
    W1 = jax.random.uniform(k_w1, (IN_CH, HID_CH), dtype=jnp.float32, minval=-s1, maxval=s1)
    b1 = jnp.zeros((HID_CH,), dtype=jnp.float32)
    s2 = jnp.sqrt(6.0 / (HID_CH + OUT_CH))
    W2 = jax.random.uniform(k_w2, (HID_CH, OUT_CH), dtype=jnp.float32, minval=-s2, maxval=s2)
    b2 = jnp.zeros((OUT_CH,), dtype=jnp.float32)
    return {"x": x, "edge_index": edge_index, "W1": W1, "b1": b1, "W2": W2, "b2": b2}


def _gcn_conv(x, edge_index, W, b, num_nodes):
    # x' = D^{-1/2} (A + I) D^{-1/2} X W + b  (GCNConv with self-loops)
    src = edge_index[0]
    dst = edge_index[1]
    loop = jnp.arange(num_nodes, dtype=src.dtype)
    src = jnp.concatenate([src, loop], axis=0)
    dst = jnp.concatenate([dst, loop], axis=0)
    deg = jnp.zeros((num_nodes,), dtype=jnp.float32).at[dst].add(1.0)
    deg_inv_sqrt = jnp.where(deg > 0, 1.0 / jnp.sqrt(deg), 0.0)
    norm = deg_inv_sqrt[src] * deg_inv_sqrt[dst]
    xw = x @ W
    msg = xw[src] * norm[:, None]
    out = jnp.zeros((num_nodes, W.shape[1]), dtype=jnp.float32).at[dst].add(msg)
    return out + b


def reference(x, edge_index, W1, b1, W2, b2):
    num_nodes = x.shape[0]
    h = _gcn_conv(x, edge_index, W1, b1, num_nodes)
    h = jax.nn.relu(h)
    out = _gcn_conv(h, edge_index, W2, b2, num_nodes)
    return out

if __name__ == "__main__":
    import jax
    _d = setup_inputs()
    print(jax.jit(kernel)(*tuple(_d.values())))

</pallas_src>

<mosaic_0001>
#map = affine_map<(d0, d1) -> (0, 0)>
#map1 = affine_map<(d0, d1) -> (0)>
module attributes {stable_mosaic.version = 14 : i64} {
  func.func @_sc_segsum(%arg0: i32, %arg1: i32, %arg2: memref<10240x128xf32, #tpu.memory_space<hbm>>, %arg3: memref<327680xi32, #tpu.memory_space<hbm>>, %arg4: memref<20480x128xf32, #tpu.memory_space<hbm>>, %arg5: memref<10240xi32, #tpu.memory_space<vmem>>, %arg6: memref<128xi32, #tpu.memory_space<vmem>>, %arg7: memref<128xi32, #tpu.memory_space<vmem>>, %arg8: memref<128xi32, #tpu.memory_space<vmem>>, %arg9: memref<128xi32, #tpu.memory_space<vmem>>, %arg10: memref<128x128xf32, #tpu.memory_space<vmem>>, %arg11: memref<128x128xf32, #tpu.memory_space<vmem>>, %arg12: memref<10240x128xf32, #tpu.memory_space<vmem_shared>>, %arg13: memref<!tpu.dma_semaphore, #tpu.memory_space<semaphore_mem>>, %arg14: memref<!tpu.dma_semaphore, #tpu.memory_space<semaphore_mem>>, %arg15: memref<!tpu.dma_semaphore, #tpu.memory_space<semaphore_mem>>, %arg16: memref<!tpu.dma_semaphore, #tpu.memory_space<semaphore_mem>>) attributes {dimension_semantics = [#tpu.dimension_semantics<core_parallel>, #tpu.dimension_semantics<subcore_parallel>], iteration_bounds = array<i64: 2, 16>, scalar_prefetch = 0 : i64, scratch_operands = 12 : i64, tpu.core_type = #tpu.core_type<sc_vector_subcore>, window_params = [{transform_indices = #map}, {transform_indices = #map1}, {transform_indices = #map}]} {
    %mul3A = arith.constant 16 : i32
    %mul3A_0 = arith.muli %arg0, %mul3A : i32
    %add3A = arith.addi %mul3A_0, %arg1 : i32
    %mul3A_1 = arith.constant 80 : i32
    %mul3A_2 = arith.muli %add3A, %mul3A_1 : i32
    %scan3A = arith.constant 0 : i32
    %scan3A_3 = arith.constant 0 : i32
    %scan3A_4 = arith.constant 128 : i32
    %scan3A_5 = arith.addi %scan3A_3, %scan3A_4 : i32
    %scan3A_6 = arith.constant 1 : i32
    %scan3A_7 = scf.for %scan3A_321 = %scan3A_3 to %scan3A_5 step %scan3A_6 iter_args(%scan3A_322 = %scan3A) -> (i32)  : i32 {
      %broadcast_in_dim3A = arith.constant 0.000000e+00 : f32
      %broadcast_in_dim3A_323 = vector.broadcast %broadcast_in_dim3A : f32 to vector<16xf32>
      %swap3A_324 = arith.index_cast %scan3A_321 : i32 to index
      %swap3A_325 = arith.constant 0 : index
      %swap3A_326 = tpu.vector_load %arg10[%swap3A_324, %swap3A_325] {strides = array<i32>} : memref<128x128xf32, #tpu.memory_space<vmem>>, vector<1x16xf32>,
      %swap3A_327 = vector.shape_cast %swap3A_326 : vector<1x16xf32> to vector<16xf32>
      %swap3A_328 = vector.shape_cast %broadcast_in_dim3A_323 : vector<16xf32> to vector<1x16xf32>
      tpu.vector_store %arg10[%swap3A_324, %swap3A_325], %swap3A_328 {strides = array<i32>} : memref<128x128xf32, #tpu.memory_space<vmem>>, vector<1x16xf32>,
      %broadcast_in_dim3A_329 = arith.constant 0.000000e+00 : f32
      %broadcast_in_dim3A_330 = vector.broadcast %broadcast_in_dim3A_329 : f32 to vector<16xf32>
      %swap3A_331 = arith.index_cast %scan3A_321 : i32 to index
      %swap3A_332 = arith.constant 16 : index
      %swap3A_333 = tpu.vector_load %arg10[%swap3A_331, %swap3A_332] {strides = array<i32>} : memref<128x128xf32, #tpu.memory_space<vmem>>, vector<1x16xf32>,
      %swap3A_334 = vector.shape_cast %swap3A_333 : vector<1x16xf32> to vector<16xf32>
      %swap3A_335 = vector.shape_cast %broadcast_in_dim3A_330 : vector<16xf32> to vector<1x16xf32>
      tpu.vector_store %arg10[%swap3A_331, %swap3A_332], %swap3A_335 {strides = array<i32>} : memref<128x128xf32, #tpu.memory_space<vmem>>, vector<1x16xf32>,
      %broadcast_in_dim3A_336 = arith.constant 0.000000e+00 : f32
      %broadcast_in_dim3A_337 = vector.broadcast %broadcast_in_dim3A_336 : f32 to vector<16xf32>
      %swap3A_338 = arith.index_cast %scan3A_321 : i32 to index
      %swap3A_339 = arith.constant 32 : index
      %swap3A_340 = tpu.vector_load %arg10[%swap3A_338, %swap3A_339] {strides = array<i32>} : memref<128x128xf32, #tpu.memory_space<vmem>>, vector<1x16xf32>,
      %swap3A_341 = vector.shape_cast %swap3A_340 : vector<1x16xf32> to vector<16xf32>
      %swap3A_342 = vector.shape_cast %broadcast_in_dim3A_337 : vector<16xf32> to vector<1x16xf32>
      tpu.vector_store %arg10[%swap3A_338, %swap3A_339], %swap3A_342 {strides = array<i32>} : memref<128x128xf32, #tpu.memory_space<vmem>>, vector<1x16xf32>,
      %broadcast_in_dim3A_343 = arith.constant 0.000000e+00 : f32
      %broadcast_in_dim3A_344 = vector.broadcast %broadcast_in_dim3A_343 : f32 to vector<16xf32>
      %swap3A_345 = arith.index_cast %scan3A_321 : i32 to index
      %swap3A_346 = arith.constant 48 : index
      %swap3A_347 = tpu.vector_load %arg10[%swap3A_345, %swap3A_346] {strides = array<i32>} : memref<128x128xf32, #tpu.memory_space<vmem>>, vector<1x16xf32>,
      %swap3A_348 = vector.shape_cast %swap3A_347 : vector<1x16xf32> to vector<16xf32>
      %swap3A_349 = vector.shape_cast %broadcast_in_dim3A_344 : vector<16xf32> to vector<1x16xf32>
      tpu.vector_store %arg10[%swap3A_345, %swap3A_346], %swap3A_349 {strides = array<i32>} : memref<128x128xf32, #tpu.memory_space<vmem>>, vector<1x16xf32>,
      %broadcast_in_dim3A_350 = arith.constant 0.000000e+00 : f32
      %broadcast_in_dim3A_351 = vector.broadcast %broadcast_in_dim3A_350 : f32 to vector<16xf32>
      %swap3A_352 = arith.index_cast %scan3A_321 : i32 to index
      %swap3A_353 = arith.constant 64 : index
      %swap3A_354 = tpu.vector_load %arg10[%swap3A_352, %swap3A_353] {strides = array<i32>} : memref<128x128xf32, #tpu.memory_space<vmem>>, vector<1x16xf32>,
      %swap3A_355 = vector.shape_cast %swap3A_354 : vector<1x16xf32> to vector<16xf32>
      %swap3A_356 = vector.shape_cast %broadcast_in_dim3A_351 : vector<16xf32> to vector<1x16xf32>
      tpu.vector_store %arg10[%swap3A_352, %swap3A_353], %swap3A_356 {strides = array<i32>} : memref<128x128xf32, #tpu.memory_space<vmem>>, vector<1x16xf32>,
      %broadcast_in_dim3A_357 = arith.constant 0.000000e+00 : f32
      %broadcast_in_dim3A_358 = vector.broadcast %broadcast_in_dim3A_357 : f32 to vector<16xf32>
      %swap3A_359 = arith.index_cast %scan3A_321 : i32 to index
      %swap3A_360 = arith.constant 80 : index
      %swap3A_361 = tpu.vector_load %arg10[%swap3A_359, %swap3A_360] {strides = array<i32>} : memref<128x128xf32, #tpu.memory_space<vmem>>, vector<1x16xf32>,
      %swap3A_362 = vector.shape_cast %swap3A_361 : vector<1x16xf32> to vector<16xf32>
      %swap3A_363 = vector.shape_cast %broadcast_in_dim3A_358 : vector<16xf32> to vector<1x16xf32>
      tpu.vector_store %arg10[%swap3A_359, %swap3A_360], %swap3A_363 {strides = array<i32>} : memref<128x128xf32, #tpu.memory_space<vmem>>, vector<1x16xf32>,
      %broadcast_in_dim3A_364 = arith.constant 0.000000e+00 : f32
      %broadcast_in_dim3A_365 = vector.broadcast %broadcast_in_dim3A_364 : f32 to vector<16xf32>
      %swap3A_366 = arith.index_cast %scan3A_321 : i32 to index
      %swap3A_367 = arith.constant 96 : index
      %swap3A_368 = tpu.vector_load %arg10[%swap3A_366, %swap3A_367] {strides = array<i32>} : memref<128x128xf32, #tpu.memory_space<vmem>>, vector<1x16xf32>,
      %swap3A_369 = vector.shape_cast %swap3A_368 : vector<1x16xf32> to vector<16xf32>
      %swap3A_370 = vector.shape_cast %broadcast_in_dim3A_365 : vector<16xf32> to vector<1x16xf32>
      tpu.vector_store %arg10[%swap3A_366, %swap3A_367], %swap3A_370 {strides = array<i32>} : memref<128x128xf32, #tpu.memory_space<vmem>>, vector<1x16xf32>,
      %broadcast_in_dim3A_371 = arith.constant 0.000000e+00 : f32
      %broadcast_in_dim3A_372 = vector.broadcast %broadcast_in_dim3A_371 : f32 to vector<16xf32>
      %swap3A_373 = arith.index_cast %scan3A_321 : i32 to index
      %swap3A_374 = arith.constant 112 : index
      %swap3A_375 = tpu.vector_load %arg10[%swap3A_373, %swap3A_374] {strides = array<i32>} : memref<128x128xf32, #tpu.memory_space<vmem>>, vector<1x16xf32>,
      %swap3A_376 = vector.shape_cast %swap3A_375 : vector<1x16xf32> to vector<16xf32>
      %swap3A_377 = vector.shape_cast %broadcast_in_dim3A_372 : vector<16xf32> to vector<1x16xf32>
      tpu.vector_store %arg10[%swap3A_373, %swap3A_374], %swap3A_377 {strides = array<i32>} : memref<128x128xf32, #tpu.memory_space<vmem>>, vector<1x16xf32>,
      %scan3A_378 = arith.constant 0 : i32
      scf.yield %scan3A_378 : i32
    }
    %scan3A_8 = arith.constant 128 : i32
    %mul3A_9 = arith.constant 640 : i32
    %mul3A_10 = arith.muli %arg1, %mul3A_9 : i32
    %scan3A_11 = arith.constant 0 : i32
    %scan3A_12 = arith.constant 0 : i32
    %scan3A_13 = arith.constant 5 : i32
    %scan3A_14 = arith.addi %scan3A_12, %scan3A_13 : i32
    %scan3A_15 = arith.constant 1 : i32
    %scan3A_16 = scf.for %scan3A_321 = %scan3A_12 to %scan3A_14 step %scan3A_15 iter_args(%scan3A_322 = %scan3A_11) -> (i32)  : i32 {
      %mul3A_323 = arith.constant 128 : i32
      %mul3A_324 = arith.muli %scan3A_321, %mul3A_323 : i32
      %add3A_325 = arith.addi %mul3A_10, %mul3A_324 : i32
      "tpu.region"() ({
        %run_scoped3A = tpu.sem_alloc : memref<!tpu.dma_semaphore, #tpu.memory_space<semaphore_mem>>
        %dma_start3A_327 = arith.constant 0 : i32
        %dma_start3A_328 = tpu.memref_slice %arg12[%add3A_325, %dma_start3A_327] : memref<10240x128xf32, #tpu.memory_space<vmem_shared>> -> memref<128x128xf32, #tpu.memory_space<vmem_shared>>
        %dma_start3A_329 = arith.constant 0 : i32
        %dma_start3A_330 = tpu.memref_slice %arg12[%add3A_325, %dma_start3A_329] : memref<10240x128xf32, #tpu.memory_space<vmem_shared>> -> memref<128x128xf32, #tpu.memory_space<vmem_shared>>
        tpu.enqueue_dma source(%arg10 : memref<128x128xf32, #tpu.memory_space<vmem>>) target(%dma_start3A_330 : memref<128x128xf32, #tpu.memory_space<vmem_shared>>) target_semaphore(%run_scoped3A : memref<!tpu.dma_semaphore, #tpu.memory_space<semaphore_mem>>)
        %dma_wait3A_331 = arith.constant 0 : i32
        %dma_wait3A_332 = tpu.memref_slice %arg12[%add3A_325, %dma_wait3A_331] : memref<10240x128xf32, #tpu.memory_space<vmem_shared>> -> memref<128x128xf32, #tpu.memory_space<vmem_shared>>
        %dma_wait3A_333 = arith.constant 0 : i32
        %dma_wait3A_334 = tpu.memref_slice %arg12[%add3A_325, %dma_wait3A_333] : memref<10240x128xf32, #tpu.memory_space<vmem_shared>> -> memref<128x128xf32, #tpu.memory_space<vmem_shared>>
        tpu.wait_dma2 semaphore(%run_scoped3A : memref<!tpu.dma_semaphore, #tpu.memory_space<semaphore_mem>>) src(%arg10 : memref<128x128xf32, #tpu.memory_space<vmem>>) dst(%dma_wait3A_334 : memref<128x128xf32, #tpu.memory_space<vmem_shared>>)
        tpu.yield
      }) : () -> ()
      %scan3A_326 = arith.constant 0 : i32
      scf.yield %scan3A_326 : i32
    }
    %scan3A_17 = arith.constant 5 : i32
    %mul3A_18 = arith.constant 128 : i32
    %mul3A_19 = arith.muli %mul3A_2, %mul3A_18 : i32
    "tpu.region"() ({
      %run_scoped3A = tpu.sem_alloc : memref<!tpu.dma_semaphore, #tpu.memory_space<semaphore_mem>>
      %dma_start3A_321 = tpu.memref_slice %arg3[%mul3A_19] : memref<327680xi32, #tpu.memory_space<hbm>> -> memref<10240xi32, #tpu.memory_space<hbm>>
      %dma_start3A_322 = tpu.memref_slice %arg3[%mul3A_19] : memref<327680xi32, #tpu.memory_space<hbm>> -> memref<10240xi32, #tpu.memory_space<hbm>>
      tpu.enqueue_dma source(%dma_start3A_322 : memref<10240xi32, #tpu.memory_space<hbm>>) target(%arg5 : memref<10240xi32, #tpu.memory_space<vmem>>) target_semaphore(%run_scoped3A : memref<!tpu.dma_semaphore, #tpu.memory_space<semaphore_mem>>)
      %dma_wait3A_323 = tpu.memref_slice %arg3[%mul3A_19] : memref<327680xi32, #tpu.memory_space<hbm>> -> memref<10240xi32, #tpu.memory_space<hbm>>
      %dma_wait3A_324 = tpu.memref_slice %arg3[%mul3A_19] : memref<327680xi32, #tpu.memory_space<hbm>> -> memref<10240xi32, #tpu.memory_space<hbm>>
      tpu.wait_dma2 semaphore(%run_scoped3A : memref<!tpu.dma_semaphore, #tpu.memory_space<semaphore_mem>>) src(%dma_wait3A_324 : memref<10240xi32, #tpu.memory_space<hbm>>) dst(%arg5 : memref<10240xi32, #tpu.memory_space<vmem>>)
      tpu.yield
    }) : () -> ()
    %barrier3A = arith.constant 0 : index
    tpu.barrier barrier_id(%barrier3A)
    %get3A = arith.constant 0 : index
    %get3A_20 = tpu.vector_load %arg5[%get3A] {strides = array<i32>} : memref<10240xi32, #tpu.memory_space<vmem>>, vector<16xi32>,
    %get3A_21 = vector.shape_cast %get3A_20 : vector<16xi32> to vector<16xi32>
    %and3A = arith.constant 65535 : i32
    %and3A_22 = vector.broadcast %and3A : i32 to vector<16xi32>
    %and3A_23 = arith.andi %get3A_21, %and3A_22 : vector<16xi32>
    %swap3A = arith.constant 0 : index
    %swap3A_24 = tpu.vector_load %arg6[%swap3A] {strides = array<i32>} : memref<128xi32, #tpu.memory_space<vmem>>, vector<16xi32>,
    %swap3A_25 = vector.shape_cast %swap3A_24 : vector<16xi32> to vector<16xi32>
    %swap3A_26 = vector.shape_cast %and3A_23 : vector<16xi32> to vector<16xi32>
    tpu.vector_store %arg6[%swap3A], %swap3A_26 {strides = array<i32>} : memref<128xi32, #tpu.memory_space<vmem>>, vector<16xi32>,
    %shift_right_logical3A = arith.constant 16 : i32
    %shift_right_logical3A_27 = vector.broadcast %shift_right_logical3A : i32 to vector<16xi32>
    %shift_right_logical3A_28 = arith.shrui %get3A_21, %shift_right_logical3A_27 : vector<16xi32>
    %swap3A_29 = arith.constant 0 : index
    %swap3A_30 = tpu.vector_load %arg8[%swap3A_29] {strides = array<i32>} : memref<128xi32, #tpu.memory_space<vmem>>, vector<16xi32>,
    %swap3A_31 = vector.shape_cast %swap3A_30 : vector<16xi32> to vector<16xi32>
    %swap3A_32 = vector.shape_cast %shift_right_logical3A_28 : vector<16xi32> to vector<16xi32>
    tpu.vector_store %arg8[%swap3A_29], %swap3A_32 {strides = array<i32>} : memref<128xi32, #tpu.memory_space<vmem>>, vector<16xi32>,
    %get3A_33 = arith.constant 16 : index
    %get3A_34 = tpu.vector_load %arg5[%get3A_33] {strides = array<i32>} : memref<10240xi32, #tpu.memory_space<vmem>>, vector<16xi32>,
    %get3A_35 = vector.shape_cast %get3A_34 : vector<16xi32> to vector<16xi32>
    %and3A_36 = arith.constant 65535 : i32
    %and3A_37 = vector.broadcast %and3A_36 : i32 to vector<16xi32>
    %and3A_38 = arith.andi %get3A_35, %and3A_37 : vector<16xi32>
    %swap3A_39 = arith.constant 16 : index
    %swap3A_40 = tpu.vector_load %arg6[%swap3A_39] {strides = array<i32>} : memref<128xi32, #tpu.memory_space<vmem>>, vector<16xi32>,
    %swap3A_41 = vector.shape_cast %swap3A_40 : vector<16xi32> to vector<16xi32>
    %swap3A_42 = vector.shape_cast %and3A_38 : vector<16xi32> to vector<16xi32>
    tpu.vector_store %arg6[%swap3A_39], %swap3A_42 {strides = array<i32>} : memref<128xi32, #tpu.memory_space<vmem>>, vector<16xi32>,
    %shift_right_logical3A_43 = arith.constant 16 : i32
    %shift_right_logical3A_44 = vector.broadcast %shift_right_logical3A_43 : i32 to vector<16xi32>
    %shift_right_logical3A_45 = arith.shrui %get3A_35, %shift_right_logical3A_44 : vector<16xi32>
    %swap3A_46 = arith.constant 16 : index
    %swap3A_47 = tpu.vector_load %arg8[%swap3A_46] {strides = array<i32>} : memref<128xi32, #tpu.memory_space<vmem>>, vector<16xi32>,
    %swap3A_48 = vector.shape_cast %swap3A_47 : vector<16xi32> to vector<16xi32>
    %swap3A_49 = vector.shape_cast %shift_right_logical3A_45 : vector<16xi32> to vector<16xi32>
    tpu.vector_store %arg8[%swap3A_46], %swap3A_49 {strides = array<i32>} : memref<128xi32, #tpu.memory_space<vmem>>, vector<16xi32>,
    %get3A_50 = arith.constant 32 : index
    %get3A_51 = tpu.vector_load %arg5[%get3A_50] {strides = array<i32>} : memref<10240xi32, #tpu.memory_space<vmem>>, vector<16xi32>,
    %get3A_52 = vector.shape_cast %get3A_51 : vector<16xi32> to vector<16xi32>
    %and3A_53 = arith.constant 65535 : i32
    %and3A_54 = vector.broadcast %and3A_53 : i32 to vector<16xi32>
    %and3A_55 = arith.andi %get3A_52, %and3A_54 : vector<16xi32>
    %swap3A_56 = arith.constant 32 : index
    %swap3A_57 = tpu.vector_load %arg6[%swap3A_56] {strides = array<i32>} : memref<128xi32, #tpu.memory_space<vmem>>, vector<16xi32>,
    %swap3A_58 = vector.shape_cast %swap3A_57 : vector<16xi32> to vector<16xi32>
    %swap3A_59 = vector.shape_cast %and3A_55 : vector<16xi32> to vector<16xi32>
    tpu.vector_store %arg6[%swap3A_56], %swap3A_59 {strides = array<i32>} : memref<128xi32, #tpu.memory_space<vmem>>, vector<16xi32>,
    %shift_right_logical3A_60 = arith.constant 16 : i32
    %shift_right_logical3A_61 = vector.broadcast %shift_right_logical3A_60 : i32 to vector<16xi32>
    %shift_right_logical3A_62 = arith.shrui %get3A_52, %shift_right_logical3A_61 : vector<16xi32>
    %swap3A_63 = arith.constant 32 : index
    %swap3A_64 = tpu.vector_load %arg8[%swap3A_63] {strides = array<i32>} : memref<128xi32, #tpu.memory_space<vmem>>, vector<16xi32>,
    %swap3A_65 = vector.shape_cast %swap3A_64 : vector<16xi32> to vector<16xi32>
    %swap3A_66 = vector.shape_cast %shift_right_logical3A_62 : vector<16xi32> to vector<16xi32>
    tpu.vector_store %arg8[%swap3A_63], %swap3A_66 {strides = array<i32>} : memref<128xi32, #tpu.memory_space<vmem>>, vector<16xi32>,
    %get3A_67 = arith.constant 48 : index
    %get3A_68 = tpu.vector_load %arg5[%get3A_67] {strides = array<i32>} : memref<10240xi32, #tpu.memory_space<vmem>>, vector<16xi32>,
    %get3A_69 = vector.shape_cast %get3A_68 : vector<16xi32> to vector<16xi32>
    %and3A_70 = arith.constant 65535 : i32
    %and3A_71 = vector.broadcast %and3A_70 : i32 to vector<16xi32>
    %and3A_72 = arith.andi %get3A_69, %and3A_71 : vector<16xi32>
    %swap3A_73 = arith.constant 48 : index
    %swap3A_74 = tpu.vector_load %arg6[%swap3A_73] {strides = array<i32>} : memref<128xi32, #tpu.memory_space<vmem>>, vector<16xi32>,
    %swap3A_75 = vector.shape_cast %swap3A_74 : vector<16xi32> to vector<16xi32>
    %swap3A_76 = vector.shape_cast %and3A_72 : vector<16xi32> to vector<16xi32>
    tpu.vector_store %arg6[%swap3A_73], %swap3A_76 {strides = array<i32>} : memref<128xi32, #tpu.memory_space<vmem>>, vector<16xi32>,
    %shift_right_logical3A_77 = arith.constant 16 : i32
    %shift_right_logical3A_78 = vector.broadcast %shift_right_logical3A_77 : i32 to vector<16xi32>
    %shift_right_logical3A_79 = arith.shrui %get3A_69, %shift_right_logical3A_78 : vector<16xi32>
    %swap3A_80 = arith.constant 48 : index
    %swap3A_81 = tpu.vector_load %arg8[%swap3A_80] {strides = array<i32>} : memref<128xi32, #tpu.memory_space<vmem>>, vector<16xi32>,
    %swap3A_82 = vector.shape_cast %swap3A_81 : vector<16xi32> to vector<16xi32>
    %swap3A_83 = vector.shape_cast %shift_right_logical3A_79 : vector<16xi32> to vector<16xi32>
    tpu.vector_store %arg8[%swap3A_80], %swap3A_83 {strides = array<i32>} : memref<128xi32, #tpu.memory_space<vmem>>, vector<16xi32>,
    %get3A_84 = arith.constant 64 : index
    %get3A_85 = tpu.vector_load %arg5[%get3A_84] {strides = array<i32>} : memref<10240xi32, #tpu.memory_space<vmem>>, vector<16xi32>,
    %get3A_86 = vector.shape_cast %get3A_85 : vector<16xi32> to vector<16xi32>
    %and3A_87 = arith.constant 65535 : i32
    %and3A_88 = vector.broadcast %and3A_87 : i32 to vector<16xi32>
    %and3A_89 = arith.andi %get3A_86, %and3A_88 : vector<16xi32>
    %swap3A_90 = arith.constant 64 : index
    %swap3A_91 = tpu.vector_load %arg6[%swap3A_90] {strides = array<i32>} : memref<128xi32, #tpu.memory_space<vmem>>, vector<16xi32>,
    %swap3A_92 = vector.shape_cast %swap3A_91 : vector<16xi32> to vector<16xi32>
    %swap3A_93 = vector.shape_cast %and3A_89 : vector<16xi32> to vector<16xi32>
    tpu.vector_store %arg6[%swap3A_90], %swap3A_93 {strides = array<i32>} : memref<128xi32, #tpu.memory_space<vmem>>, vector<16xi32>,
    %shift_right_logical3A_94 = arith.constant 16 : i32
    %shift_right_logical3A_95 = vector.broadcast %shift_right_logical3A_94 : i32 to vector<16xi32>
    %shift_right_logical3A_96 = arith.shrui %get3A_86, %shift_right_logical3A_95 : vector<16xi32>
    %swap3A_97 = arith.constant 64 : index
    %swap3A_98 = tpu.vector_load %arg8[%swap3A_97] {strides = array<i32>} : memref<128xi32, #tpu.memory_space<vmem>>, vector<16xi32>,
    %swap3A_99 = vector.shape_cast %swap3A_98 : vector<16xi32> to vector<16xi32>
    %swap3A_100 = vector.shape_cast %shift_right_logical3A_96 : vector<16xi32> to vector<16xi32>
    tpu.vector_store %arg8[%swap3A_97], %swap3A_100 {strides = array<i32>} : memref<128xi32, #tpu.memory_space<vmem>>, vector<16xi32>,
    %get3A_101 = arith.constant 80 : index
    %get3A_102 = tpu.vector_load %arg5[%get3A_101] {strides = array<i32>} : memref<10240xi32, #tpu.memory_space<vmem>>, vector<16xi32>,
    %get3A_103 = vector.shape_cast %get3A_102 : vector<16xi32> to vector<16xi32>
    %and3A_104 = arith.constant 65535 : i32
    %and3A_105 = vector.broadcast %and3A_104 : i32 to vector<16xi32>
    %and3A_106 = arith.andi %get3A_103, %and3A_105 : vector<16xi32>
    %swap3A_107 = arith.constant 80 : index
    %swap3A_108 = tpu.vector_load %arg6[%swap3A_107] {strides = array<i32>} : memref<128xi32, #tpu.memory_space<vmem>>, vector<16xi32>,
    %swap3A_109 = vector.shape_cast %swap3A_108 : vector<16xi32> to vector<16xi32>
    %swap3A_110 = vector.shape_cast %and3A_106 : vector<16xi32> to vector<16xi32>
    tpu.vector_store %arg6[%swap3A_107], %swap3A_110 {strides = array<i32>} : memref<128xi32, #tpu.memory_space<vmem>>, vector<16xi32>,
    %shift_right_logical3A_111 = arith.constant 16 : i32
    %shift_right_logical3A_112 = vector.broadcast %shift_right_logical3A_111 : i32 to vector<16xi32>
    %shift_right_logical3A_113 = arith.shrui %get3A_103, %shift_right_logical3A_112 : vector<16xi32>
    %swap3A_114 = arith.constant 80 : index
    %swap3A_115 = tpu.vector_load %arg8[%swap3A_114] {strides = array<i32>} : memref<128xi32, #tpu.memory_space<vmem>>, vector<16xi32>,
    %swap3A_116 = vector.shape_cast %swap3A_115 : vector<16xi32> to vector<16xi32>
    %swap3A_117 = vector.shape_cast %shift_right_logical3A_113 : vector<16xi32> to vector<16xi32>
    tpu.vector_store %arg8[%swap3A_114], %swap3A_117 {strides = array<i32>} : memref<128xi32, #tpu.memory_space<vmem>>, vector<16xi32>,
    %get3A_118 = arith.constant 96 : index
    %get3A_119 = tpu.vector_load %arg5[%get3A_118] {strides = array<i32>} : memref<10240xi32, #tpu.memory_space<vmem>>, vector<16xi32>,
    %get3A_120 = vector.shape_cast %get3A_119 : vector<16xi32> to vector<16xi32>
    %and3A_121 = arith.constant 65535 : i32
    %and3A_122 = vector.broadcast %and3A_121 : i32 to vector<16xi32>
    %and3A_123 = arith.andi %get3A_120, %and3A_122 : vector<16xi32>
    %swap3A_124 = arith.constant 96 : index
    %swap3A_125 = tpu.vector_load %arg6[%swap3A_124] {strides = array<i32>} : memref<128xi32, #tpu.memory_space<vmem>>, vector<16xi32>,
    %swap3A_126 = vector.shape_cast %swap3A_125 : vector<16xi32> to vector<16xi32>
    %swap3A_127 = vector.shape_cast %and3A_123 : vector<16xi32> to vector<16xi32>
    tpu.vector_store %arg6[%swap3A_124], %swap3A_127 {strides = array<i32>} : memref<128xi32, #tpu.memory_space<vmem>>, vector<16xi32>,
    %shift_right_logical3A_128 = arith.constant 16 : i32
    %shift_right_logical3A_129 = vector.broadcast %shift_right_logical3A_128 : i32 to vector<16xi32>
    %shift_right_logical3A_130 = arith.shrui %get3A_120, %shift_right_logical3A_129 : vector<16xi32>
    %swap3A_131 = arith.constant 96 : index
    %swap3A_132 = tpu.vector_load %arg8[%swap3A_131] {strides = array<i32>} : memref<128xi32, #tpu.memory_space<vmem>>, vector<16xi32>,
    %swap3A_133 = vector.shape_cast %swap3A_132 : vector<16xi32> to vector<16xi32>
    %swap3A_134 = vector.shape_cast %shift_right_logical3A_130 : vector<16xi32> to vector<16xi32>
    tpu.vector_store %arg8[%swap3A_131], %swap3A_134 {strides = array<i32>} : memref<128xi32, #tpu.memory_space<vmem>>, vector<16xi32>,
    %get3A_135 = arith.constant 112 : index
    %get3A_136 = tpu.vector_load %arg5[%get3A_135] {strides = array<i32>} : memref<10240xi32, #tpu.memory_space<vmem>>, vector<16xi32>,
    %get3A_137 = vector.shape_cast %get3A_136 : vector<16xi32> to vector<16xi32>
    %and3A_138 = arith.constant 65535 : i32
    %and3A_139 = vector.broadcast %and3A_138 : i32 to vector<16xi32>
    %and3A_140 = arith.andi %get3A_137, %and3A_139 : vector<16xi32>
    %swap3A_141 = arith.constant 112 : index
    %swap3A_142 = tpu.vector_load %arg6[%swap3A_141] {strides = array<i32>} : memref<128xi32, #tpu.memory_space<vmem>>, vector<16xi32>,
    %swap3A_143 = vector.shape_cast %swap3A_142 : vector<16xi32> to vector<16xi32>
    %swap3A_144 = vector.shape_cast %and3A_140 : vector<16xi32> to vector<16xi32>
    tpu.vector_store %arg6[%swap3A_141], %swap3A_144 {strides = array<i32>} : memref<128xi32, #tpu.memory_space<vmem>>, vector<16xi32>,
    %shift_right_logical3A_145 = arith.constant 16 : i32
    %shift_right_logical3A_146 = vector.broadcast %shift_right_logical3A_145 : i32 to vector<16xi32>
    %shift_right_logical3A_147 = arith.shrui %get3A_137, %shift_right_logical3A_146 : vector<16xi32>
    %swap3A_148 = arith.constant 112 : index
    %swap3A_149 = tpu.vector_load %arg8[%swap3A_148] {strides = array<i32>} : memref<128xi32, #tpu.memory_space<vmem>>, vector<16xi32>,
    %swap3A_150 = vector.shape_cast %swap3A_149 : vector<16xi32> to vector<16xi32>
    %swap3A_151 = vector.shape_cast %shift_right_logical3A_147 : vector<16xi32> to vector<16xi32>
    tpu.vector_store %arg8[%swap3A_148], %swap3A_151 {strides = array<i32>} : memref<128xi32, #tpu.memory_space<vmem>>, vector<16xi32>,
    %dma_start3A = arith.constant 0 : i32
    %dma_start3A_152 = arith.constant 0 : i32
    %dma_start3A_153 = tpu.memref_slice %arg2[%dma_start3A, %dma_start3A_152] : memref<10240x128xf32, #tpu.memory_space<hbm>> -> memref<10240x128xf32, #tpu.memory_space<hbm>>
    tpu.enqueue_indirect_dma source(%dma_start3A_153 : memref<10240x128xf32, #tpu.memory_space<hbm>>) target(%arg10 : memref<128x128xf32, #tpu.memory_space<vmem>>) offsets(%arg6 : memref<128xi32, #tpu.memory_space<vmem>>) semaphore(%arg13 : memref<!tpu.dma_semaphore, #tpu.memory_space<semaphore_mem>>)
    %get3A_154 = arith.constant 128 : index
    %get3A_155 = tpu.vector_load %arg5[%get3A_154] {strides = array<i32>} : memref<10240xi32, #tpu.memory_space<vmem>>, vector<16xi32>,
    %get3A_156 = vector.shape_cast %get3A_155 : vector<16xi32> to vector<16xi32>
    %and3A_157 = arith.constant 65535 : i32
    %and3A_158 = vector.broadcast %and3A_157 : i32 to vector<16xi32>
    %and3A_159 = arith.andi %get3A_156, %and3A_158 : vector<16xi32>
    %swap3A_160 = arith.constant 0 : index
    %swap3A_161 = tpu.vector_load %arg7[%swap3A_160] {strides = array<i32>} : memref<128xi32, #tpu.memory_space<vmem>>, vector<16xi32>,
    %swap3A_162 = vector.shape_cast %swap3A_161 : vector<16xi32> to vector<16xi32>
    %swap3A_163 = vector.shape_cast %and3A_159 : vector<16xi32> to vector<16xi32>
    tpu.vector_store %arg7[%swap3A_160], %swap3A_163 {strides = array<i32>} : memref<128xi32, #tpu.memory_space<vmem>>, vector<16xi32>,
    %shift_right_logical3A_164 = arith.constant 16 : i32
    %shift_right_logical3A_165 = vector.broadcast %shift_right_logical3A_164 : i32 to vector<16xi32>
    %shift_right_logical3A_166 = arith.shrui %get3A_156, %shift_right_logical3A_165 : vector<16xi32>
    %swap3A_167 = arith.constant 0 : index
    %swap3A_168 = tpu.vector_load %arg9[%swap3A_167] {strides = array<i32>} : memref<128xi32, #tpu.memory_space<vmem>>, vector<16xi32>,
    %swap3A_169 = vector.shape_cast %swap3A_168 : vector<16xi32> to vector<16xi32>
    %swap3A_170 = vector.shape_cast %shift_right_logical3A_166 : vector<16xi32> to vector<16xi32>
    tpu.vector_store %arg9[%swap3A_167], %swap3A_170 {strides = array<i32>} : memref<128xi32, #tpu.memory_space<vmem>>, vector<16xi32>,
    %get3A_171 = arith.constant 144 : index
    %get3A_172 = tpu.vector_load %arg5[%get3A_171] {strides = array<i32>} : memref<10240xi32, #tpu.memory_space<vmem>>, vector<16xi32>,
    %get3A_173 = vector.shape_cast %get3A_172 : vector<16xi32> to vector<16xi32>
    %and3A_174 = arith.constant 65535 : i32
    %and3A_175 = vector.broadcast %and3A_174 : i32 to vector<16xi32>
    %and3A_176 = arith.andi %get3A_173, %and3A_175 : vector<16xi32>
    %swap3A_177 = arith.constant 16 : index
    %swap3A_178 = tpu.vector_load %arg7[%swap3A_177] {strides = array<i32>} : memref<128xi32, #tpu.memory_space<vmem>>, vector<16xi32>,
    %swap3A_179 = vector.shape_cast %swap3A_178 : vector<16xi32> to vector<16xi32>
    %swap3A_180 = vector.shape_cast %and3A_176 : vector<16xi32> to vector<16xi32>
    tpu.vector_store %arg7[%swap3A_177], %swap3A_180 {strides = array<i32>} : memref<128xi32, #tpu.memory_space<vmem>>, vector<16xi32>,
    %shift_right_logical3A_181 = arith.constant 16 : i32
    %shift_right_logical3A_182 = vector.broadcast %shift_right_logical3A_181 : i32 to vector<16xi32>
    %shift_right_logical3A_183 = arith.shrui %get3A_173, %shift_right_logical3A_182 : vector<16xi32>
    %swap3A_184 = arith.constant 16 : index
    %swap3A_185 = tpu.vector_load %arg9[%swap3A_184] {strides = array<i32>} : memref<128xi32, #tpu.memory_space<vmem>>, vector<16xi32>,
    %swap3A_186 = vector.shape_cast %swap3A_185 : vector<16xi32> to vector<16xi32>
    %swap3A_187 = vector.shape_cast %shift_right_logical3A_183 : vector<16xi32> to vector<16xi32>
    tpu.vector_store %arg9[%swap3A_184], %swap3A_187 {strides = array<i32>} : memref<128xi32, #tpu.memory_space<vmem>>, vector<16xi32>,
    %get3A_188 = arith.constant 160 : index
    %get3A_189 = tpu.vector_load %arg5[%get3A_188] {strides = array<i32>} : memref<10240xi32, #tpu.memory_space<vmem>>, vector<16xi32>,
    %get3A_190 = vector.shape_cast %get3A_189 : vector<16xi32> to vector<16xi32>
    %and3A_191 = arith.constant 65535 : i32
    %and3A_192 = vector.broadcast %and3A_191 : i32 to vector<16xi32>
    %and3A_193 = arith.andi %get3A_190, %and3A_192 : vector<16xi32>
    %swap3A_194 = arith.constant 32 : index
    %swap3A_195 = tpu.vector_load %arg7[%swap3A_194] {strides = array<i32>} : memref<128xi32, #tpu.memory_space<vmem>>, vector<16xi32>,
    %swap3A_196 = vector.shape_cast %swap3A_195 : vector<16xi32> to vector<16xi32>
    %swap3A_197 = vector.shape_cast %and3A_193 : vector<16xi32> to vector<16xi32>
    tpu.vector_store %arg7[%swap3A_194], %swap3A_197 {strides = array<i32>} : memref<128xi32, #tpu.memory_space<vmem>>, vector<16xi32>,
    %shift_right_logical3A_198 = arith.constant 16 : i32
    %shift_right_logical3A_199 = vector.broadcast %shift_right_logical3A_198 : i32 to vector<16xi32>
    %shift_right_logical3A_200 = arith.shrui %get3A_190, %shift_right_logical3A_199 : vector<16xi32>
    %swap3A_201 = arith.constant 32 : index
    %swap3A_202 = tpu.vector_load %arg9[%swap3A_201] {strides = array<i32>} : memref<128xi32, #tpu.memory_space<vmem>>, vector<16xi32>,
    %swap3A_203 = vector.shape_cast %swap3A_202 : vector<16xi32> to vector<16xi32>
    %swap3A_204 = vector.shape_cast %shift_right_logical3A_200 : vector<16xi32> to vector<16xi32>
    tpu.vector_store %arg9[%swap3A_201], %swap3A_204 {strides = array<i32>} : memref<128xi32, #tpu.memory_space<vmem>>, vector<16xi32>,
    %get3A_205 = arith.constant 176 : index
    %get3A_206 = tpu.vector_load %arg5[%get3A_205] {strides = array<i32>} : memref<10240xi32, #tpu.memory_space<vmem>>, vector<16xi32>,
    %get3A_207 = vector.shape_cast %get3A_206 : vector<16xi32> to vector<16xi32>
    %and3A_208 = arith.constant 65535 : i32
    %and3A_209 = vector.broadcast %and3A_208 : i32 to vector<16xi32>
    %and3A_210 = arith.andi %get3A_207, %and3A_209 : vector<16xi32>
    %swap3A_211 = arith.constant 48 : index
    %swap3A_212 = tpu.vector_load %arg7[%swap3A_211] {strides = array<i32>} : memref<128xi32, #tpu.memory_space<vmem>>, vector<16xi32>,
    %swap3A_213 = vector.shape_cast %swap3A_212 : vector<16xi32> to vector<16xi32>
    %swap3A_214 = vector.shape_cast %and3A_210 : vector<16xi32> to vector<16xi32>
    tpu.vector_store %arg7[%swap3A_211], %swap3A_214 {strides = array<i32>} : memref<128xi32, #tpu.memory_space<vmem>>, vector<16xi32>,
    %shift_right_logical3A_215 = arith.constant 16 : i32
    %shift_right_logical3A_216 = vector.broadcast %shift_right_logical3A_215 : i32 to vector<16xi32>
    %shift_right_logical3A_217 = arith.shrui %get3A_207, %shift_right_logical3A_216 : vector<16xi32>
    %swap3A_218 = arith.constant 48 : index
    %swap3A_219 = tpu.vector_load %arg9[%swap3A_218] {strides = array<i32>} : memref<128xi32, #tpu.memory_space<vmem>>, vector<16xi32>,
    %swap3A_220 = vector.shape_cast %swap3A_219 : vector<16xi32> to vector<16xi32>
    %swap3A_221 = vector.shape_cast %shift_right_logical3A_217 : vector<16xi32> to vector<16xi32>
    tpu.vector_store %arg9[%swap3A_218], %swap3A_221 {strides = array<i32>} : memref<128xi32, #tpu.memory_space<vmem>>, vector<16xi32>,
    %get3A_222 = arith.constant 192 : index
    %get3A_223 = tpu.vector_load %arg5[%get3A_222] {strides = array<i32>} : memref<10240xi32, #tpu.memory_space<vmem>>, vector<16xi32>,
    %get3A_224 = vector.shape_cast %get3A_223 : vector<16xi32> to vector<16xi32>
    %and3A_225 = arith.constant 65535 : i32
    %and3A_226 = vector.broadcast %and3A_225 : i32 to vector<16xi32>
    %and3A_227 = arith.andi %get3A_224, %and3A_226 : vector<16xi32>
    %swap3A_228 = arith.constant 64 : index
    %swap3A_229 = tpu.vector_load %arg7[%swap3A_228] {strides = array<i32>} : memref<128xi32, #tpu.memory_space<vmem>>, vector<16xi32>,
    %swap3A_230 = vector.shape_cast %swap3A_229 : vector<16xi32> to vector<16xi32>
    %swap3A_231 = vector.shape_cast %and3A_227 : vector<16xi32> to vector<16xi32>
    tpu.vector_store %arg7[%swap3A_228], %swap3A_231 {strides = array<i32>} : memref<128xi32, #tpu.memory_space<vmem>>, vector<16xi32>,
    %shift_right_logical3A_232 = arith.constant 16 : i32
    %shift_right_logical3A_233 = vector.broadcast %shift_right_logical3A_232 : i32 to vector<16xi32>
    %shift_right_logical3A_234 = arith.shrui %get3A_224, %shift_right_logical3A_233 : vector<16xi32>
    %swap3A_235 = arith.constant 64 : index
    %swap3A_236 = tpu.vector_load %arg9[%swap3A_235] {strides = array<i32>} : memref<128xi32, #tpu.memory_space<vmem>>, vector<16xi32>,
    %swap3A_237 = vector.shape_cast %swap3A_236 : vector<16xi32> to vector<16xi32>
    %swap3A_238 = vector.shape_cast %shift_right_logical3A_234 : vector<16xi32> to vector<16xi32>
    tpu.vector_store %arg9[%swap3A_235], %swap3A_238 {strides = array<i32>} : memref<128xi32, #tpu.memory_space<vmem>>, vector<16xi32>,
    %get3A_239 = arith.constant 208 : index
    %get3A_240 = tpu.vector_load %arg5[%get3A_239] {strides = array<i32>} : memref<10240xi32, #tpu.memory_space<vmem>>, vector<16xi32>,
    %get3A_241 = vector.shape_cast %get3A_240 : vector<16xi32> to vector<16xi32>
    %and3A_242 = arith.constant 65535 : i32
    %and3A_243 = vector.broadcast %and3A_242 : i32 to vector<16xi32>
    %and3A_244 = arith.andi %get3A_241, %and3A_243 : vector<16xi32>
    %swap3A_245 = arith.constant 80 : index
    %swap3A_246 = tpu.vector_load %arg7[%swap3A_245] {strides = array<i32>} : memref<128xi32, #tpu.memory_space<vmem>>, vector<16xi32>,
    %swap3A_247 = vector.shape_cast %swap3A_246 : vector<16xi32> to vector<16xi32>
    %swap3A_248 = vector.shape_cast %and3A_244 : vector<16xi32> to vector<16xi32>
    tpu.vector_store %arg7[%swap3A_245], %swap3A_248 {strides = array<i32>} : memref<128xi32, #tpu.memory_space<vmem>>, vector<16xi32>,
    %shift_right_logical3A_249 = arith.constant 16 : i32
    %shift_right_logical3A_250 = vector.broadcast %shift_right_logical3A_249 : i32 to vector<16xi32>
    %shift_right_logical3A_251 = arith.shrui %get3A_241, %shift_right_logical3A_250 : vector<16xi32>
    %swap3A_252 = arith.constant 80 : index
    %swap3A_253 = tpu.vector_load %arg9[%swap3A_252] {strides = array<i32>} : memref<128xi32, #tpu.memory_space<vmem>>, vector<16xi32>,
    %swap3A_254 = vector.shape_cast %swap3A_253 : vector<16xi32> to vector<16xi32>
    %swap3A_255 = vector.shape_cast %shift_right_logical3A_251 : vector<16xi32> to vector<16xi32>
    tpu.vector_store %arg9[%swap3A_252], %swap3A_255 {strides = array<i32>} : memref<128xi32, #tpu.memory_space<vmem>>, vector<16xi32>,
    %get3A_256 = arith.constant 224 : index
    %get3A_257 = tpu.vector_load %arg5[%get3A_256] {strides = array<i32>} : memref<10240xi32, #tpu.memory_space<vmem>>, vector<16xi32>,
    %get3A_258 = vector.shape_cast %get3A_257 : vector<16xi32> to vector<16xi32>
    %and3A_259 = arith.constant 65535 : i32
    %and3A_260 = vector.broadcast %and3A_259 : i32 to vector<16xi32>
    %and3A_261 = arith.andi %get3A_258, %and3A_260 : vector<16xi32>
    %swap3A_262 = arith.constant 96 : index
    %swap3A_263 = tpu.vector_load %arg7[%swap3A_262] {strides = array<i32>} : memref<128xi32, #tpu.memory_space<vmem>>, vector<16xi32>,
    %swap3A_264 = vector.shape_cast %swap3A_263 : vector<16xi32> to vector<16xi32>
    %swap3A_265 = vector.shape_cast %and3A_261 : vector<16xi32> to vector<16xi32>
    tpu.vector_store %arg7[%swap3A_262], %swap3A_265 {strides = array<i32>} : memref<128xi32, #tpu.memory_space<vmem>>, vector<16xi32>,
    %shift_right_logical3A_266 = arith.constant 16 : i32
    %shift_right_logical3A_267 = vector.broadcast %shift_right_logical3A_266 : i32 to vector<16xi32>
    %shift_right_logical3A_268 = arith.shrui %get3A_258, %shift_right_logical3A_267 : vector<16xi32>
    %swap3A_269 = arith.constant 96 : index
    %swap3A_270 = tpu.vector_load %arg9[%swap3A_269] {strides = array<i32>} : memref<128xi32, #tpu.memory_space<vmem>>, vector<16xi32>,
    %swap3A_271 = vector.shape_cast %swap3A_270 : vector<16xi32> to vector<16xi32>
    %swap3A_272 = vector.shape_cast %shift_right_logical3A_268 : vector<16xi32> to vector<16xi32>
    tpu.vector_store %arg9[%swap3A_269], %swap3A_272 {strides = array<i32>} : memref<128xi32, #tpu.memory_space<vmem>>, vector<16xi32>,
    %get3A_273 = arith.constant 240 : index
    %get3A_274 = tpu.vector_load %arg5[%get3A_273] {strides = array<i32>} : memref<10240xi32, #tpu.memory_space<vmem>>, vector<16xi32>,
    %get3A_275 = vector.shape_cast %get3A_274 : vector<16xi32> to vector<16xi32>
    %and3A_276 = arith.constant 65535 : i32
    %and3A_277 = vector.broadcast %and3A_276 : i32 to vector<16xi32>
    %and3A_278 = arith.andi %get3A_275, %and3A_277 : vector<16xi32>
    %swap3A_279 = arith.constant 112 : index
    %swap3A_280 = tpu.vector_load %arg7[%swap3A_279] {strides = array<i32>} : memref<128xi32, #tpu.memory_space<vmem>>, vector<16xi32>,
    %swap3A_281 = vector.shape_cast %swap3A_280 : vector<16xi32> to vector<16xi32>
    %swap3A_282 = vector.shape_cast %and3A_278 : vector<16xi32> to vector<16xi32>
    tpu.vector_store %arg7[%swap3A_279], %swap3A_282 {strides = array<i32>} : memref<128xi32, #tpu.memory_space<vmem>>, vector<16xi32>,
    %shift_right_logical3A_283 = arith.constant 16 : i32
    %shift_right_logical3A_284 = vector.broadcast %shift_right_logical3A_283 : i32 to vector<16xi32>
    %shift_right_logical3A_285 = arith.shrui %get3A_275, %shift_right_logical3A_284 : vector<16xi32>
    %swap3A_286 = arith.constant 112 : index
    %swap3A_287 = tpu.vector_load %arg9[%swap3A_286] {strides = array<i32>} : memref<128xi32, #tpu.memory_space<vmem>>, vector<16xi32>,
    %swap3A_288 = vector.shape_cast %swap3A_287 : vector<16xi32> to vector<16xi32>
    %swap3A_289 = vector.shape_cast %shift_right_logical3A_285 : vector<16xi32> to vector<16xi32>
    tpu.vector_store %arg9[%swap3A_286], %swap3A_289 {strides = array<i32>} : memref<128xi32, #tpu.memory_space<vmem>>, vector<16xi32>,
    %dma_start3A_290 = arith.constant 0 : i32
    %dma_start3A_291 = arith.constant 0 : i32
    %dma_start3A_292 = tpu.memref_slice %arg2[%dma_start3A_290, %dma_start3A_291] : memref<10240x128xf32, #tpu.memory_space<hbm>> -> memref<10240x128xf32, #tpu.memory_space<hbm>>
    tpu.enqueue_indirect_dma source(%dma_start3A_292 : memref<10240x128xf32, #tpu.memory_space<hbm>>) target(%arg11 : memref<128x128xf32, #tpu.memory_space<vmem>>) offsets(%arg7 : memref<128xi32, #tpu.memory_space<vmem>>) semaphore(%arg14 : memref<!tpu.dma_semaphore, #tpu.memory_space<semaphore_mem>>)
    %scan3A_293 = arith.constant 0 : i32
    %scan3A_294 = arith.constant 0 : i32
    %scan3A_295 = arith.constant 39 : i32
    %scan3A_296 = arith.addi %scan3A_294, %scan3A_295 : i32
    %scan3A_297 = arith.constant 1 : i32
    %scan3A_298 = scf.for %scan3A_321 = %scan3A_294 to %scan3A_296 step %scan3A_297 iter_args(%scan3A_322 = %scan3A_293) -> (i32)  : i32 {
      %mul3A_323 = arith.constant 2 : i32
      %mul3A_324 = arith.muli %mul3A_323, %scan3A_321 : i32
      %mul3A_325 = arith.constant 2 : i32
      %mul3A_326 = arith.muli %mul3A_325, %scan3A_321 : i32
      %add3A_327 = arith.constant 1 : i32
      %add3A_328 = arith.addi %mul3A_326, %add3A_327 : i32
      %dma_wait3A_329 = arith.constant 0 : i32
      %dma_wait3A_330 = arith.constant 0 : i32
      %dma_wait3A_331 = tpu.memref_slice %arg2[%dma_wait3A_329, %dma_wait3A_330] : memref<10240x128xf32, #tpu.memory_space<hbm>> -> memref<10240x128xf32, #tpu.memory_space<hbm>>
      tpu.wait_indirect_dma semaphore(%arg13 : memref<!tpu.dma_semaphore, #tpu.memory_space<semaphore_mem>>) src(%dma_wait3A_331 : memref<10240x128xf32, #tpu.memory_space<hbm>>) dst(%arg10 : memref<128x128xf32, #tpu.memory_space<vmem>>)
      %dma_start3A_332 = arith.constant 0 : i32
      %dma_start3A_333 = arith.constant 0 : i32
      %dma_start3A_334 = tpu.memref_slice %arg12[%dma_start3A_332, %dma_start3A_333] : memref<10240x128xf32, #tpu.memory_space<vmem_shared>> -> memref<10240x128xf32, #tpu.memory_space<vmem_shared>>
      tpu.enqueue_indirect_dma source(%arg10 : memref<128x128xf32, #tpu.memory_space<vmem>>) target(%dma_start3A_334 : memref<10240x128xf32, #tpu.memory_space<vmem_shared>>) offsets(%arg8 : memref<128xi32, #tpu.memory_space<vmem>>) semaphore(%arg15 : memref<!tpu.dma_semaphore, #tpu.memory_space<semaphore_mem>>) {add = true}
      %dma_wait3A_335 = arith.constant 0 : i32
      %dma_wait3A_336 = arith.constant 0 : i32
      %dma_wait3A_337 = tpu.memref_slice %arg2[%dma_wait3A_335, %dma_wait3A_336] : memref<10240x128xf32, #tpu.memory_space<hbm>> -> memref<10240x128xf32, #tpu.memory_space<hbm>>
      tpu.wait_indirect_dma semaphore(%arg14 : memref<!tpu.dma_semaphore, #tpu.memory_space<semaphore_mem>>) src(%dma_wait3A_337 : memref<10240x128xf32, #tpu.memory_space<hbm>>) dst(%arg11 : memref<128x128xf32, #tpu.memory_space<vmem>>)
      %dma_start3A_338 = arith.constant 0 : i32
      %dma_start3A_339 = arith.constant 0 : i32
      %dma_start3A_340 = tpu.memref_slice %arg12[%dma_start3A_338, %dma_start3A_339] : memref<10240x128xf32, #tpu.memory_space<vmem_shared>> -> memref<10240x128xf32, #tpu.memory_space<vmem_shared>>
      tpu.enqueue_indirect_dma source(%arg11 : memref<128x128xf32, #tpu.memory_space<vmem>>) target(%dma_start3A_340 : memref<10240x128xf32, #tpu.memory_space<vmem_shared>>) offsets(%arg9 : memref<128xi32, #tpu.memory_space<vmem>>) semaphore(%arg16 : memref<!tpu.dma_semaphore, #tpu.memory_space<semaphore_mem>>) {add = true}
      %dma_wait3A_341 = arith.constant 0 : i32
      %dma_wait3A_342 = arith.constant 0 : i32
      %dma_wait3A_343 = tpu.memref_slice %arg12[%dma_wait3A_341, %dma_wait3A_342] : memref<10240x128xf32, #tpu.memory_space<vmem_shared>> -> memref<10240x128xf32, #tpu.memory_space<vmem_shared>>
      tpu.wait_indirect_dma semaphore(%arg15 : memref<!tpu.dma_semaphore, #tpu.memory_space<semaphore_mem>>) src(%arg10 : memref<128x128xf32, #tpu.memory_space<vmem>>) dst(%dma_wait3A_343 : memref<10240x128xf32, #tpu.memory_space<vmem_shared>>)
      %add3A_344 = arith.constant 2 : i32
      %add3A_345 = arith.addi %mul3A_324, %add3A_344 : i32
      %mul3A_346 = arith.constant 128 : i32
      %mul3A_347 = arith.muli %add3A_345, %mul3A_346 : i32
      %add3A_348 = arith.constant 0 : i32
      %add3A_349 = arith.addi %mul3A_347, %add3A_348 : i32
      %get3A_350 = arith.index_cast %add3A_349 : i32 to index
      %get3A_351 = tpu.vector_load %arg5[%get3A_350] {strides = array<i32>} : memref<10240xi32, #tpu.memory_space<vmem>>, vector<16xi32>,
      %get3A_352 = vector.shape_cast %get3A_351 : vector<16xi32> to vector<16xi32>
      %and3A_353 = arith.constant 65535 : i32
      %and3A_354 = vector.broadcast %and3A_353 : i32 to vector<16xi32>
      %and3A_355 = arith.andi %get3A_352, %and3A_354 : vector<16xi32>
      %swap3A_356 = arith.constant 0 : index
      %swap3A_357 = tpu.vector_load %arg6[%swap3A_356] {strides = array<i32>} : memref<128xi32, #tpu.memory_space<vmem>>, vector<16xi32>,
      %swap3A_358 = vector.shape_cast %swap3A_357 : vector<16xi32> to vector<16xi32>
      %swap3A_359 = vector.shape_cast %and3A_355 : vector<16xi32> to vector<16xi32>
      tpu.vector_store %arg6[%swap3A_356], %swap3A_359 {strides = array<i32>} : memref<128xi32, #tpu.memory_space<vmem>>, vector<16xi32>,
      %shift_right_logical3A_360 = arith.constant 16 : i32
      %shift_right_logical3A_361 = vector.broadcast %shift_right_logical3A_360 : i32 to vector<16xi32>
      %shift_right_logical3A_362 = arith.shrui %get3A_352, %shift_right_logical3A_361 : vector<16xi32>
      %swap3A_363 = arith.constant 0 : index
      %swap3A_364 = tpu.vector_load %arg8[%swap3A_363] {strides = array<i32>} : memref<128xi32, #tpu.memory_space<vmem>>, vector<16xi32>,
      %swap3A_365 = vector.shape_cast %swap3A_364 : vector<16xi32> to vector<16xi32>
      %swap3A_366 = vector.shape_cast %shift_right_logical3A_362 : vector<16xi32> to vector<16xi32>
      tpu.vector_store %arg8[%swap3A_363], %swap3A_366 {strides = array<i32>} : memref<128xi32, #tpu.memory_space<vmem>>, vector<16xi32>,
      %mul3A_367 = arith.constant 128 : i32
      %mul3A_368 = arith.muli %add3A_345, %mul3A_367 : i32
      %add3A_369 = arith.constant 16 : i32
      %add3A_370 = arith.addi %mul3A_368, %add3A_369 : i32
      %get3A_371 = arith.index_cast %add3A_370 : i32 to index
      %get3A_372 = tpu.vector_load %arg5[%get3A_371] {strides = array<i32>} : memref<10240xi32, #tpu.memory_space<vmem>>, vector<16xi32>,
      %get3A_373 = vector.shape_cast %get3A_372 : vector<16xi32> to vector<16xi32>
      %and3A_374 = arith.constant 65535 : i32
      %and3A_375 = vector.broadcast %and3A_374 : i32 to vector<16xi32>
      %and3A_376 = arith.andi %get3A_373, %and3A_375 : vector<16xi32>
      %swap3A_377 = arith.constant 16 : index
      %swap3A_378 = tpu.vector_load %arg6[%swap3A_377] {strides = array<i32>} : memref<128xi32, #tpu.memory_space<vmem>>, vector<16xi32>,
      %swap3A_379 = vector.shape_cast %swap3A_378 : vector<16xi32> to vector<16xi32>
      %swap3A_380 = vector.shape_cast %and3A_376 : vector<16xi32> to vector<16xi32>
      tpu.vector_store %arg6[%swap3A_377], %swap3A_380 {strides = array<i32>} : memref<128xi32, #tpu.memory_space<vmem>>, vector<16xi32>,
      %shift_right_logical3A_381 = arith.constant 16 : i32
      %shift_right_logical3A_382 = vector.broadcast %shift_right_logical3A_381 : i32 to vector<16xi32>
      %shift_right_logical3A_383 = arith.shrui %get3A_373, %shift_right_logical3A_382 : vector<16xi32>
      %swap3A_384 = arith.constant 16 : index
      %swap3A_385 = tpu.vector_load %arg8[%swap3A_384] {strides = array<i32>} : memref<128xi32, #tpu.memory_space<vmem>>, vector<16xi32>,
      %swap3A_386 = vector.shape_cast %swap3A_385 : vector<16xi32> to vector<16xi32>
      %swap3A_387 = vector.shape_cast %shift_right_logical3A_383 : vector<16xi32> to vector<16xi32>
      tpu.vector_store %arg8[%swap3A_384], %swap3A_387 {strides = array<i32>} : memref<128xi32, #tpu.memory_space<vmem>>, vector<16xi32>,
      %mul3A_388 = arith.constant 128 : i32
      %mul3A_389 = arith.muli %add3A_345, %mul3A_388 : i32
      %add3A_390 = arith.constant 32 : i32
      %add3A_391 = arith.addi %mul3A_389, %add3A_390 : i32
      %get3A_392 = arith.index_cast %add3A_391 : i32 to index
      %get3A_393 = tpu.vector_load %arg5[%get3A_392] {strides = array<i32>} : memref<10240xi32, #tpu.memory_space<vmem>>, vector<16xi32>,
      %get3A_394 = vector.shape_cast %get3A_393 : vector<16xi32> to vector<16xi32>
      %and3A_395 = arith.constant 65535 : i32
      %and3A_396 = vector.broadcast %and3A_395 : i32 to vector<16xi32>
      %and3A_397 = arith.andi %get3A_394, %and3A_396 : vector<16xi32>
      %swap3A_398 = arith.constant 32 : index
      %swap3A_399 = tpu.vector_load %arg6[%swap3A_398] {strides = array<i32>} : memref<128xi32, #tpu.memory_space<vmem>>, vector<16xi32>,
      %swap3A_400 = vector.shape_cast %swap3A_399 : vector<16xi32> to vector<16xi32>
      %swap3A_401 = vector.shape_cast %and3A_397 : vector<16xi32> to vector<16xi32>
      tpu.vector_store %arg6[%swap3A_398], %swap3A_401 {strides = array<i32>} : memref<128xi32, #tpu.memory_space<vmem>>, vector<16xi32>,
      %shift_right_logical3A_402 = arith.constant 16 : i32
      %shift_right_logical3A_403 = vector.broadcast %shift_right_logical3A_402 : i32 to vector<16xi32>
      %shift_right_logical3A_404 = arith.shrui %get3A_394, %shift_right_logical3A_403 : vector<16xi32>
      %swap3A_405 = arith.constant 32 : index
      %swap3A_406 = tpu.vector_load %arg8[%swap3A_405] {strides = array<i32>} : memref<128xi32, #tpu.memory_space<vmem>>, vector<16xi32>,
      %swap3A_407 = vector.shape_cast %swap3A_406 : vector<16xi32> to vector<16xi32>
      %swap3A_408 = vector.shape_cast %shift_right_logical3A_404 : vector<16xi32> to vector<16xi32>
      tpu.vector_store %arg8[%swap3A_405], %swap3A_408 {strides = array<i32>} : memref<128xi32, #tpu.memory_space<vmem>>, vector<16xi32>,
      %mul3A_409 = arith.constant 128 : i32
      %mul3A_410 = arith.muli %add3A_345, %mul3A_409 : i32
      %add3A_411 = arith.constant 48 : i32
      %add3A_412 = arith.addi %mul3A_410, %add3A_411 : i32
      %get3A_413 = arith.index_cast %add3A_412 : i32 to index
      %get3A_414 = tpu.vector_load %arg5[%get3A_413] {strides = array<i32>} : memref<10240xi32, #tpu.memory_space<vmem>>, vector<16xi32>,
      %get3A_415 = vector.shape_cast %get3A_414 : vector<16xi32> to vector<16xi32>
      %and3A_416 = arith.constant 65535 : i32
      %and3A_417 = vector.broadcast %and3A_416 : i32 to vector<16xi32>
      %and3A_418 = arith.andi %get3A_415, %and3A_417 : vector<16xi32>
      %swap3A_419 = arith.constant 48 : index
      %swap3A_420 = tpu.vector_load %arg6[%swap3A_419] {strides = array<i32>} : memref<128xi32, #tpu.memory_space<vmem>>, vector<16xi32>,
      %swap3A_421 = vector.shape_cast %swap3A_420 : vector<16xi32> to vector<16xi32>
      %swap3A_422 = vector.shape_cast %and3A_418 : vector<16xi32> to vector<16xi32>
      tpu.vector_store %arg6[%swap3A_419], %swap3A_422 {strides = array<i32>} : memref<128xi32, #tpu.memory_space<vmem>>, vector<16xi32>,
      %shift_right_logical3A_423 = arith.constant 16 : i32
      %shift_right_logical3A_424 = vector.broadcast %shift_right_logical3A_423 : i32 to vector<16xi32>
      %shift_right_logical3A_425 = arith.shrui %get3A_415, %shift_right_logical3A_424 : vector<16xi32>
      %swap3A_426 = arith.constant 48 : index
      %swap3A_427 = tpu.vector_load %arg8[%swap3A_426] {strides = array<i32>} : memref<128xi32, #tpu.memory_space<vmem>>, vector<16xi32>,
      %swap3A_428 = vector.shape_cast %swap3A_427 : vector<16xi32> to vector<16xi32>
      %swap3A_429 = vector.shape_cast %shift_right_logical3A_425 : vector<16xi32> to vector<16xi32>
      tpu.vector_store %arg8[%swap3A_426], %swap3A_429 {strides = array<i32>} : memref<128xi32, #tpu.memory_space<vmem>>, vector<16xi32>,
      %mul3A_430 = arith.constant 128 : i32
      %mul3A_431 = arith.muli %add3A_345, %mul3A_430 : i32
      %add3A_432 = arith.constant 64 : i32
      %add3A_433 = arith.addi %mul3A_431, %add3A_432 : i32
      %get3A_434 = arith.index_cast %add3A_433 : i32 to index
      %get3A_435 = tpu.vector_load %arg5[%get3A_434] {strides = array<i32>} : memref<10240xi32, #tpu.memory_space<vmem>>, vector<16xi32>,
      %get3A_436 = vector.shape_cast %get3A_435 : vector<16xi32> to vector<16xi32>
      %and3A_437 = arith.constant 65535 : i32
      %and3A_438 = vector.broadcast %and3A_437 : i32 to vector<16xi32>
      %and3A_439 = arith.andi %get3A_436, %and3A_438 : vector<16xi32>
      %swap3A_440 = arith.constant 64 : index
      %swap3A_441 = tpu.vector_load %arg6[%swap3A_440] {strides = array<i32>} : memref<128xi32, #tpu.memory_space<vmem>>, vector<16xi32>,
      %swap3A_442 = vector.shape_cast %swap3A_441 : vector<16xi32> to vector<16xi32>
      %swap3A_443 = vector.shape_cast %and3A_439 : vector<16xi32> to vector<16xi32>
      tpu.vector_store %arg6[%swap3A_440], %swap3A_443 {strides = array<i32>} : memref<128xi32, #tpu.memory_space<vmem>>, vector<16xi32>,
      %shift_right_logical3A_444 = arith.constant 16 : i32
      %shift_right_logical3A_445 = vector.broadcast %shift_right_logical3A_444 : i32 to vector<16xi32>
      %shift_right_logical3A_446 = arith.shrui %get3A_436, %shift_right_logical3A_445 : vector<16xi32>
      %swap3A_447 = arith.constant 64 : index
      %swap3A_448 = tpu.vector_load %arg8[%swap3A_447] {strides = array<i32>} : memref<128xi32, #tpu.memory_space<vmem>>, vector<16xi32>,
      %swap3A_449 = vector.shape_cast %swap3A_448 : vector<16xi32> to vector<16xi32>
      %swap3A_450 = vector.shape_cast %shift_right_logical3A_446 : vector<16xi32> to vector<16xi32>
      tpu.vector_store %arg8[%swap3A_447], %swap3A_450 {strides = array<i32>} : memref<128xi32, #tpu.memory_space<vmem>>, vector<16xi32>,
      %mul3A_451 = arith.constant 128 : i32
      %mul3A_452 = arith.muli %add3A_345, %mul3A_451 : i32
      %add3A_453 = arith.constant 80 : i32
      %add3A_454 = arith.addi %mul3A_452, %add3A_453 : i32
      %get3A_455 = arith.index_cast %add3A_454 : i32 to index
      %get3A_456 = tpu.vector_load %arg5[%get3A_455] {strides = array<i32>} : memref<10240xi32, #tpu.memory_space<vmem>>, vector<16xi32>,
      %get3A_457 = vector.shape_cast %get3A_456 : vector<16xi32> to vector<16xi32>
      %and3A_458 = arith.constant 65535 : i32
      %and3A_459 = vector.broadcast %and3A_458 : i32 to vector<16xi32>
      %and3A_460 = arith.andi %get3A_457, %and3A_459 : vector<16xi32>
      %swap3A_461 = arith.constant 80 : index
      %swap3A_462 = tpu.vector_load %arg6[%swap3A_461] {strides = array<i32>} : memref<128xi32, #tpu.memory_space<vmem>>, vector<16xi32>,
      %swap3A_463 = vector.shape_cast %swap3A_462 : vector<16xi32> to vector<16xi32>
      %swap3A_464 = vector.shape_cast %and3A_460 : vector<16xi32> to vector<16xi32>
      tpu.vector_store %arg6[%swap3A_461], %swap3A_464 {strides = array<i32>} : memref<128xi32, #tpu.memory_space<vmem>>, vector<16xi32>,
      %shift_right_logical3A_465 = arith.constant 16 : i32
      %shift_right_logical3A_466 = vector.broadcast %shift_right_logical3A_465 : i32 to vector<16xi32>
      %shift_right_logical3A_467 = arith.shrui %get3A_457, %shift_right_logical3A_466 : vector<16xi32>
      %swap3A_468 = arith.constant 80 : index
      %swap3A_469 = tpu.vector_load %arg8[%swap3A_468] {strides = array<i32>} : memref<128xi32, #tpu.memory_space<vmem>>, vector<16xi32>,
      %swap3A_470 = vector.shape_cast %swap3A_469 : vector<16xi32> to vector<16xi32>
      %swap3A_471 = vector.shape_cast %shift_right_logical3A_467 : vector<16xi32> to vector<16xi32>
      tpu.vector_store %arg8[%swap3A_468], %swap3A_471 {strides = array<i32>} : memref<128xi32, #tpu.memory_space<vmem>>, vector<16xi32>,
      %mul3A_472 = arith.constant 128 : i32
      %mul3A_473 = arith.muli %add3A_345, %mul3A_472 : i32
      %add3A_474 = arith.constant 96 : i32
      %add3A_475 = arith.addi %mul3A_473, %add3A_474 : i32
      %get3A_476 = arith.index_cast %add3A_475 : i32 to index
      %get3A_477 = tpu.vector_load %arg5[%get3A_476] {strides = array<i32>} : memref<10240xi32, #tpu.memory_space<vmem>>, vector<16xi32>,
      %get3A_478 = vector.shape_cast %get3A_477 : vector<16xi32> to vector<16xi32>
      %and3A_479 = arith.constant 65535 : i32
      %and3A_480 = vector.broadcast %and3A_479 : i32 to vector<16xi32>
      %and3A_481 = arith.andi %get3A_478, %and3A_480 : vector<16xi32>
      %swap3A_482 = arith.constant 96 : index
      %swap3A_483 = tpu.vector_load %arg6[%swap3A_482] {strides = array<i32>} : memref<128xi32, #tpu.memory_space<vmem>>, vector<16xi32>,
      %swap3A_484 = vector.shape_cast %swap3A_483 : vector<16xi32> to vector<16xi32>
      %swap3A_485 = vector.shape_cast %and3A_481 : vector<16xi32> to vector<16xi32>
      tpu.vector_store %arg6[%swap3A_482], %swap3A_485 {strides = array<i32>} : memref<128xi32, #tpu.memory_space<vmem>>, vector<16xi32>,
      %shift_right_logical3A_486 = arith.constant 16 : i32
      %shift_right_logical3A_487 = vector.broadcast %shift_right_logical3A_486 : i32 to vector<16xi32>
      %shift_right_logical3A_488 = arith.shrui %get3A_478, %shift_right_logical3A_487 : vector<16xi32>
      %swap3A_489 = arith.constant 96 : index
      %swap3A_490 = tpu.vector_load %arg8[%swap3A_489] {strides = array<i32>} : memref<128xi32, #tpu.memory_space<vmem>>, vector<16xi32>,
      %swap3A_491 = vector.shape_cast %swap3A_490 : vector<16xi32> to vector<16xi32>
      %swap3A_492 = vector.shape_cast %shift_right_logical3A_488 : vector<16xi32> to vector<16xi32>
      tpu.vector_store %arg8[%swap3A_489], %swap3A_492 {strides = array<i32>} : memref<128xi32, #tpu.memory_space<vmem>>, vector<16xi32>,
      %mul3A_493 = arith.constant 128 : i32
      %mul3A_494 = arith.muli %add3A_345, %mul3A_493 : i32
      %add3A_495 = arith.constant 112 : i32
      %add3A_496 = arith.addi %mul3A_494, %add3A_495 : i32
      %get3A_497 = arith.index_cast %add3A_496 : i32 to index
      %get3A_498 = tpu.vector_load %arg5[%get3A_497] {strides = array<i32>} : memref<10240xi32, #tpu.memory_space<vmem>>, vector<16xi32>,
      %get3A_499 = vector.shape_cast %get3A_498 : vector<16xi32> to vector<16xi32>
      %and3A_500 = arith.constant 65535 : i32
      %and3A_501 = vector.broadcast %and3A_500 : i32 to vector<16xi32>
      %and3A_502 = arith.andi %get3A_499, %and3A_501 : vector<16xi32>
      %swap3A_503 = arith.constant 112 : index
      %swap3A_504 = tpu.vector_load %arg6[%swap3A_503] {strides = array<i32>} : memref<128xi32, #tpu.memory_space<vmem>>, vector<16xi32>,
      %swap3A_505 = vector.shape_cast %swap3A_504 : vector<16xi32> to vector<16xi32>
      %swap3A_506 = vector.shape_cast %and3A_502 : vector<16xi32> to vector<16xi32>
      tpu.vector_store %arg6[%swap3A_503], %swap3A_506 {strides = array<i32>} : memref<128xi32, #tpu.memory_space<vmem>>, vector<16xi32>,
      %shift_right_logical3A_507 = arith.constant 16 : i32
      %shift_right_logical3A_508 = vector.broadcast %shift_right_logical3A_507 : i32 to vector<16xi32>
      %shift_right_logical3A_509 = arith.shrui %get3A_499, %shift_right_logical3A_508 : vector<16xi32>
      %swap3A_510 = arith.constant 112 : index
      %swap3A_511 = tpu.vector_load %arg8[%swap3A_510] {strides = array<i32>} : memref<128xi32, #tpu.memory_space<vmem>>, vector<16xi32>,
      %swap3A_512 = vector.shape_cast %swap3A_511 : vector<16xi32> to vector<16xi32>
      %swap3A_513 = vector.shape_cast %shift_right_logical3A_509 : vector<16xi32> to vector<16xi32>
      tpu.vector_store %arg8[%swap3A_510], %swap3A_513 {strides = array<i32>} : memref<128xi32, #tpu.memory_space<vmem>>, vector<16xi32>,
      %dma_start3A_514 = arith.constant 0 : i32
      %dma_start3A_515 = arith.constant 0 : i32
      %dma_start3A_516 = tpu.memref_slice %arg2[%dma_start3A_514, %dma_start3A_515] : memref<10240x128xf32, #tpu.memory_space<hbm>> -> memref<10240x128xf32, #tpu.memory_space<hbm>>
      tpu.enqueue_indirect_dma source(%dma_start3A_516 : memref<10240x128xf32, #tpu.memory_space<hbm>>) target(%arg10 : memref<128x128xf32, #tpu.memory_space<vmem>>) offsets(%arg6 : memref<128xi32, #tpu.memory_space<vmem>>) semaphore(%arg13 : memref<!tpu.dma_semaphore, #tpu.memory_space<semaphore_mem>>)
      %dma_wait3A_517 = arith.constant 0 : i32
      %dma_wait3A_518 = arith.constant 0 : i32
      %dma_wait3A_519 = tpu.memref_slice %arg12[%dma_wait3A_517, %dma_wait3A_518] : memref<10240x128xf32, #tpu.memory_space<vmem_shared>> -> memref<10240x128xf32, #tpu.memory_space<vmem_shared>>
      tpu.wait_indirect_dma semaphore(%arg16 : memref<!tpu.dma_semaphore, #tpu.memory_space<semaphore_mem>>) src(%arg11 : memref<128x128xf32, #tpu.memory_space<vmem>>) dst(%dma_wait3A_519 : memref<10240x128xf32, #tpu.memory_space<vmem_shared>>)
      %add3A_520 = arith.constant 2 : i32
      %add3A_521 = arith.addi %add3A_328, %add3A_520 : i32
      %mul3A_522 = arith.constant 128 : i32
      %mul3A_523 = arith.muli %add3A_521, %mul3A_522 : i32
      %add3A_524 = arith.constant 0 : i32
      %add3A_525 = arith.addi %mul3A_523, %add3A_524 : i32
      %get3A_526 = arith.index_cast %add3A_525 : i32 to index
      %get3A_527 = tpu.vector_load %arg5[%get3A_526] {strides = array<i32>} : memref<10240xi32, #tpu.memory_space<vmem>>, vector<16xi32>,
      %get3A_528 = vector.shape_cast %get3A_527 : vector<16xi32> to vector<16xi32>
      %and3A_529 = arith.constant 65535 : i32
      %and3A_530 = vector.broadcast %and3A_529 : i32 to vector<16xi32>
      %and3A_531 = arith.andi %get3A_528, %and3A_530 : vector<16xi32>
      %swap3A_532 = arith.constant 0 : index
      %swap3A_533 = tpu.vector_load %arg7[%swap3A_532] {strides = array<i32>} : memref<128xi32, #tpu.memory_space<vmem>>, vector<16xi32>,
      %swap3A_534 = vector.shape_cast %swap3A_533 : vector<16xi32> to vector<16xi32>
      %swap3A_535 = vector.shape_cast %and3A_531 : vector<16xi32> to vector<16xi32>
      tpu.vector_store %arg7[%swap3A_532], %swap3A_535 {strides = array<i32>} : memref<128xi32, #tpu.memory_space<vmem>>, vector<16xi32>,
      %shift_right_logical3A_536 = arith.constant 16 : i32
      %shift_right_logical3A_537 = vector.broadcast %shift_right_logical3A_536 : i32 to vector<16xi32>
      %shift_right_logical3A_538 = arith.shrui %get3A_528, %shift_right_logical3A_537 : vector<16xi32>
      %swap3A_539 = arith.constant 0 : index
      %swap3A_540 = tpu.vector_load %arg9[%swap3A_539] {strides = array<i32>} : memref<128xi32, #tpu.memory_space<vmem>>, vector<16xi32>,
      %swap3A_541 = vector.shape_cast %swap3A_540 : vector<16xi32> to vector<16xi32>
      %swap3A_542 = vector.shape_cast %shift_right_logical3A_538 : vector<16xi32> to vector<16xi32>
      tpu.vector_store %arg9[%swap3A_539], %swap3A_542 {strides = array<i32>} : memref<128xi32, #tpu.memory_space<vmem>>, vector<16xi32>,
      %mul3A_543 = arith.constant 128 : i32
      %mul3A_544 = arith.muli %add3A_521, %mul3A_543 : i32
      %add3A_545 = arith.constant 16 : i32
      %add3A_546 = arith.addi %mul3A_544, %add3A_545 : i32
      %get3A_547 = arith.index_cast %add3A_546 : i32 to index
      %get3A_548 = tpu.vector_load %arg5[%get3A_547] {strides = array<i32>} : memref<10240xi32, #tpu.memory_space<vmem>>, vector<16xi32>,
      %get3A_549 = vector.shape_cast %get3A_548 : vector<16xi32> to vector<16xi32>
      %and3A_550 = arith.constant 65535 : i32
      %and3A_551 = vector.broadcast %and3A_550 : i32 to vector<16xi32>
      %and3A_552 = arith.andi %get3A_549, %and3A_551 : vector<16xi32>
      %swap3A_553 = arith.constant 16 : index
      %swap3A_554 = tpu.vector_load %arg7[%swap3A_553] {strides = array<i32>} : memref<128xi32, #tpu.memory_space<vmem>>, vector<16xi32>,
      %swap3A_555 = vector.shape_cast %swap3A_554 : vector<16xi32> to vector<16xi32>
      %swap3A_556 = vector.shape_cast %and3A_552 : vector<16xi32> to vector<16xi32>
      tpu.vector_store %arg7[%swap3A_553], %swap3A_556 {strides = array<i32>} : memref<128xi32, #tpu.memory_space<vmem>>, vector<16xi32>,
      %shift_right_logical3A_557 = arith.constant 16 : i32
      %shift_right_logical3A_558 = vector.broadcast %shift_right_logical3A_557 : i32 to vector<16xi32>
      %shift_right_logical3A_559 = arith.shrui %get3A_549, %shift_right_logical3A_558 : vector<16xi32>
      %swap3A_560 = arith.constant 16 : index
      %swap3A_561 = tpu.vector_load %arg9[%swap3A_560] {strides = array<i32>} : memref<128xi32, #tpu.memory_space<vmem>>, vector<16xi32>,
      %swap3A_562 = vector.shape_cast %swap3A_561 : vector<16xi32> to vector<16xi32>
      %swap3A_563 = vector.shape_cast %shift_right_logical3A_559 : vector<16xi32> to vector<16xi32>
      tpu.vector_store %arg9[%swap3A_560], %swap3A_563 {strides = array<i32>} : memref<128xi32, #tpu.memory_space<vmem>>, vector<16xi32>,
      %mul3A_564 = arith.constant 128 : i32
      %mul3A_565 = arith.muli %add3A_521, %mul3A_564 : i32
      %add3A_566 = arith.constant 32 : i32
      %add3A_567 = arith.addi %mul3A_565, %add3A_566 : i32
      %get3A_568 = arith.index_cast %add3A_567 : i32 to index
      %get3A_569 = tpu.vector_load %arg5[%get3A_568] {strides = array<i32>} : memref<10240xi32, #tpu.memory_space<vmem>>, vector<16xi32>,
      %get3A_570 = vector.shape_cast %get3A_569 : vector<16xi32> to vector<16xi32>
      %and3A_571 = arith.constant 65535 : i32
      %and3A_572 = vector.broadcast %and3A_571 : i32 to vector<16xi32>
      %and3A_573 = arith.andi %get3A_570, %and3A_572 : vector<16xi32>
      %swap3A_574 = arith.constant 32 : index
      %swap3A_575 = tpu.vector_load %arg7[%swap3A_574] {strides = array<i32>} : memref<128xi32, #tpu.memory_space<vmem>>, vector<16xi32>,
      %swap3A_576 = vector.shape_cast %swap3A_575 : vector<16xi32> to vector<16xi32>
      %swap3A_577 = vector.shape_cast %and3A_573 : vector<16xi32> to vector<16xi32>
      tpu.vector_store %arg7[%swap3A_574], %swap3A_577 {strides = array<i32>} : memref<128xi32, #tpu.memory_space<vmem>>, vector<16xi32>,
      %shift_right_logical3A_578 = arith.constant 16 : i32
      %shift_right_logical3A_579 = vector.broadcast %shift_right_logical3A_578 : i32 to vector<16xi32>
      %shift_right_logical3A_580 = arith.shrui %get3A_570, %shift_right_logical3A_579 : vector<16xi32>
      %swap3A_581 = arith.constant 32 : index
      %swap3A_582 = tpu.vector_load %arg9[%swap3A_581] {strides = array<i32>} : memref<128xi32, #tpu.memory_space<vmem>>, vector<16xi32>,
      %swap3A_583 = vector.shape_cast %swap3A_582 : vector<16xi32> to vector<16xi32>
      %swap3A_584 = vector.shape_cast %shift_right_logical3A_580 : vector<16xi32> to vector<16xi32>
      tpu.vector_store %arg9[%swap3A_581], %swap3A_584 {strides = array<i32>} : memref<128xi32, #tpu.memory_space<vmem>>, vector<16xi32>,
      %mul3A_585 = arith.constant 128 : i32
      %mul3A_586 = arith.muli %add3A_521, %mul3A_585 : i32
      %add3A_587 = arith.constant 48 : i32
      %add3A_588 = arith.addi %mul3A_586, %add3A_587 : i32
      %get3A_589 = arith.index_cast %add3A_588 : i32 to index
      %get3A_590 = tpu.vector_load %arg5[%get3A_589] {strides = array<i32>} : memref<10240xi32, #tpu.memory_space<vmem>>, vector<16xi32>,
      %get3A_591 = vector.shape_cast %get3A_590 : vector<16xi32> to vector<16xi32>
      %and3A_592 = arith.constant 65535 : i32
      %and3A_593 = vector.broadcast %and3A_592 : i32 to vector<16xi32>
      %and3A_594 = arith.andi %get3A_591, %and3A_593 : vector<16xi32>
      %swap3A_595 = arith.constant 48 : index
      %swap3A_596 = tpu.vector_load %arg7[%swap3A_595] {strides = array<i32>} : memref<128xi32, #tpu.memory_space<vmem>>, vector<16xi32>,
      %swap3A_597 = vector.shape_cast %swap3A_596 : vector<16xi32> to vector<16xi32>
      %swap3A_598 = vector.shape_cast %and3A_594 : vector<16xi32> to vector<16xi32>
      tpu.vector_store %arg7[%swap3A_595], %swap3A_598 {strides = array<i32>} : memref<128xi32, #tpu.memory_space<vmem>>, vector<16xi32>,
      %shift_right_logical3A_599 = arith.constant 16 : i32
      %shift_right_logical3A_600 = vector.broadcast %shift_right_logical3A_599 : i32 to vector<16xi32>
      %shift_right_logical3A_601 = arith.shrui %get3A_591, %shift_right_logical3A_600 : vector<16xi32>
      %swap3A_602 = arith.constant 48 : index
      %swap3A_603 = tpu.vector_load %arg9[%swap3A_602] {strides = array<i32>} : memref<128xi32, #tpu.memory_space<vmem>>, vector<16xi32>,
      %swap3A_604 = vector.shape_cast %swap3A_603 : vector<16xi32> to vector<16xi32>
      %swap3A_605 = vector.shape_cast %shift_right_logical3A_601 : vector<16xi32> to vector<16xi32>
      tpu.vector_store %arg9[%swap3A_602], %swap3A_605 {strides = array<i32>} : memref<128xi32, #tpu.memory_space<vmem>>, vector<16xi32>,
      %mul3A_606 = arith.constant 128 : i32
      %mul3A_607 = arith.muli %add3A_521, %mul3A_606 : i32
      %add3A_608 = arith.constant 64 : i32
      %add3A_609 = arith.addi %mul3A_607, %add3A_608 : i32
      %get3A_610 = arith.index_cast %add3A_609 : i32 to index
      %get3A_611 = tpu.vector_load %arg5[%get3A_610] {strides = array<i32>} : memref<10240xi32, #tpu.memory_space<vmem>>, vector<16xi32>,
      %get3A_612 = vector.shape_cast %get3A_611 : vector<16xi32> to vector<16xi32>
      %and3A_613 = arith.constant 65535 : i32
      %and3A_614 = vector.broadcast %and3A_613 : i32 to vector<16xi32>
      %and3A_615 = arith.andi %get3A_612, %and3A_614 : vector<16xi32>
      %swap3A_616 = arith.constant 64 : index
      %swap3A_617 = tpu.vector_load %arg7[%swap3A_616] {strides = array<i32>} : memref<128xi32, #tpu.memory_space<vmem>>, vector<16xi32>,
      %swap3A_618 = vector.shape_cast %swap3A_617 : vector<16xi32> to vector<16xi32>
      %swap3A_619 = vector.shape_cast %and3A_615 : vector<16xi32> to vector<16xi32>
      tpu.vector_store %arg7[%swap3A_616], %swap3A_619 {strides = array<i32>} : memref<128xi32, #tpu.memory_space<vmem>>, vector<16xi32>,
      %shift_right_logical3A_620 = arith.constant 16 : i32
      %shift_right_logical3A_621 = vector.broadcast %shift_right_logical3A_620 : i32 to vector<16xi32>
      %shift_right_logical3A_622 = arith.shrui %get3A_612, %shift_right_logical3A_621 : vector<16xi32>
      %swap3A_623 = arith.constant 64 : index
      %swap3A_624 = tpu.vector_load %arg9[%swap3A_623] {strides = array<i32>} : memref<128xi32, #tpu.memory_space<vmem>>, vector<16xi32>,
      %swap3A_625 = vector.shape_cast %swap3A_624 : vector<16xi32> to vector<16xi32>
      %swap3A_626 = vector.shape_cast %shift_right_logical3A_622 : vector<16xi32> to vector<16xi32>
      tpu.vector_store %arg9[%swap3A_623], %swap3A_626 {strides = array<i32>} : memref<128xi32, #tpu.memory_space<vmem>>, vector<16xi32>,
      %mul3A_627 = arith.constant 128 : i32
      %mul3A_628 = arith.muli %add3A_521, %mul3A_627 : i32
      %add3A_629 = arith.constant 80 : i32
      %add3A_630 = arith.addi %mul3A_628, %add3A_629 : i32
      %get3A_631 = arith.index_cast %add3A_630 : i32 to index
      %get3A_632 = tpu.vector_load %arg5[%get3A_631] {strides = array<i32>} : memref<10240xi32, #tpu.memory_space<vmem>>, vector<16xi32>,
      %get3A_633 = vector.shape_cast %get3A_632 : vector<16xi32> to vector<16xi32>
      %and3A_634 = arith.constant 65535 : i32
      %and3A_635 = vector.broadcast %and3A_634 : i32 to vector<16xi32>
      %and3A_636 = arith.andi %get3A_633, %and3A_635 : vector<16xi32>
      %swap3A_637 = arith.constant 80 : index
      %swap3A_638 = tpu.vector_load %arg7[%swap3A_637] {strides = array<i32>} : memref<128xi32, #tpu.memory_space<vmem>>, vector<16xi32>,
      %swap3A_639 = vector.shape_cast %swap3A_638 : vector<16xi32> to vector<16xi32>
      %swap3A_640 = vector.shape_cast %and3A_636 : vector<16xi32> to vector<16xi32>
      tpu.vector_store %arg7[%swap3A_637], %swap3A_640 {strides = array<i32>} : memref<128xi32, #tpu.memory_space<vmem>>, vector<16xi32>,
      %shift_right_logical3A_641 = arith.constant 16 : i32
      %shift_right_logical3A_642 = vector.broadcast %shift_right_logical3A_641 : i32 to vector<16xi32>
      %shift_right_logical3A_643 = arith.shrui %get3A_633, %shift_right_logical3A_642 : vector<16xi32>
      %swap3A_644 = arith.constant 80 : index
      %swap3A_645 = tpu.vector_load %arg9[%swap3A_644] {strides = array<i32>} : memref<128xi32, #tpu.memory_space<vmem>>, vector<16xi32>,
      %swap3A_646 = vector.shape_cast %swap3A_645 : vector<16xi32> to vector<16xi32>
      %swap3A_647 = vector.shape_cast %shift_right_logical3A_643 : vector<16xi32> to vector<16xi32>
      tpu.vector_store %arg9[%swap3A_644], %swap3A_647 {strides = array<i32>} : memref<128xi32, #tpu.memory_space<vmem>>, vector<16xi32>,
      %mul3A_648 = arith.constant 128 : i32
      %mul3A_649 = arith.muli %add3A_521, %mul3A_648 : i32
      %add3A_650 = arith.constant 96 : i32
      %add3A_651 = arith.addi %mul3A_649, %add3A_650 : i32
      %get3A_652 = arith.index_cast %add3A_651 : i32 to index
      %get3A_653 = tpu.vector_load %arg5[%get3A_652] {strides = array<i32>} : memref<10240xi32, #tpu.memory_space<vmem>>, vector<16xi32>,
      %get3A_654 = vector.shape_cast %get3A_653 : vector<16xi32> to vector<16xi32>
      %and3A_655 = arith.constant 65535 : i32
      %and3A_656 = vector.broadcast %and3A_655 : i32 to vector<16xi32>
      %and3A_657 = arith.andi %get3A_654, %and3A_656 : vector<16xi32>
      %swap3A_658 = arith.constant 96 : index
      %swap3A_659 = tpu.vector_load %arg7[%swap3A_658] {strides = array<i32>} : memref<128xi32, #tpu.memory_space<vmem>>, vector<16xi32>,
      %swap3A_660 = vector.shape_cast %swap3A_659 : vector<16xi32> to vector<16xi32>
      %swap3A_661 = vector.shape_cast %and3A_657 : vector<16xi32> to vector<16xi32>
      tpu.vector_store %arg7[%swap3A_658], %swap3A_661 {strides = array<i32>} : memref<128xi32, #tpu.memory_space<vmem>>, vector<16xi32>,
      %shift_right_logical3A_662 = arith.constant 16 : i32
      %shift_right_logical3A_663 = vector.broadcast %shift_right_logical3A_662 : i32 to vector<16xi32>
      %shift_right_logical3A_664 = arith.shrui %get3A_654, %shift_right_logical3A_663 : vector<16xi32>
      %swap3A_665 = arith.constant 96 : index
      %swap3A_666 = tpu.vector_load %arg9[%swap3A_665] {strides = array<i32>} : memref<128xi32, #tpu.memory_space<vmem>>, vector<16xi32>,
      %swap3A_667 = vector.shape_cast %swap3A_666 : vector<16xi32> to vector<16xi32>
      %swap3A_668 = vector.shape_cast %shift_right_logical3A_664 : vector<16xi32> to vector<16xi32>
      tpu.vector_store %arg9[%swap3A_665], %swap3A_668 {strides = array<i32>} : memref<128xi32, #tpu.memory_space<vmem>>, vector<16xi32>,
      %mul3A_669 = arith.constant 128 : i32
      %mul3A_670 = arith.muli %add3A_521, %mul3A_669 : i32
      %add3A_671 = arith.constant 112 : i32
      %add3A_672 = arith.addi %mul3A_670, %add3A_671 : i32
      %get3A_673 = arith.index_cast %add3A_672 : i32 to index
      %get3A_674 = tpu.vector_load %arg5[%get3A_673] {strides = array<i32>} : memref<10240xi32, #tpu.memory_space<vmem>>, vector<16xi32>,
      %get3A_675 = vector.shape_cast %get3A_674 : vector<16xi32> to vector<16xi32>
      %and3A_676 = arith.constant 65535 : i32
      %and3A_677 = vector.broadcast %and3A_676 : i32 to vector<16xi32>
      %and3A_678 = arith.andi %get3A_675, %and3A_677 : vector<16xi32>
      %swap3A_679 = arith.constant 112 : index
      %swap3A_680 = tpu.vector_load %arg7[%swap3A_679] {strides = array<i32>} : memref<128xi32, #tpu.memory_space<vmem>>, vector<16xi32>,
      %swap3A_681 = vector.shape_cast %swap3A_680 : vector<16xi32> to vector<16xi32>
      %swap3A_682 = vector.shape_cast %and3A_678 : vector<16xi32> to vector<16xi32>
      tpu.vector_store %arg7[%swap3A_679], %swap3A_682 {strides = array<i32>} : memref<128xi32, #tpu.memory_space<vmem>>, vector<16xi32>,
      %shift_right_logical3A_683 = arith.constant 16 : i32
      %shift_right_logical3A_684 = vector.broadcast %shift_right_logical3A_683 : i32 to vector<16xi32>
      %shift_right_logical3A_685 = arith.shrui %get3A_675, %shift_right_logical3A_684 : vector<16xi32>
      %swap3A_686 = arith.constant 112 : index
      %swap3A_687 = tpu.vector_load %arg9[%swap3A_686] {strides = array<i32>} : memref<128xi32, #tpu.memory_space<vmem>>, vector<16xi32>,
      %swap3A_688 = vector.shape_cast %swap3A_687 : vector<16xi32> to vector<16xi32>
      %swap3A_689 = vector.shape_cast %shift_right_logical3A_685 : vector<16xi32> to vector<16xi32>
      tpu.vector_store %arg9[%swap3A_686], %swap3A_689 {strides = array<i32>} : memref<128xi32, #tpu.memory_space<vmem>>, vector<16xi32>,
      %dma_start3A_690 = arith.constant 0 : i32
      %dma_start3A_691 = arith.constant 0 : i32
      %dma_start3A_692 = tpu.memref_slice %arg2[%dma_start3A_690, %dma_start3A_691] : memref<10240x128xf32, #tpu.memory_space<hbm>> -> memref<10240x128xf32, #tpu.memory_space<hbm>>
      tpu.enqueue_indirect_dma source(%dma_start3A_692 : memref<10240x128xf32, #tpu.memory_space<hbm>>) target(%arg11 : memref<128x128xf32, #tpu.memory_space<vmem>>) offsets(%arg7 : memref<128xi32, #tpu.memory_space<vmem>>) semaphore(%arg14 : memref<!tpu.dma_semaphore, #tpu.memory_space<semaphore_mem>>)
      %scan3A_693 = arith.constant 0 : i32
      scf.yield %scan3A_693 : i32
    }
    %scan3A_299 = arith.constant 39 : i32
    %dma_wait3A = arith.constant 0 : i32
    %dma_wait3A_300 = arith.constant 0 : i32
    %dma_wait3A_301 = tpu.memref_slice %arg2[%dma_wait3A, %dma_wait3A_300] : memref<10240x128xf32, #tpu.memory_space<hbm>> -> memref<10240x128xf32, #tpu.memory_space<hbm>>
    tpu.wait_indirect_dma semaphore(%arg13 : memref<!tpu.dma_semaphore, #tpu.memory_space<semaphore_mem>>) src(%dma_wait3A_301 : memref<10240x128xf32, #tpu.memory_space<hbm>>) dst(%arg10 : memref<128x128xf32, #tpu.memory_space<vmem>>)
    %dma_start3A_302 = arith.constant 0 : i32
    %dma_start3A_303 = arith.constant 0 : i32
    %dma_start3A_304 = tpu.memref_slice %arg12[%dma_start3A_302, %dma_start3A_303] : memref<10240x128xf32, #tpu.memory_space<vmem_shared>> -> memref<10240x128xf32, #tpu.memory_space<vmem_shared>>
    tpu.enqueue_indirect_dma source(%arg10 : memref<128x128xf32, #tpu.memory_space<vmem>>) target(%dma_start3A_304 : memref<10240x128xf32, #tpu.memory_space<vmem_shared>>) offsets(%arg8 : memref<128xi32, #tpu.memory_space<vmem>>) semaphore(%arg15 : memref<!tpu.dma_semaphore, #tpu.memory_space<semaphore_mem>>) {add = true}
    %dma_wait3A_305 = arith.constant 0 : i32
    %dma_wait3A_306 = arith.constant 0 : i32
    %dma_wait3A_307 = tpu.memref_slice %arg2[%dma_wait3A_305, %dma_wait3A_306] : memref<10240x128xf32, #tpu.memory_space<hbm>> -> memref<10240x128xf32, #tpu.memory_space<hbm>>
    tpu.wait_indirect_dma semaphore(%arg14 : memref<!tpu.dma_semaphore, #tpu.memory_space<semaphore_mem>>) src(%dma_wait3A_307 : memref<10240x128xf32, #tpu.memory_space<hbm>>) dst(%arg11 : memref<128x128xf32, #tpu.memory_space<vmem>>)
    %dma_start3A_308 = arith.constant 0 : i32
    %dma_start3A_309 = arith.constant 0 : i32
    %dma_start3A_310 = tpu.memref_slice %arg12[%dma_start3A_308, %dma_start3A_309] : memref<10240x128xf32, #tpu.memory_space<vmem_shared>> -> memref<10240x128xf32, #tpu.memory_space<vmem_shared>>
    tpu.enqueue_indirect_dma source(%arg11 : memref<128x128xf32, #tpu.memory_space<vmem>>) target(%dma_start3A_310 : memref<10240x128xf32, #tpu.memory_space<vmem_shared>>) offsets(%arg9 : memref<128xi32, #tpu.memory_space<vmem>>) semaphore(%arg16 : memref<!tpu.dma_semaphore, #tpu.memory_space<semaphore_mem>>) {add = true}
    %dma_wait3A_311 = arith.constant 0 : i32
    %dma_wait3A_312 = arith.constant 0 : i32
    %dma_wait3A_313 = tpu.memref_slice %arg12[%dma_wait3A_311, %dma_wait3A_312] : memref<10240x128xf32, #tpu.memory_space<vmem_shared>> -> memref<10240x128xf32, #tpu.memory_space<vmem_shared>>
    tpu.wait_indirect_dma semaphore(%arg15 : memref<!tpu.dma_semaphore, #tpu.memory_space<semaphore_mem>>) src(%arg10 : memref<128x128xf32, #tpu.memory_space<vmem>>) dst(%dma_wait3A_313 : memref<10240x128xf32, #tpu.memory_space<vmem_shared>>)
    %dma_wait3A_314 = arith.constant 0 : i32
    %dma_wait3A_315 = arith.constant 0 : i32
    %dma_wait3A_316 = tpu.memref_slice %arg12[%dma_wait3A_314, %dma_wait3A_315] : memref<10240x128xf32, #tpu.memory_space<vmem_shared>> -> memref<10240x128xf32, #tpu.memory_space<vmem_shared>>
    tpu.wait_indirect_dma semaphore(%arg16 : memref<!tpu.dma_semaphore, #tpu.memory_space<semaphore_mem>>) src(%arg11 : memref<128x128xf32, #tpu.memory_space<vmem>>) dst(%dma_wait3A_316 : memref<10240x128xf32, #tpu.memory_space<vmem_shared>>)
    %barrier3A_317 = arith.constant 0 : index
    tpu.barrier barrier_id(%barrier3A_317)
    %mul3A_318 = arith.constant 10240 : i32
    %mul3A_319 = arith.muli %arg0, %mul3A_318 : i32
    %add3A_320 = arith.addi %mul3A_319, %mul3A_10 : i32
    "tpu.region"() ({
      %run_scoped3A = tpu.sem_alloc : memref<!tpu.dma_semaphore, #tpu.memory_space<semaphore_mem>>
      %dma_start3A_321 = arith.constant 0 : i32
      %dma_start3A_322 = tpu.memref_slice %arg4[%add3A_320, %dma_start3A_321] : memref<20480x128xf32, #tpu.memory_space<hbm>> -> memref<640x128xf32, #tpu.memory_space<hbm>>
      %dma_start3A_323 = arith.constant 0 : i32
      %dma_start3A_324 = tpu.memref_slice %arg12[%mul3A_10, %dma_start3A_323] : memref<10240x128xf32, #tpu.memory_space<vmem_shared>> -> memref<640x128xf32, #tpu.memory_space<vmem_shared>>
      tpu.enqueue_dma source(%dma_start3A_324 : memref<640x128xf32, #tpu.memory_space<vmem_shared>>) target(%dma_start3A_322 : memref<640x128xf32, #tpu.memory_space<hbm>>) target_semaphore(%run_scoped3A : memref<!tpu.dma_semaphore, #tpu.memory_space<semaphore_mem>>)
      %dma_wait3A_325 = arith.constant 0 : i32
      %dma_wait3A_326 = tpu.memref_slice %arg4[%add3A_320, %dma_wait3A_325] : memref<20480x128xf32, #tpu.memory_space<hbm>> -> memref<640x128xf32, #tpu.memory_space<hbm>>
      %dma_wait3A_327 = arith.constant 0 : i32
      %dma_wait3A_328 = tpu.memref_slice %arg12[%mul3A_10, %dma_wait3A_327] : memref<10240x128xf32, #tpu.memory_space<vmem_shared>> -> memref<640x128xf32, #tpu.memory_space<vmem_shared>>
      tpu.wait_dma2 semaphore(%run_scoped3A : memref<!tpu.dma_semaphore, #tpu.memory_space<semaphore_mem>>) src(%dma_wait3A_328 : memref<640x128xf32, #tpu.memory_space<vmem_shared>>) dst(%dma_wait3A_326 : memref<640x128xf32, #tpu.memory_space<hbm>>)
      tpu.yield
    }) : () -> ()
    return
  }
}

#map = affine_map<(d0, d1) -> (0, 0)>
module attributes {stable_mosaic.version = 14 : i64} {
  func.func @_sc_degree(%arg0: i32, %arg1: i32, %arg2: memref<2560x128xi32, #tpu.memory_space<hbm>>, %arg3: memref<160x128xf32, #tpu.memory_space<hbm>>, %arg4: memref<80x128xi32, #tpu.memory_space<vmem>>, %arg5: memref<80x128xf32, #tpu.memory_space<vmem>>, %arg6: memref<80xi32, #tpu.memory_space<vmem>>, %arg7: memref<8x128xf32, #tpu.memory_space<vmem>>, %arg8: memref<80x128xf32, #tpu.memory_space<vmem_shared>>) attributes {dimension_semantics = [#tpu.dimension_semantics<core_parallel>, #tpu.dimension_semantics<subcore_parallel>], iteration_bounds = array<i64: 2, 16>, scalar_prefetch = 0 : i64, scratch_operands = 5 : i64, tpu.core_type = #tpu.core_type<sc_vector_subcore>, window_params = [{transform_indices = #map}, {transform_indices = #map}]} {
    %mul3A = arith.constant 16 : i32
    %mul3A_0 = arith.muli %arg0, %mul3A : i32
    %add3A = arith.addi %mul3A_0, %arg1 : i32
    %scan3A = arith.constant 0 : i32
    %scan3A_1 = arith.constant 0 : i32
    %scan3A_2 = arith.constant 8 : i32
    %scan3A_3 = arith.addi %scan3A_1, %scan3A_2 : i32
    %scan3A_4 = arith.constant 1 : i32
    %scan3A_5 = scf.for %scan3A_39 = %scan3A_1 to %scan3A_3 step %scan3A_4 iter_args(%scan3A_40 = %scan3A) -> (i32)  : i32 {
      %broadcast_in_dim3A_41 = arith.constant 0.000000e+00 : f32
      %broadcast_in_dim3A_42 = vector.broadcast %broadcast_in_dim3A_41 : f32 to vector<16xf32>
      %swap3A = arith.index_cast %scan3A_39 : i32 to index
      %swap3A_43 = arith.constant 0 : index
      %swap3A_44 = tpu.vector_load %arg7[%swap3A, %swap3A_43] {strides = array<i32>} : memref<8x128xf32, #tpu.memory_space<vmem>>, vector<16xf32>,
      tpu.vector_store %arg7[%swap3A, %swap3A_43], %broadcast_in_dim3A_42 {strides = array<i32>} : memref<8x128xf32, #tpu.memory_space<vmem>>, vector<16xf32>,
      %broadcast_in_dim3A_45 = arith.constant 0.000000e+00 : f32
      %broadcast_in_dim3A_46 = vector.broadcast %broadcast_in_dim3A_45 : f32 to vector<16xf32>
      %swap3A_47 = arith.index_cast %scan3A_39 : i32 to index
      %swap3A_48 = arith.constant 16 : index
      %swap3A_49 = tpu.vector_load %arg7[%swap3A_47, %swap3A_48] {strides = array<i32>} : memref<8x128xf32, #tpu.memory_space<vmem>>, vector<16xf32>,
      tpu.vector_store %arg7[%swap3A_47, %swap3A_48], %broadcast_in_dim3A_46 {strides = array<i32>} : memref<8x128xf32, #tpu.memory_space<vmem>>, vector<16xf32>,
      %broadcast_in_dim3A_50 = arith.constant 0.000000e+00 : f32
      %broadcast_in_dim3A_51 = vector.broadcast %broadcast_in_dim3A_50 : f32 to vector<16xf32>
      %swap3A_52 = arith.index_cast %scan3A_39 : i32 to index
      %swap3A_53 = arith.constant 32 : index
      %swap3A_54 = tpu.vector_load %arg7[%swap3A_52, %swap3A_53] {strides = array<i32>} : memref<8x128xf32, #tpu.memory_space<vmem>>, vector<16xf32>,
      tpu.vector_store %arg7[%swap3A_52, %swap3A_53], %broadcast_in_dim3A_51 {strides = array<i32>} : memref<8x128xf32, #tpu.memory_space<vmem>>, vector<16xf32>,
      %broadcast_in_dim3A_55 = arith.constant 0.000000e+00 : f32
      %broadcast_in_dim3A_56 = vector.broadcast %broadcast_in_dim3A_55 : f32 to vector<16xf32>
      %swap3A_57 = arith.index_cast %scan3A_39 : i32 to index
      %swap3A_58 = arith.constant 48 : index
      %swap3A_59 = tpu.vector_load %arg7[%swap3A_57, %swap3A_58] {strides = array<i32>} : memref<8x128xf32, #tpu.memory_space<vmem>>, vector<16xf32>,
      tpu.vector_store %arg7[%swap3A_57, %swap3A_58], %broadcast_in_dim3A_56 {strides = array<i32>} : memref<8x128xf32, #tpu.memory_space<vmem>>, vector<16xf32>,
      %broadcast_in_dim3A_60 = arith.constant 0.000000e+00 : f32
      %broadcast_in_dim3A_61 = vector.broadcast %broadcast_in_dim3A_60 : f32 to vector<16xf32>
      %swap3A_62 = arith.index_cast %scan3A_39 : i32 to index
      %swap3A_63 = arith.constant 64 : index
      %swap3A_64 = tpu.vector_load %arg7[%swap3A_62, %swap3A_63] {strides = array<i32>} : memref<8x128xf32, #tpu.memory_space<vmem>>, vector<16xf32>,
      tpu.vector_store %arg7[%swap3A_62, %swap3A_63], %broadcast_in_dim3A_61 {strides = array<i32>} : memref<8x128xf32, #tpu.memory_space<vmem>>, vector<16xf32>,
      %broadcast_in_dim3A_65 = arith.constant 0.000000e+00 : f32
      %broadcast_in_dim3A_66 = vector.broadcast %broadcast_in_dim3A_65 : f32 to vector<16xf32>
      %swap3A_67 = arith.index_cast %scan3A_39 : i32 to index
      %swap3A_68 = arith.constant 80 : index
      %swap3A_69 = tpu.vector_load %arg7[%swap3A_67, %swap3A_68] {strides = array<i32>} : memref<8x128xf32, #tpu.memory_space<vmem>>, vector<16xf32>,
      tpu.vector_store %arg7[%swap3A_67, %swap3A_68], %broadcast_in_dim3A_66 {strides = array<i32>} : memref<8x128xf32, #tpu.memory_space<vmem>>, vector<16xf32>,
      %broadcast_in_dim3A_70 = arith.constant 0.000000e+00 : f32
      %broadcast_in_dim3A_71 = vector.broadcast %broadcast_in_dim3A_70 : f32 to vector<16xf32>
      %swap3A_72 = arith.index_cast %scan3A_39 : i32 to index
      %swap3A_73 = arith.constant 96 : index
      %swap3A_74 = tpu.vector_load %arg7[%swap3A_72, %swap3A_73] {strides = array<i32>} : memref<8x128xf32, #tpu.memory_space<vmem>>, vector<16xf32>,
      tpu.vector_store %arg7[%swap3A_72, %swap3A_73], %broadcast_in_dim3A_71 {strides = array<i32>} : memref<8x128xf32, #tpu.memory_space<vmem>>, vector<16xf32>,
      %broadcast_in_dim3A_75 = arith.constant 0.000000e+00 : f32
      %broadcast_in_dim3A_76 = vector.broadcast %broadcast_in_dim3A_75 : f32 to vector<16xf32>
      %swap3A_77 = arith.index_cast %scan3A_39 : i32 to index
      %swap3A_78 = arith.constant 112 : index
      %swap3A_79 = tpu.vector_load %arg7[%swap3A_77, %swap3A_78] {strides = array<i32>} : memref<8x128xf32, #tpu.memory_space<vmem>>, vector<16xf32>,
      tpu.vector_store %arg7[%swap3A_77, %swap3A_78], %broadcast_in_dim3A_76 {strides = array<i32>} : memref<8x128xf32, #tpu.memory_space<vmem>>, vector<16xf32>,
      %scan3A_80 = arith.constant 0 : i32
      scf.yield %scan3A_80 : i32
    }
    %scan3A_6 = arith.constant 8 : i32
    %lt3A = arith.constant 10 : i32
    %lt3A_7 = arith.cmpi slt, %arg1, %lt3A : i32
    %convert_element_type3A = arith.extui %lt3A_7 : i1 to i32
    %cond3A = arith.constant 0 : i32
    %cond3A_8 = arith.cmpi ne, %convert_element_type3A, %cond3A : i32
    scf.if %cond3A_8 {
      %mul3A_39 = arith.constant 8 : i32
      %mul3A_40 = arith.muli %arg1, %mul3A_39 : i32
      "tpu.region"() ({
        %run_scoped3A = tpu.sem_alloc : memref<!tpu.dma_semaphore, #tpu.memory_space<semaphore_mem>>
        %dma_start3A = arith.constant 0 : i32
        %dma_start3A_41 = tpu.memref_slice %arg8[%mul3A_40, %dma_start3A] : memref<80x128xf32, #tpu.memory_space<vmem_shared>> -> memref<8x128xf32, #tpu.memory_space<vmem_shared>>
        %dma_start3A_42 = arith.constant 0 : i32
        %dma_start3A_43 = tpu.memref_slice %arg8[%mul3A_40, %dma_start3A_42] : memref<80x128xf32, #tpu.memory_space<vmem_shared>> -> memref<8x128xf32, #tpu.memory_space<vmem_shared>>
        tpu.enqueue_dma source(%arg7 : memref<8x128xf32, #tpu.memory_space<vmem>>) target(%dma_start3A_43 : memref<8x128xf32, #tpu.memory_space<vmem_shared>>) target_semaphore(%run_scoped3A : memref<!tpu.dma_semaphore, #tpu.memory_space<semaphore_mem>>)
        %dma_wait3A = arith.constant 0 : i32
        %dma_wait3A_44 = tpu.memref_slice %arg8[%mul3A_40, %dma_wait3A] : memref<80x128xf32, #tpu.memory_space<vmem_shared>> -> memref<8x128xf32, #tpu.memory_space<vmem_shared>>
        %dma_wait3A_45 = arith.constant 0 : i32
        %dma_wait3A_46 = tpu.memref_slice %arg8[%mul3A_40, %dma_wait3A_45] : memref<80x128xf32, #tpu.memory_space<vmem_shared>> -> memref<8x128xf32, #tpu.memory_space<vmem_shared>>
        tpu.wait_dma2 semaphore(%run_scoped3A : memref<!tpu.dma_semaphore, #tpu.memory_space<semaphore_mem>>) src(%arg7 : memref<8x128xf32, #tpu.memory_space<vmem>>) dst(%dma_wait3A_46 : memref<8x128xf32, #tpu.memory_space<vmem_shared>>)
        tpu.yield
      }) : () -> ()
    } else {
    }
    %broadcast_in_dim3A = arith.constant 1.000000e+00 : f32
    %broadcast_in_dim3A_9 = vector.broadcast %broadcast_in_dim3A : f32 to vector<16xf32>
    %scan3A_10 = arith.constant 0 : i32
    %scan3A_11 = arith.constant 0 : i32
    %scan3A_12 = arith.constant 80 : i32
    %scan3A_13 = arith.addi %scan3A_11, %scan3A_12 : i32
    %scan3A_14 = arith.constant 1 : i32
    %scan3A_15 = scf.for %scan3A_39 = %scan3A_11 to %scan3A_13 step %scan3A_14 iter_args(%scan3A_40 = %scan3A_10) -> (i32)  : i32 {
      %broadcast_in_dim3A_41 = arith.constant 0.000000e+00 : f32
      %broadcast_in_dim3A_42 = vector.broadcast %broadcast_in_dim3A_41 : f32 to vector<16xf32>
      %swap3A = arith.index_cast %scan3A_39 : i32 to index
      %swap3A_43 = arith.constant 0 : index
      %swap3A_44 = tpu.vector_load %arg5[%swap3A, %swap3A_43] {strides = array<i32>} : memref<80x128xf32, #tpu.memory_space<vmem>>, vector<16xf32>,
      tpu.vector_store %arg5[%swap3A, %swap3A_43], %broadcast_in_dim3A_42 {strides = array<i32>} : memref<80x128xf32, #tpu.memory_space<vmem>>, vector<16xf32>,
      %broadcast_in_dim3A_45 = arith.constant 0.000000e+00 : f32
      %broadcast_in_dim3A_46 = vector.broadcast %broadcast_in_dim3A_45 : f32 to vector<16xf32>
      %swap3A_47 = arith.index_cast %scan3A_39 : i32 to index
      %swap3A_48 = arith.constant 16 : index
      %swap3A_49 = tpu.vector_load %arg5[%swap3A_47, %swap3A_48] {strides = array<i32>} : memref<80x128xf32, #tpu.memory_space<vmem>>, vector<16xf32>,
      tpu.vector_store %arg5[%swap3A_47, %swap3A_48], %broadcast_in_dim3A_46 {strides = array<i32>} : memref<80x128xf32, #tpu.memory_space<vmem>>, vector<16xf32>,
      %broadcast_in_dim3A_50 = arith.constant 0.000000e+00 : f32
      %broadcast_in_dim3A_51 = vector.broadcast %broadcast_in_dim3A_50 : f32 to vector<16xf32>
      %swap3A_52 = arith.index_cast %scan3A_39 : i32 to index
      %swap3A_53 = arith.constant 32 : index
      %swap3A_54 = tpu.vector_load %arg5[%swap3A_52, %swap3A_53] {strides = array<i32>} : memref<80x128xf32, #tpu.memory_space<vmem>>, vector<16xf32>,
      tpu.vector_store %arg5[%swap3A_52, %swap3A_53], %broadcast_in_dim3A_51 {strides = array<i32>} : memref<80x128xf32, #tpu.memory_space<vmem>>, vector<16xf32>,
      %broadcast_in_dim3A_55 = arith.constant 0.000000e+00 : f32
      %broadcast_in_dim3A_56 = vector.broadcast %broadcast_in_dim3A_55 : f32 to vector<16xf32>
      %swap3A_57 = arith.index_cast %scan3A_39 : i32 to index
      %swap3A_58 = arith.constant 48 : index
      %swap3A_59 = tpu.vector_load %arg5[%swap3A_57, %swap3A_58] {strides = array<i32>} : memref<80x128xf32, #tpu.memory_space<vmem>>, vector<16xf32>,
      tpu.vector_store %arg5[%swap3A_57, %swap3A_58], %broadcast_in_dim3A_56 {strides = array<i32>} : memref<80x128xf32, #tpu.memory_space<vmem>>, vector<16xf32>,
      %broadcast_in_dim3A_60 = arith.constant 0.000000e+00 : f32
      %broadcast_in_dim3A_61 = vector.broadcast %broadcast_in_dim3A_60 : f32 to vector<16xf32>
      %swap3A_62 = arith.index_cast %scan3A_39 : i32 to index
      %swap3A_63 = arith.constant 64 : index
      %swap3A_64 = tpu.vector_load %arg5[%swap3A_62, %swap3A_63] {strides = array<i32>} : memref<80x128xf32, #tpu.memory_space<vmem>>, vector<16xf32>,
      tpu.vector_store %arg5[%swap3A_62, %swap3A_63], %broadcast_in_dim3A_61 {strides = array<i32>} : memref<80x128xf32, #tpu.memory_space<vmem>>, vector<16xf32>,
      %broadcast_in_dim3A_65 = arith.constant 0.000000e+00 : f32
      %broadcast_in_dim3A_66 = vector.broadcast %broadcast_in_dim3A_65 : f32 to vector<16xf32>
      %swap3A_67 = arith.index_cast %scan3A_39 : i32 to index
      %swap3A_68 = arith.constant 80 : index
      %swap3A_69 = tpu.vector_load %arg5[%swap3A_67, %swap3A_68] {strides = array<i32>} : memref<80x128xf32, #tpu.memory_space<vmem>>, vector<16xf32>,
      tpu.vector_store %arg5[%swap3A_67, %swap3A_68], %broadcast_in_dim3A_66 {strides = array<i32>} : memref<80x128xf32, #tpu.memory_space<vmem>>, vector<16xf32>,
      %broadcast_in_dim3A_70 = arith.constant 0.000000e+00 : f32
      %broadcast_in_dim3A_71 = vector.broadcast %broadcast_in_dim3A_70 : f32 to vector<16xf32>
      %swap3A_72 = arith.index_cast %scan3A_39 : i32 to index
      %swap3A_73 = arith.constant 96 : index
      %swap3A_74 = tpu.vector_load %arg5[%swap3A_72, %swap3A_73] {strides = array<i32>} : memref<80x128xf32, #tpu.memory_space<vmem>>, vector<16xf32>,
      tpu.vector_store %arg5[%swap3A_72, %swap3A_73], %broadcast_in_dim3A_71 {strides = array<i32>} : memref<80x128xf32, #tpu.memory_space<vmem>>, vector<16xf32>,
      %broadcast_in_dim3A_75 = arith.constant 0.000000e+00 : f32
      %broadcast_in_dim3A_76 = vector.broadcast %broadcast_in_dim3A_75 : f32 to vector<16xf32>
      %swap3A_77 = arith.index_cast %scan3A_39 : i32 to index
      %swap3A_78 = arith.constant 112 : index
      %swap3A_79 = tpu.vector_load %arg5[%swap3A_77, %swap3A_78] {strides = array<i32>} : memref<80x128xf32, #tpu.memory_space<vmem>>, vector<16xf32>,
      tpu.vector_store %arg5[%swap3A_77, %swap3A_78], %broadcast_in_dim3A_76 {strides = array<i32>} : memref<80x128xf32, #tpu.memory_space<vmem>>, vector<16xf32>,
      %scan3A_80 = arith.constant 0 : i32
      scf.yield %scan3A_80 : i32
    }
    %scan3A_16 = arith.constant 80 : i32
    %scan3A_17 = arith.constant 0 : i32
    %scan3A_18 = arith.constant 0 : i32
    %scan3A_19 = arith.constant 5 : i32
    %scan3A_20 = arith.addi %scan3A_18, %scan3A_19 : i32
    %scan3A_21 = arith.constant 1 : i32
    %scan3A_22 = scf.for %scan3A_39 = %scan3A_18 to %scan3A_20 step %scan3A_21 iter_args(%scan3A_40 = %scan3A_17) -> (i32)  : i32 {
      %iota3A = tpu.iota {dimensions = array<i32: 0>} : vector<16xi32>
      %mul3A_41 = arith.constant 16 : i32
      %mul3A_42 = arith.muli %scan3A_39, %mul3A_41 : i32
      %add3A_43 = vector.broadcast %mul3A_42 : i32 to vector<16xi32>
      %add3A_44 = arith.addi %iota3A, %add3A_43 : vector<16xi32>
      %mul3A_45 = arith.constant 16 : i32
      %mul3A_46 = arith.muli %scan3A_39, %mul3A_45 : i32
      %swap3A = arith.index_cast %mul3A_46 : i32 to index
      %swap3A_47 = tpu.vector_load %arg6[%swap3A] {strides = array<i32>} : memref<80xi32, #tpu.memory_space<vmem>>, vector<16xi32>,
      tpu.vector_store %arg6[%swap3A], %add3A_44 {strides = array<i32>} : memref<80xi32, #tpu.memory_space<vmem>>, vector<16xi32>,
      %scan3A_48 = arith.constant 0 : i32
      scf.yield %scan3A_48 : i32
    }
    %scan3A_23 = arith.constant 5 : i32
    %mul3A_24 = arith.constant 80 : i32
    %mul3A_25 = arith.muli %add3A, %mul3A_24 : i32
    "tpu.region"() ({
      %run_scoped3A = tpu.sem_alloc : memref<!tpu.dma_semaphore, #tpu.memory_space<semaphore_mem>>
      %dma_start3A = arith.constant 0 : i32
      %dma_start3A_39 = tpu.memref_slice %arg2[%mul3A_25, %dma_start3A] : memref<2560x128xi32, #tpu.memory_space<hbm>> -> memref<80x128xi32, #tpu.memory_space<hbm>>
      %dma_start3A_40 = arith.constant 0 : i32
      %dma_start3A_41 = tpu.memref_slice %arg2[%mul3A_25, %dma_start3A_40] : memref<2560x128xi32, #tpu.memory_space<hbm>> -> memref<80x128xi32, #tpu.memory_space<hbm>>
      tpu.enqueue_dma source(%dma_start3A_41 : memref<80x128xi32, #tpu.memory_space<hbm>>) target(%arg4 : memref<80x128xi32, #tpu.memory_space<vmem>>) target_semaphore(%run_scoped3A : memref<!tpu.dma_semaphore, #tpu.memory_space<semaphore_mem>>)
      %dma_wait3A = arith.constant 0 : i32
      %dma_wait3A_42 = tpu.memref_slice %arg2[%mul3A_25, %dma_wait3A] : memref<2560x128xi32, #tpu.memory_space<hbm>> -> memref<80x128xi32, #tpu.memory_space<hbm>>
      %dma_wait3A_43 = arith.constant 0 : i32
      %dma_wait3A_44 = tpu.memref_slice %arg2[%mul3A_25, %dma_wait3A_43] : memref<2560x128xi32, #tpu.memory_space<hbm>> -> memref<80x128xi32, #tpu.memory_space<hbm>>
      tpu.wait_dma2 semaphore(%run_scoped3A : memref<!tpu.dma_semaphore, #tpu.memory_space<semaphore_mem>>) src(%dma_wait3A_44 : memref<80x128xi32, #tpu.memory_space<hbm>>) dst(%arg4 : memref<80x128xi32, #tpu.memory_space<vmem>>)
      tpu.yield
    }) : () -> ()
    %scan3A_26 = arith.constant 0 : i32
    %scan3A_27 = arith.constant 0 : i32
    %scan3A_28 = arith.constant 80 : i32
    %scan3A_29 = arith.addi %scan3A_27, %scan3A_28 : i32
    %scan3A_30 = arith.constant 1 : i32
    %scan3A_31 = scf.for %scan3A_39 = %scan3A_27 to %scan3A_29 step %scan3A_30 iter_args(%scan3A_40 = %scan3A_26) -> (i32)  : i32 {
      %get3A = arith.index_cast %scan3A_39 : i32 to index
      %get3A_41 = arith.constant 0 : index
      %get3A_42 = tpu.vector_load %arg4[%get3A, %get3A_41] {strides = array<i32>} : memref<80x128xi32, #tpu.memory_space<vmem>>, vector<16xi32>,
      %shift_right_logical3A = arith.constant 16 : i32
      %shift_right_logical3A_43 = vector.broadcast %shift_right_logical3A : i32 to vector<16xi32>
      %shift_right_logical3A_44 = arith.shrui %get3A_42, %shift_right_logical3A_43 : vector<16xi32>
      %shift_right_logical3A_45 = arith.constant 7 : i32
      %shift_right_logical3A_46 = vector.broadcast %shift_right_logical3A_45 : i32 to vector<16xi32>
      %shift_right_logical3A_47 = arith.shrui %shift_right_logical3A_44, %shift_right_logical3A_46 : vector<16xi32>
      %and3A = arith.constant 127 : i32
      %and3A_48 = vector.broadcast %and3A : i32 to vector<16xi32>
      %and3A_49 = arith.andi %shift_right_logical3A_44, %and3A_48 : vector<16xi32>
      tpu.vector_store_idx %arg5[%shift_right_logical3A_47, %and3A_49], %broadcast_in_dim3A_9 {add = true} : memref<80x128xf32, #tpu.memory_space<vmem>>[vector<16xi32>, vector<16xi32>], vector<16xf32>,
      %get3A_50 = arith.index_cast %scan3A_39 : i32 to index
      %get3A_51 = arith.constant 16 : index
      %get3A_52 = tpu.vector_load %arg4[%get3A_50, %get3A_51] {strides = array<i32>} : memref<80x128xi32, #tpu.memory_space<vmem>>, vector<16xi32>,
      %shift_right_logical3A_53 = arith.constant 16 : i32
      %shift_right_logical3A_54 = vector.broadcast %shift_right_logical3A_53 : i32 to vector<16xi32>
      %shift_right_logical3A_55 = arith.shrui %get3A_52, %shift_right_logical3A_54 : vector<16xi32>
      %shift_right_logical3A_56 = arith.constant 7 : i32
      %shift_right_logical3A_57 = vector.broadcast %shift_right_logical3A_56 : i32 to vector<16xi32>
      %shift_right_logical3A_58 = arith.shrui %shift_right_logical3A_55, %shift_right_logical3A_57 : vector<16xi32>
      %and3A_59 = arith.constant 127 : i32
      %and3A_60 = vector.broadcast %and3A_59 : i32 to vector<16xi32>
      %and3A_61 = arith.andi %shift_right_logical3A_55, %and3A_60 : vector<16xi32>
      tpu.vector_store_idx %arg5[%shift_right_logical3A_58, %and3A_61], %broadcast_in_dim3A_9 {add = true} : memref<80x128xf32, #tpu.memory_space<vmem>>[vector<16xi32>, vector<16xi32>], vector<16xf32>,
      %get3A_62 = arith.index_cast %scan3A_39 : i32 to index
      %get3A_63 = arith.constant 32 : index
      %get3A_64 = tpu.vector_load %arg4[%get3A_62, %get3A_63] {strides = array<i32>} : memref<80x128xi32, #tpu.memory_space<vmem>>, vector<16xi32>,
      %shift_right_logical3A_65 = arith.constant 16 : i32
      %shift_right_logical3A_66 = vector.broadcast %shift_right_logical3A_65 : i32 to vector<16xi32>
      %shift_right_logical3A_67 = arith.shrui %get3A_64, %shift_right_logical3A_66 : vector<16xi32>
      %shift_right_logical3A_68 = arith.constant 7 : i32
      %shift_right_logical3A_69 = vector.broadcast %shift_right_logical3A_68 : i32 to vector<16xi32>
      %shift_right_logical3A_70 = arith.shrui %shift_right_logical3A_67, %shift_right_logical3A_69 : vector<16xi32>
      %and3A_71 = arith.constant 127 : i32
      %and3A_72 = vector.broadcast %and3A_71 : i32 to vector<16xi32>
      %and3A_73 = arith.andi %shift_right_logical3A_67, %and3A_72 : vector<16xi32>
      tpu.vector_store_idx %arg5[%shift_right_logical3A_70, %and3A_73], %broadcast_in_dim3A_9 {add = true} : memref<80x128xf32, #tpu.memory_space<vmem>>[vector<16xi32>, vector<16xi32>], vector<16xf32>,
      %get3A_74 = arith.index_cast %scan3A_39 : i32 to index
      %get3A_75 = arith.constant 48 : index
      %get3A_76 = tpu.vector_load %arg4[%get3A_74, %get3A_75] {strides = array<i32>} : memref<80x128xi32, #tpu.memory_space<vmem>>, vector<16xi32>,
      %shift_right_logical3A_77 = arith.constant 16 : i32
      %shift_right_logical3A_78 = vector.broadcast %shift_right_logical3A_77 : i32 to vector<16xi32>
      %shift_right_logical3A_79 = arith.shrui %get3A_76, %shift_right_logical3A_78 : vector<16xi32>
      %shift_right_logical3A_80 = arith.constant 7 : i32
      %shift_right_logical3A_81 = vector.broadcast %shift_right_logical3A_80 : i32 to vector<16xi32>
      %shift_right_logical3A_82 = arith.shrui %shift_right_logical3A_79, %shift_right_logical3A_81 : vector<16xi32>
      %and3A_83 = arith.constant 127 : i32
      %and3A_84 = vector.broadcast %and3A_83 : i32 to vector<16xi32>
      %and3A_85 = arith.andi %shift_right_logical3A_79, %and3A_84 : vector<16xi32>
      tpu.vector_store_idx %arg5[%shift_right_logical3A_82, %and3A_85], %broadcast_in_dim3A_9 {add = true} : memref<80x128xf32, #tpu.memory_space<vmem>>[vector<16xi32>, vector<16xi32>], vector<16xf32>,
      %get3A_86 = arith.index_cast %scan3A_39 : i32 to index
      %get3A_87 = arith.constant 64 : index
      %get3A_88 = tpu.vector_load %arg4[%get3A_86, %get3A_87] {strides = array<i32>} : memref<80x128xi32, #tpu.memory_space<vmem>>, vector<16xi32>,
      %shift_right_logical3A_89 = arith.constant 16 : i32
      %shift_right_logical3A_90 = vector.broadcast %shift_right_logical3A_89 : i32 to vector<16xi32>
      %shift_right_logical3A_91 = arith.shrui %get3A_88, %shift_right_logical3A_90 : vector<16xi32>
      %shift_right_logical3A_92 = arith.constant 7 : i32
      %shift_right_logical3A_93 = vector.broadcast %shift_right_logical3A_92 : i32 to vector<16xi32>
      %shift_right_logical3A_94 = arith.shrui %shift_right_logical3A_91, %shift_right_logical3A_93 : vector<16xi32>
      %and3A_95 = arith.constant 127 : i32
      %and3A_96 = vector.broadcast %and3A_95 : i32 to vector<16xi32>
      %and3A_97 = arith.andi %shift_right_logical3A_91, %and3A_96 : vector<16xi32>
      tpu.vector_store_idx %arg5[%shift_right_logical3A_94, %and3A_97], %broadcast_in_dim3A_9 {add = true} : memref<80x128xf32, #tpu.memory_space<vmem>>[vector<16xi32>, vector<16xi32>], vector<16xf32>,
      %get3A_98 = arith.index_cast %scan3A_39 : i32 to index
      %get3A_99 = arith.constant 80 : index
      %get3A_100 = tpu.vector_load %arg4[%get3A_98, %get3A_99] {strides = array<i32>} : memref<80x128xi32, #tpu.memory_space<vmem>>, vector<16xi32>,
      %shift_right_logical3A_101 = arith.constant 16 : i32
      %shift_right_logical3A_102 = vector.broadcast %shift_right_logical3A_101 : i32 to vector<16xi32>
      %shift_right_logical3A_103 = arith.shrui %get3A_100, %shift_right_logical3A_102 : vector<16xi32>
      %shift_right_logical3A_104 = arith.constant 7 : i32
      %shift_right_logical3A_105 = vector.broadcast %shift_right_logical3A_104 : i32 to vector<16xi32>
      %shift_right_logical3A_106 = arith.shrui %shift_right_logical3A_103, %shift_right_logical3A_105 : vector<16xi32>
      %and3A_107 = arith.constant 127 : i32
      %and3A_108 = vector.broadcast %and3A_107 : i32 to vector<16xi32>
      %and3A_109 = arith.andi %shift_right_logical3A_103, %and3A_108 : vector<16xi32>
      tpu.vector_store_idx %arg5[%shift_right_logical3A_106, %and3A_109], %broadcast_in_dim3A_9 {add = true} : memref<80x128xf32, #tpu.memory_space<vmem>>[vector<16xi32>, vector<16xi32>], vector<16xf32>,
      %get3A_110 = arith.index_cast %scan3A_39 : i32 to index
      %get3A_111 = arith.constant 96 : index
      %get3A_112 = tpu.vector_load %arg4[%get3A_110, %get3A_111] {strides = array<i32>} : memref<80x128xi32, #tpu.memory_space<vmem>>, vector<16xi32>,
      %shift_right_logical3A_113 = arith.constant 16 : i32
      %shift_right_logical3A_114 = vector.broadcast %shift_right_logical3A_113 : i32 to vector<16xi32>
      %shift_right_logical3A_115 = arith.shrui %get3A_112, %shift_right_logical3A_114 : vector<16xi32>
      %shift_right_logical3A_116 = arith.constant 7 : i32
      %shift_right_logical3A_117 = vector.broadcast %shift_right_logical3A_116 : i32 to vector<16xi32>
      %shift_right_logical3A_118 = arith.shrui %shift_right_logical3A_115, %shift_right_logical3A_117 : vector<16xi32>
      %and3A_119 = arith.constant 127 : i32
      %and3A_120 = vector.broadcast %and3A_119 : i32 to vector<16xi32>
      %and3A_121 = arith.andi %shift_right_logical3A_115, %and3A_120 : vector<16xi32>
      tpu.vector_store_idx %arg5[%shift_right_logical3A_118, %and3A_121], %broadcast_in_dim3A_9 {add = true} : memref<80x128xf32, #tpu.memory_space<vmem>>[vector<16xi32>, vector<16xi32>], vector<16xf32>,
      %get3A_122 = arith.index_cast %scan3A_39 : i32 to index
      %get3A_123 = arith.constant 112 : index
      %get3A_124 = tpu.vector_load %arg4[%get3A_122, %get3A_123] {strides = array<i32>} : memref<80x128xi32, #tpu.memory_space<vmem>>, vector<16xi32>,
      %shift_right_logical3A_125 = arith.constant 16 : i32
      %shift_right_logical3A_126 = vector.broadcast %shift_right_logical3A_125 : i32 to vector<16xi32>
      %shift_right_logical3A_127 = arith.shrui %get3A_124, %shift_right_logical3A_126 : vector<16xi32>
      %shift_right_logical3A_128 = arith.constant 7 : i32
      %shift_right_logical3A_129 = vector.broadcast %shift_right_logical3A_128 : i32 to vector<16xi32>
      %shift_right_logical3A_130 = arith.shrui %shift_right_logical3A_127, %shift_right_logical3A_129 : vector<16xi32>
      %and3A_131 = arith.constant 127 : i32
      %and3A_132 = vector.broadcast %and3A_131 : i32 to vector<16xi32>
      %and3A_133 = arith.andi %shift_right_logical3A_127, %and3A_132 : vector<16xi32>
      tpu.vector_store_idx %arg5[%shift_right_logical3A_130, %and3A_133], %broadcast_in_dim3A_9 {add = true} : memref<80x128xf32, #tpu.memory_space<vmem>>[vector<16xi32>, vector<16xi32>], vector<16xf32>,
      %scan3A_134 = arith.constant 0 : i32
      scf.yield %scan3A_134 : i32
    }
    %scan3A_32 = arith.constant 80 : i32
    %barrier3A = arith.constant 0 : index
    tpu.barrier barrier_id(%barrier3A)
    "tpu.region"() ({
      %run_scoped3A = tpu.sem_alloc : memref<!tpu.dma_semaphore, #tpu.memory_space<semaphore_mem>>
      %dma_start3A = arith.constant 0 : i32
      %dma_start3A_39 = arith.constant 0 : i32
      %dma_start3A_40 = tpu.memref_slice %arg8[%dma_start3A, %dma_start3A_39] : memref<80x128xf32, #tpu.memory_space<vmem_shared>> -> memref<80x128xf32, #tpu.memory_space<vmem_shared>>
      tpu.enqueue_indirect_dma source(%arg5 : memref<80x128xf32, #tpu.memory_space<vmem>>) target(%dma_start3A_40 : memref<80x128xf32, #tpu.memory_space<vmem_shared>>) offsets(%arg6 : memref<80xi32, #tpu.memory_space<vmem>>) semaphore(%run_scoped3A : memref<!tpu.dma_semaphore, #tpu.memory_space<semaphore_mem>>) {add = true}
      %dma_wait3A = arith.constant 0 : i32
      %dma_wait3A_41 = arith.constant 0 : i32
      %dma_wait3A_42 = tpu.memref_slice %arg8[%dma_wait3A, %dma_wait3A_41] : memref<80x128xf32, #tpu.memory_space<vmem_shared>> -> memref<80x128xf32, #tpu.memory_space<vmem_shared>>
      tpu.wait_indirect_dma semaphore(%run_scoped3A : memref<!tpu.dma_semaphore, #tpu.memory_space<semaphore_mem>>) src(%arg5 : memref<80x128xf32, #tpu.memory_space<vmem>>) dst(%dma_wait3A_42 : memref<80x128xf32, #tpu.memory_space<vmem_shared>>)
      tpu.yield
    }) : () -> ()
    %barrier3A_33 = arith.constant 0 : index
    tpu.barrier barrier_id(%barrier3A_33)
    %lt3A_34 = arith.constant 10 : i32
    %lt3A_35 = arith.cmpi slt, %arg1, %lt3A_34 : i32
    %convert_element_type3A_36 = arith.extui %lt3A_35 : i1 to i32
    %cond3A_37 = arith.constant 0 : i32
    %cond3A_38 = arith.cmpi ne, %convert_element_type3A_36, %cond3A_37 : i32
    scf.if %cond3A_38 {
      %mul3A_39 = arith.constant 8 : i32
      %mul3A_40 = arith.muli %arg1, %mul3A_39 : i32
      %mul3A_41 = arith.constant 80 : i32
      %mul3A_42 = arith.muli %arg0, %mul3A_41 : i32
      %mul3A_43 = arith.constant 8 : i32
      %mul3A_44 = arith.muli %arg1, %mul3A_43 : i32
      %add3A_45 = arith.addi %mul3A_42, %mul3A_44 : i32
      "tpu.region"() ({
        %run_scoped3A = tpu.sem_alloc : memref<!tpu.dma_semaphore, #tpu.memory_space<semaphore_mem>>
        %dma_start3A = arith.constant 0 : i32
        %dma_start3A_46 = tpu.memref_slice %arg3[%add3A_45, %dma_start3A] : memref<160x128xf32, #tpu.memory_space<hbm>> -> memref<8x128xf32, #tpu.memory_space<hbm>>
        %dma_start3A_47 = arith.constant 0 : i32
        %dma_start3A_48 = tpu.memref_slice %arg8[%mul3A_40, %dma_start3A_47] : memref<80x128xf32, #tpu.memory_space<vmem_shared>> -> memref<8x128xf32, #tpu.memory_space<vmem_shared>>
        tpu.enqueue_dma source(%dma_start3A_48 : memref<8x128xf32, #tpu.memory_space<vmem_shared>>) target(%dma_start3A_46 : memref<8x128xf32, #tpu.memory_space<hbm>>) target_semaphore(%run_scoped3A : memref<!tpu.dma_semaphore, #tpu.memory_space<semaphore_mem>>)
        %dma_wait3A = arith.constant 0 : i32
        %dma_wait3A_49 = tpu.memref_slice %arg3[%add3A_45, %dma_wait3A] : memref<160x128xf32, #tpu.memory_space<hbm>> -> memref<8x128xf32, #tpu.memory_space<hbm>>
        %dma_wait3A_50 = arith.constant 0 : i32
        %dma_wait3A_51 = tpu.memref_slice %arg8[%mul3A_40, %dma_wait3A_50] : memref<80x128xf32, #tpu.memory_space<vmem_shared>> -> memref<8x128xf32, #tpu.memory_space<vmem_shared>>
        tpu.wait_dma2 semaphore(%run_scoped3A : memref<!tpu.dma_semaphore, #tpu.memory_space<semaphore_mem>>) src(%dma_wait3A_51 : memref<8x128xf32, #tpu.memory_space<vmem_shared>>) dst(%dma_wait3A_49 : memref<8x128xf32, #tpu.memory_space<hbm>>)
        tpu.yield
      }) : () -> ()
    } else {
    }
    return
  }
}

#map = affine_map<(d0, d1) -> (0, 0)>
#map1 = affine_map<(d0, d1) -> (0)>
module attributes {stable_mosaic.version = 14 : i64} {
  func.func @_sc_segsum(%arg0: i32, %arg1: i32, %arg2: memref<10240x128xf32, #tpu.memory_space<hbm>>, %arg3: memref<327680xi32, #tpu.memory_space<hbm>>, %arg4: memref<20480x128xf32, #tpu.memory_space<hbm>>, %arg5: memref<10240xi32, #tpu.memory_space<vmem>>, %arg6: memref<128xi32, #tpu.memory_space<vmem>>, %arg7: memref<128xi32, #tpu.memory_space<vmem>>, %arg8: memref<128xi32, #tpu.memory_space<vmem>>, %arg9: memref<128xi32, #tpu.memory_space<vmem>>, %arg10: memref<128x128xf32, #tpu.memory_space<vmem>>, %arg11: memref<128x128xf32, #tpu.memory_space<vmem>>, %arg12: memref<10240x128xf32, #tpu.memory_space<vmem_shared>>, %arg13: memref<!tpu.dma_semaphore, #tpu.memory_space<semaphore_mem>>, %arg14: memref<!tpu.dma_semaphore, #tpu.memory_space<semaphore_mem>>, %arg15: memref<!tpu.dma_semaphore, #tpu.memory_space<semaphore_mem>>, %arg16: memref<!tpu.dma_semaphore, #tpu.memory_space<semaphore_mem>>) attributes {dimension_semantics = [#tpu.dimension_semantics<core_parallel>, #tpu.dimension_semantics<subcore_parallel>], iteration_bounds = array<i64: 2, 16>, scalar_prefetch = 0 : i64, scratch_operands = 12 : i64, tpu.core_type = #tpu.core_type<sc_vector_subcore>, window_params = [{transform_indices = #map}, {transform_indices = #map1}, {transform_indices = #map}]} {
    %mul3A = arith.constant 16 : i32
    %mul3A_0 = arith.muli %arg0, %mul3A : i32
    %add3A = arith.addi %mul3A_0, %arg1 : i32
    %mul3A_1 = arith.constant 80 : i32
    %mul3A_2 = arith.muli %add3A, %mul3A_1 : i32
    %scan3A = arith.constant 0 : i32
    %scan3A_3 = arith.constant 0 : i32
    %scan3A_4 = arith.constant 128 : i32
    %scan3A_5 = arith.addi %scan3A_3, %scan3A_4 : i32
    %scan3A_6 = arith.constant 1 : i32
    %scan3A_7 = scf.for %scan3A_321 = %scan3A_3 to %scan3A_5 step %scan3A_6 iter_args(%scan3A_322 = %scan3A) -> (i32)  : i32 {
      %broadcast_in_dim3A = arith.constant 0.000000e+00 : f32
      %broadcast_in_dim3A_323 = vector.broadcast %broadcast_in_dim3A : f32 to vector<16xf32>
      %swap3A_324 = arith.index_cast %scan3A_321 : i32 to index
      %swap3A_325 = arith.constant 0 : index
      %swap3A_326 = tpu.vector_load %arg10[%swap3A_324, %swap3A_325] {strides = array<i32>} : memref<128x128xf32, #tpu.memory_space<vmem>>, vector<1x16xf32>,
      %swap3A_327 = vector.shape_cast %swap3A_326 : vector<1x16xf32> to vector<16xf32>
      %swap3A_328 = vector.shape_cast %broadcast_in_dim3A_323 : vector<16xf32> to vector<1x16xf32>
      tpu.vector_store %arg10[%swap3A_324, %swap3A_325], %swap3A_328 {strides = array<i32>} : memref<128x128xf32, #tpu.memory_space<vmem>>, vector<1x16xf32>,
      %broadcast_in_dim3A_329 = arith.constant 0.000000e+00 : f32
      %broadcast_in_dim3A_330 = vector.broadcast %broadcast_in_dim3A_329 : f32 to vector<16xf32>
      %swap3A_331 = arith.index_cast %scan3A_321 : i32 to index
      %swap3A_332 = arith.constant 16 : index
      %swap3A_333 = tpu.vector_load %arg10[%swap3A_331, %swap3A_332] {strides = array<i32>} : memref<128x128xf32, #tpu.memory_space<vmem>>, vector<1x16xf32>,
      %swap3A_334 = vector.shape_cast %swap3A_333 : vector<1x16xf32> to vector<16xf32>
      %swap3A_335 = vector.shape_cast %broadcast_in_dim3A_330 : vector<16xf32> to vector<1x16xf32>
      tpu.vector_store %arg10[%swap3A_331, %swap3A_332], %swap3A_335 {strides = array<i32>} : memref<128x128xf32, #tpu.memory_space<vmem>>, vector<1x16xf32>,
      %broadcast_in_dim3A_336 = arith.constant 0.000000e+00 : f32
      %broadcast_in_dim3A_337 = vector.broadcast %broadcast_in_dim3A_336 : f32 to vector<16xf32>
      %swap3A_338 = arith.index_cast %scan3A_321 : i32 to index
      %swap3A_339 = arith.constant 32 : index
      %swap3A_340 = tpu.vector_load %arg10[%swap3A_338, %swap3A_339] {strides = array<i32>} : memref<128x128xf32, #tpu.memory_space<vmem>>, vector<1x16xf32>,
      %swap3A_341 = vector.shape_cast %swap3A_340 : vector<1x16xf32> to vector<16xf32>
      %swap3A_342 = vector.shape_cast %broadcast_in_dim3A_337 : vector<16xf32> to vector<1x16xf32>
      tpu.vector_store %arg10[%swap3A_338, %swap3A_339], %swap3A_342 {strides = array<i32>} : memref<128x128xf32, #tpu.memory_space<vmem>>, vector<1x16xf32>,
      %broadcast_in_dim3A_343 = arith.constant 0.000000e+00 : f32
      %broadcast_in_dim3A_344 = vector.broadcast %broadcast_in_dim3A_343 : f32 to vector<16xf32>
      %swap3A_345 = arith.index_cast %scan3A_321 : i32 to index
      %swap3A_346 = arith.constant 48 : index
      %swap3A_347 = tpu.vector_load %arg10[%swap3A_345, %swap3A_346] {strides = array<i32>} : memref<128x128xf32, #tpu.memory_space<vmem>>, vector<1x16xf32>,
      %swap3A_348 = vector.shape_cast %swap3A_347 : vector<1x16xf32> to vector<16xf32>
      %swap3A_349 = vector.shape_cast %broadcast_in_dim3A_344 : vector<16xf32> to vector<1x16xf32>
      tpu.vector_store %arg10[%swap3A_345, %swap3A_346], %swap3A_349 {strides = array<i32>} : memref<128x128xf32, #tpu.memory_space<vmem>>, vector<1x16xf32>,
      %broadcast_in_dim3A_350 = arith.constant 0.000000e+00 : f32
      %broadcast_in_dim3A_351 = vector.broadcast %broadcast_in_dim3A_350 : f32 to vector<16xf32>
      %swap3A_352 = arith.index_cast %scan3A_321 : i32 to index
      %swap3A_353 = arith.constant 64 : index
      %swap3A_354 = tpu.vector_load %arg10[%swap3A_352, %swap3A_353] {strides = array<i32>} : memref<128x128xf32, #tpu.memory_space<vmem>>, vector<1x16xf32>,
      %swap3A_355 = vector.shape_cast %swap3A_354 : vector<1x16xf32> to vector<16xf32>
      %swap3A_356 = vector.shape_cast %broadcast_in_dim3A_351 : vector<16xf32> to vector<1x16xf32>
      tpu.vector_store %arg10[%swap3A_352, %swap3A_353], %swap3A_356 {strides = array<i32>} : memref<128x128xf32, #tpu.memory_space<vmem>>, vector<1x16xf32>,
      %broadcast_in_dim3A_357 = arith.constant 0.000000e+00 : f32
      %broadcast_in_dim3A_358 = vector.broadcast %broadcast_in_dim3A_357 : f32 to vector<16xf32>
      %swap3A_359 = arith.index_cast %scan3A_321 : i32 to index
      %swap3A_360 = arith.constant 80 : index
      %swap3A_361 = tpu.vector_load %arg10[%swap3A_359, %swap3A_360] {strides = array<i32>} : memref<128x128xf32, #tpu.memory_space<vmem>>, vector<1x16xf32>,
      %swap3A_362 = vector.shape_cast %swap3A_361 : vector<1x16xf32> to vector<16xf32>
      %swap3A_363 = vector.shape_cast %broadcast_in_dim3A_358 : vector<16xf32> to vector<1x16xf32>
      tpu.vector_store %arg10[%swap3A_359, %swap3A_360], %swap3A_363 {strides = array<i32>} : memref<128x128xf32, #tpu.memory_space<vmem>>, vector<1x16xf32>,
      %broadcast_in_dim3A_364 = arith.constant 0.000000e+00 : f32
      %broadcast_in_dim3A_365 = vector.broadcast %broadcast_in_dim3A_364 : f32 to vector<16xf32>
      %swap3A_366 = arith.index_cast %scan3A_321 : i32 to index
      %swap3A_367 = arith.constant 96 : index
      %swap3A_368 = tpu.vector_load %arg10[%swap3A_366, %swap3A_367] {strides = array<i32>} : memref<128x128xf32, #tpu.memory_space<vmem>>, vector<1x16xf32>,
      %swap3A_369 = vector.shape_cast %swap3A_368 : vector<1x16xf32> to vector<16xf32>
      %swap3A_370 = vector.shape_cast %broadcast_in_dim3A_365 : vector<16xf32> to vector<1x16xf32>
      tpu.vector_store %arg10[%swap3A_366, %swap3A_367], %swap3A_370 {strides = array<i32>} : memref<128x128xf32, #tpu.memory_space<vmem>>, vector<1x16xf32>,
      %broadcast_in_dim3A_371 = arith.constant 0.000000e+00 : f32
      %broadcast_in_dim3A_372 = vector.broadcast %broadcast_in_dim3A_371 : f32 to vector<16xf32>
      %swap3A_373 = arith.index_cast %scan3A_321 : i32 to index
      %swap3A_374 = arith.constant 112 : index
      %swap3A_375 = tpu.vector_load %arg10[%swap3A_373, %swap3A_374] {strides = array<i32>} : memref<128x128xf32, #tpu.memory_space<vmem>>, vector<1x16xf32>,
      %swap3A_376 = vector.shape_cast %swap3A_375 : vector<1x16xf32> to vector<16xf32>
      %swap3A_377 = vector.shape_cast %broadcast_in_dim3A_372 : vector<16xf32> to vector<1x16xf32>
      tpu.vector_store %arg10[%swap3A_373, %swap3A_374], %swap3A_377 {strides = array<i32>} : memref<128x128xf32, #tpu.memory_space<vmem>>, vector<1x16xf32>,
      %scan3A_378 = arith.constant 0 : i32
      scf.yield %scan3A_378 : i32
    }
    %scan3A_8 = arith.constant 128 : i32
    %mul3A_9 = arith.constant 640 : i32
    %mul3A_10 = arith.muli %arg1, %mul3A_9 : i32
    %scan3A_11 = arith.constant 0 : i32
    %scan3A_12 = arith.constant 0 : i32
    %scan3A_13 = arith.constant 5 : i32
    %scan3A_14 = arith.addi %scan3A_12, %scan3A_13 : i32
    %scan3A_15 = arith.constant 1 : i32
    %scan3A_16 = scf.for %scan3A_321 = %scan3A_12 to %scan3A_14 step %scan3A_15 iter_args(%scan3A_322 = %scan3A_11) -> (i32)  : i32 {
      %mul3A_323 = arith.constant 128 : i32
      %mul3A_324 = arith.muli %scan3A_321, %mul3A_323 : i32
      %add3A_325 = arith.addi %mul3A_10, %mul3A_324 : i32
      "tpu.region"() ({
        %run_scoped3A = tpu.sem_alloc : memref<!tpu.dma_semaphore, #tpu.memory_space<semaphore_mem>>
        %dma_start3A_327 = arith.constant 0 : i32
        %dma_start3A_328 = tpu.memref_slice %arg12[%add3A_325, %dma_start3A_327] : memref<10240x128xf32, #tpu.memory_space<vmem_shared>> -> memref<128x128xf32, #tpu.memory_space<vmem_shared>>
        %dma_start3A_329 = arith.constant 0 : i32
        %dma_start3A_330 = tpu.memref_slice %arg12[%add3A_325, %dma_start3A_329] : memref<10240x128xf32, #tpu.memory_space<vmem_shared>> -> memref<128x128xf32, #tpu.memory_space<vmem_shared>>
        tpu.enqueue_dma source(%arg10 : memref<128x128xf32, #tpu.memory_space<vmem>>) target(%dma_start3A_330 : memref<128x128xf32, #tpu.memory_space<vmem_shared>>) target_semaphore(%run_scoped3A : memref<!tpu.dma_semaphore, #tpu.memory_space<semaphore_mem>>)
        %dma_wait3A_331 = arith.constant 0 : i32
        %dma_wait3A_332 = tpu.memref_slice %arg12[%add3A_325, %dma_wait3A_331] : memref<10240x128xf32, #tpu.memory_space<vmem_shared>> -> memref<128x128xf32, #tpu.memory_space<vmem_shared>>
        %dma_wait3A_333 = arith.constant 0 : i32
        %dma_wait3A_334 = tpu.memref_slice %arg12[%add3A_325, %dma_wait3A_333] : memref<10240x128xf32, #tpu.memory_space<vmem_shared>> -> memref<128x128xf32, #tpu.memory_space<vmem_shared>>
        tpu.wait_dma2 semaphore(%run_scoped3A : memref<!tpu.dma_semaphore, #tpu.memory_space<semaphore_mem>>) src(%arg10 : memref<128x128xf32, #tpu.memory_space<vmem>>) dst(%dma_wait3A_334 : memref<128x128xf32, #tpu.memory_space<vmem_shared>>)
        tpu.yield
      }) : () -> ()
      %scan3A_326 = arith.constant 0 : i32
      scf.yield %scan3A_326 : i32
    }
    %scan3A_17 = arith.constant 5 : i32
    %mul3A_18 = arith.constant 128 : i32
    %mul3A_19 = arith.muli %mul3A_2, %mul3A_18 : i32
    "tpu.region"() ({
      %run_scoped3A = tpu.sem_alloc : memref<!tpu.dma_semaphore, #tpu.memory_space<semaphore_mem>>
      %dma_start3A_321 = tpu.memref_slice %arg3[%mul3A_19] : memref<327680xi32, #tpu.memory_space<hbm>> -> memref<10240xi32, #tpu.memory_space<hbm>>
      %dma_start3A_322 = tpu.memref_slice %arg3[%mul3A_19] : memref<327680xi32, #tpu.memory_space<hbm>> -> memref<10240xi32, #tpu.memory_space<hbm>>
      tpu.enqueue_dma source(%dma_start3A_322 : memref<10240xi32, #tpu.memory_space<hbm>>) target(%arg5 : memref<10240xi32, #tpu.memory_space<vmem>>) target_semaphore(%run_scoped3A : memref<!tpu.dma_semaphore, #tpu.memory_space<semaphore_mem>>)
      %dma_wait3A_323 = tpu.memref_slice %arg3[%mul3A_19] : memref<327680xi32, #tpu.memory_space<hbm>> -> memref<10240xi32, #tpu.memory_space<hbm>>
      %dma_wait3A_324 = tpu.memref_slice %arg3[%mul3A_19] : memref<327680xi32, #tpu.memory_space<hbm>> -> memref<10240xi32, #tpu.memory_space<hbm>>
      tpu.wait_dma2 semaphore(%run_scoped3A : memref<!tpu.dma_semaphore, #tpu.memory_space<semaphore_mem>>) src(%dma_wait3A_324 : memref<10240xi32, #tpu.memory_space<hbm>>) dst(%arg5 : memref<10240xi32, #tpu.memory_space<vmem>>)
      tpu.yield
    }) : () -> ()
    %barrier3A = arith.constant 0 : index
    tpu.barrier barrier_id(%barrier3A)
    %get3A = arith.constant 0 : index
    %get3A_20 = tpu.vector_load %arg5[%get3A] {strides = array<i32>} : memref<10240xi32, #tpu.memory_space<vmem>>, vector<16xi32>,
    %get3A_21 = vector.shape_cast %get3A_20 : vector<16xi32> to vector<16xi32>
    %and3A = arith.constant 65535 : i32
    %and3A_22 = vector.broadcast %and3A : i32 to vector<16xi32>
    %and3A_23 = arith.andi %get3A_21, %and3A_22 : vector<16xi32>
    %swap3A = arith.constant 0 : index
    %swap3A_24 = tpu.vector_load %arg6[%swap3A] {strides = array<i32>} : memref<128xi32, #tpu.memory_space<vmem>>, vector<16xi32>,
    %swap3A_25 = vector.shape_cast %swap3A_24 : vector<16xi32> to vector<16xi32>
    %swap3A_26 = vector.shape_cast %and3A_23 : vector<16xi32> to vector<16xi32>
    tpu.vector_store %arg6[%swap3A], %swap3A_26 {strides = array<i32>} : memref<128xi32, #tpu.memory_space<vmem>>, vector<16xi32>,
    %shift_right_logical3A = arith.constant 16 : i32
    %shift_right_logical3A_27 = vector.broadcast %shift_right_logical3A : i32 to vector<16xi32>
    %shift_right_logical3A_28 = arith.shrui %get3A_21, %shift_right_logical3A_27 : vector<16xi32>
    %swap3A_29 = arith.constant 0 : index
    %swap3A_30 = tpu.vector_load %arg8[%swap3A_29] {strides = array<i32>} : memref<128xi32, #tpu.memory_space<vmem>>, vector<16xi32>,
    %swap3A_31 = vector.shape_cast %swap3A_30 : vector<16xi32> to vector<16xi32>
    %swap3A_32 = vector.shape_cast %shift_right_logical3A_28 : vector<16xi32> to vector<16xi32>
    tpu.vector_store %arg8[%swap3A_29], %swap3A_32 {strides = array<i32>} : memref<128xi32, #tpu.memory_space<vmem>>, vector<16xi32>,
    %get3A_33 = arith.constant 16 : index
    %get3A_34 = tpu.vector_load %arg5[%get3A_33] {strides = array<i32>} : memref<10240xi32, #tpu.memory_space<vmem>>, vector<16xi32>,
    %get3A_35 = vector.shape_cast %get3A_34 : vector<16xi32> to vector<16xi32>
    %and3A_36 = arith.constant 65535 : i32
    %and3A_37 = vector.broadcast %and3A_36 : i32 to vector<16xi32>
    %and3A_38 = arith.andi %get3A_35, %and3A_37 : vector<16xi32>
    %swap3A_39 = arith.constant 16 : index
    %swap3A_40 = tpu.vector_load %arg6[%swap3A_39] {strides = array<i32>} : memref<128xi32, #tpu.memory_space<vmem>>, vector<16xi32>,
    %swap3A_41 = vector.shape_cast %swap3A_40 : vector<16xi32> to vector<16xi32>
    %swap3A_42 = vector.shape_cast %and3A_38 : vector<16xi32> to vector<16xi32>
    tpu.vector_store %arg6[%swap3A_39], %swap3A_42 {strides = array<i32>} : memref<128xi32, #tpu.memory_space<vmem>>, vector<16xi32>,
    %shift_right_logical3A_43 = arith.constant 16 : i32
    %shift_right_logical3A_44 = vector.broadcast %shift_right_logical3A_43 : i32 to vector<16xi32>
    %shift_right_logical3A_45 = arith.shrui %get3A_35, %shift_right_logical3A_44 : vector<16xi32>
    %swap3A_46 = arith.constant 16 : index
    %swap3A_47 = tpu.vector_load %arg8[%swap3A_46] {strides = array<i32>} : memref<128xi32, #tpu.memory_space<vmem>>, vector<16xi32>,
    %swap3A_48 = vector.shape_cast %swap3A_47 : vector<16xi32> to vector<16xi32>
    %swap3A_49 = vector.shape_cast %shift_right_logical3A_45 : vector<16xi32> to vector<16xi32>
    tpu.vector_store %arg8[%swap3A_46], %swap3A_49 {strides = array<i32>} : memref<128xi32, #tpu.memory_space<vmem>>, vector<16xi32>,
    %get3A_50 = arith.constant 32 : index
    %get3A_51 = tpu.vector_load %arg5[%get3A_50] {strides = array<i32>} : memref<10240xi32, #tpu.memory_space<vmem>>, vector<16xi32>,
    %get3A_52 = vector.shape_cast %get3A_51 : vector<16xi32> to vector<16xi32>
    %and3A_53 = arith.constant 65535 : i32
    %and3A_54 = vector.broadcast %and3A_53 : i32 to vector<16xi32>
    %and3A_55 = arith.andi %get3A_52, %and3A_54 : vector<16xi32>
    %swap3A_56 = arith.constant 32 : index
    %swap3A_57 = tpu.vector_load %arg6[%swap3A_56] {strides = array<i32>} : memref<128xi32, #tpu.memory_space<vmem>>, vector<16xi32>,
    %swap3A_58 = vector.shape_cast %swap3A_57 : vector<16xi32> to vector<16xi32>
    %swap3A_59 = vector.shape_cast %and3A_55 : vector<16xi32> to vector<16xi32>
    tpu.vector_store %arg6[%swap3A_56], %swap3A_59 {strides = array<i32>} : memref<128xi32, #tpu.memory_space<vmem>>, vector<16xi32>,
    %shift_right_logical3A_60 = arith.constant 16 : i32
    %shift_right_logical3A_61 = vector.broadcast %shift_right_logical3A_60 : i32 to vector<16xi32>
    %shift_right_logical3A_62 = arith.shrui %get3A_52, %shift_right_logical3A_61 : vector<16xi32>
    %swap3A_63 = arith.constant 32 : index
    %swap3A_64 = tpu.vector_load %arg8[%swap3A_63] {strides = array<i32>} : memref<128xi32, #tpu.memory_space<vmem>>, vector<16xi32>,
    %swap3A_65 = vector.shape_cast %swap3A_64 : vector<16xi32> to vector<16xi32>
    %swap3A_66 = vector.shape_cast %shift_right_logical3A_62 : vector<16xi32> to vector<16xi32>
    tpu.vector_store %arg8[%swap3A_63], %swap3A_66 {strides = array<i32>} : memref<128xi32, #tpu.memory_space<vmem>>, vector<16xi32>,
    %get3A_67 = arith.constant 48 : index
    %get3A_68 = tpu.vector_load %arg5[%get3A_67] {strides = array<i32>} : memref<10240xi32, #tpu.memory_space<vmem>>, vector<16xi32>,
    %get3A_69 = vector.shape_cast %get3A_68 : vector<16xi32> to vector<16xi32>
    %and3A_70 = arith.constant 65535 : i32
    %and3A_71 = vector.broadcast %and3A_70 : i32 to vector<16xi32>
    %and3A_72 = arith.andi %get3A_69, %and3A_71 : vector<16xi32>
    %swap3A_73 = arith.constant 48 : index
    %swap3A_74 = tpu.vector_load %arg6[%swap3A_73] {strides = array<i32>} : memref<128xi32, #tpu.memory_space<vmem>>, vector<16xi32>,
    %swap3A_75 = vector.shape_cast %swap3A_74 : vector<16xi32> to vector<16xi32>
    %swap3A_76 = vector.shape_cast %and3A_72 : vector<16xi32> to vector<16xi32>
    tpu.vector_store %arg6[%swap3A_73], %swap3A_76 {strides = array<i32>} : memref<128xi32, #tpu.memory_space<vmem>>, vector<16xi32>,
    %shift_right_logical3A_77 = arith.constant 16 : i32
    %shift_right_logical3A_78 = vector.broadcast %shift_right_logical3A_77 : i32 to vector<16xi32>
    %shift_right_logical3A_79 = arith.shrui %get3A_69, %shift_right_logical3A_78 : vector<16xi32>
    %swap3A_80 = arith.constant 48 : index
    %swap3A_81 = tpu.vector_load %arg8[%swap3A_80] {strides = array<i32>} : memref<128xi32, #tpu.memory_space<vmem>>, vector<16xi32>,
    %swap3A_82 = vector.shape_cast %swap3A_81 : vector<16xi32> to vector<16xi32>
    %swap3A_83 = vector.shape_cast %shift_right_logical3A_79 : vector<16xi32> to vector<16xi32>
    tpu.vector_store %arg8[%swap3A_80], %swap3A_83 {strides = array<i32>} : memref<128xi32, #tpu.memory_space<vmem>>, vector<16xi32>,
    %get3A_84 = arith.constant 64 : index
    %get3A_85 = tpu.vector_load %arg5[%get3A_84] {strides = array<i32>} : memref<10240xi32, #tpu.memory_space<vmem>>, vector<16xi32>,
    %get3A_86 = vector.shape_cast %get3A_85 : vector<16xi32> to vector<16xi32>
    %and3A_87 = arith.constant 65535 : i32
    %and3A_88 = vector.broadcast %and3A_87 : i32 to vector<16xi32>
    %and3A_89 = arith.andi %get3A_86, %and3A_88 : vector<16xi32>
    %swap3A_90 = arith.constant 64 : index
    %swap3A_91 = tpu.vector_load %arg6[%swap3A_90] {strides = array<i32>} : memref<128xi32, #tpu.memory_space<vmem>>, vector<16xi32>,
    %swap3A_92 = vector.shape_cast %swap3A_91 : vector<16xi32> to vector<16xi32>
    %swap3A_93 = vector.shape_cast %and3A_89 : vector<16xi32> to vector<16xi32>
    tpu.vector_store %arg6[%swap3A_90], %swap3A_93 {strides = array<i32>} : memref<128xi32, #tpu.memory_space<vmem>>, vector<16xi32>,
    %shift_right_logical3A_94 = arith.constant 16 : i32
    %shift_right_logical3A_95 = vector.broadcast %shift_right_logical3A_94 : i32 to vector<16xi32>
    %shift_right_logical3A_96 = arith.shrui %get3A_86, %shift_right_logical3A_95 : vector<16xi32>
    %swap3A_97 = arith.constant 64 : index
    %swap3A_98 = tpu.vector_load %arg8[%swap3A_97] {strides = array<i32>} : memref<128xi32, #tpu.memory_space<vmem>>, vector<16xi32>,
    %swap3A_99 = vector.shape_cast %swap3A_98 : vector<16xi32> to vector<16xi32>
    %swap3A_100 = vector.shape_cast %shift_right_logical3A_96 : vector<16xi32> to vector<16xi32>
    tpu.vector_store %arg8[%swap3A_97], %swap3A_100 {strides = array<i32>} : memref<128xi32, #tpu.memory_space<vmem>>, vector<16xi32>,
    %get3A_101 = arith.constant 80 : index
    %get3A_102 = tpu.vector_load %arg5[%get3A_101] {strides = array<i32>} : memref<10240xi32, #tpu.memory_space<vmem>>, vector<16xi32>,
    %get3A_103 = vector.shape_cast %get3A_102 : vector<16xi32> to vector<16xi32>
    %and3A_104 = arith.constant 65535 : i32
    %and3A_105 = vector.broadcast %and3A_104 : i32 to vector<16xi32>
    %and3A_106 = arith.andi %get3A_103, %and3A_105 : vector<16xi32>
    %swap3A_107 = arith.constant 80 : index
    %swap3A_108 = tpu.vector_load %arg6[%swap3A_107] {strides = array<i32>} : memref<128xi32, #tpu.memory_space<vmem>>, vector<16xi32>,
    %swap3A_109 = vector.shape_cast %swap3A_108 : vector<16xi32> to vector<16xi32>
    %swap3A_110 = vector.shape_cast %and3A_106 : vector<16xi32> to vector<16xi32>
    tpu.vector_store %arg6[%swap3A_107], %swap3A_110 {strides = array<i32>} : memref<128xi32, #tpu.memory_space<vmem>>, vector<16xi32>,
    %shift_right_logical3A_111 = arith.constant 16 : i32
    %shift_right_logical3A_112 = vector.broadcast %shift_right_logical3A_111 : i32 to vector<16xi32>
    %shift_right_logical3A_113 = arith.shrui %get3A_103, %shift_right_logical3A_112 : vector<16xi32>
    %swap3A_114 = arith.constant 80 : index
    %swap3A_115 = tpu.vector_load %arg8[%swap3A_114] {strides = array<i32>} : memref<128xi32, #tpu.memory_space<vmem>>, vector<16xi32>,
    %swap3A_116 = vector.shape_cast %swap3A_115 : vector<16xi32> to vector<16xi32>
    %swap3A_117 = vector.shape_cast %shift_right_logical3A_113 : vector<16xi32> to vector<16xi32>
    tpu.vector_store %arg8[%swap3A_114], %swap3A_117 {strides = array<i32>} : memref<128xi32, #tpu.memory_space<vmem>>, vector<16xi32>,
    %get3A_118 = arith.constant 96 : index
    %get3A_119 = tpu.vector_load %arg5[%get3A_118] {strides = array<i32>} : memref<10240xi32, #tpu.memory_space<vmem>>, vector<16xi32>,
    %get3A_120 = vector.shape_cast %get3A_119 : vector<16xi32> to vector<16xi32>
    %and3A_121 = arith.constant 65535 : i32
    %and3A_122 = vector.broadcast %and3A_121 : i32 to vector<16xi32>
    %and3A_123 = arith.andi %get3A_120, %and3A_122 : vector<16xi32>
    %swap3A_124 = arith.constant 96 : index
    %swap3A_125 = tpu.vector_load %arg6[%swap3A_124] {strides = array<i32>} : memref<128xi32, #tpu.memory_space<vmem>>, vector<16xi32>,
    %swap3A_126 = vector.shape_cast %swap3A_125 : vector<16xi32> to vector<16xi32>
    %swap3A_127 = vector.shape_cast %and3A_123 : vector<16xi32> to vector<16xi32>
    tpu.vector_store %arg6[%swap3A_124], %swap3A_127 {strides = array<i32>} : memref<128xi32, #tpu.memory_space<vmem>>, vector<16xi32>,
    %shift_right_logical3A_128 = arith.constant 16 : i32
    %shift_right_logical3A_129 = vector.broadcast %shift_right_logical3A_128 : i32 to vector<16xi32>
    %shift_right_logical3A_130 = arith.shrui %get3A_120, %shift_right_logical3A_129 : vector<16xi32>
    %swap3A_131 = arith.constant 96 : index
    %swap3A_132 = tpu.vector_load %arg8[%swap3A_131] {strides = array<i32>} : memref<128xi32, #tpu.memory_space<vmem>>, vector<16xi32>,
    %swap3A_133 = vector.shape_cast %swap3A_132 : vector<16xi32> to vector<16xi32>
    %swap3A_134 = vector.shape_cast %shift_right_logical3A_130 : vector<16xi32> to vector<16xi32>
    tpu.vector_store %arg8[%swap3A_131], %swap3A_134 {strides = array<i32>} : memref<128xi32, #tpu.memory_space<vmem>>, vector<16xi32>,
    %get3A_135 = arith.constant 112 : index
    %get3A_136 = tpu.vector_load %arg5[%get3A_135] {strides = array<i32>} : memref<10240xi32, #tpu.memory_space<vmem>>, vector<16xi32>,
    %get3A_137 = vector.shape_cast %get3A_136 : vector<16xi32> to vector<16xi32>
    %and3A_138 = arith.constant 65535 : i32
    %and3A_139 = vector.broadcast %and3A_138 : i32 to vector<16xi32>
    %and3A_140 = arith.andi %get3A_137, %and3A_139 : vector<16xi32>
    %swap3A_141 = arith.constant 112 : index
    %swap3A_142 = tpu.vector_load %arg6[%swap3A_141] {strides = array<i32>} : memref<128xi32, #tpu.memory_space<vmem>>, vector<16xi32>,
    %swap3A_143 = vector.shape_cast %swap3A_142 : vector<16xi32> to vector<16xi32>
    %swap3A_144 = vector.shape_cast %and3A_140 : vector<16xi32> to vector<16xi32>
    tpu.vector_store %arg6[%swap3A_141], %swap3A_144 {strides = array<i32>} : memref<128xi32, #tpu.memory_space<vmem>>, vector<16xi32>,
    %shift_right_logical3A_145 = arith.constant 16 : i32
    %shift_right_logical3A_146 = vector.broadcast %shift_right_logical3A_145 : i32 to vector<16xi32>
    %shift_right_logical3A_147 = arith.shrui %get3A_137, %shift_right_logical3A_146 : vector<16xi32>
    %swap3A_148 = arith.constant 112 : index
    %swap3A_149 = tpu.vector_load %arg8[%swap3A_148] {strides = array<i32>} : memref<128xi32, #tpu.memory_space<vmem>>, vector<16xi32>,
    %swap3A_150 = vector.shape_cast %swap3A_149 : vector<16xi32> to vector<16xi32>
    %swap3A_151 = vector.shape_cast %shift_right_logical3A_147 : vector<16xi32> to vector<16xi32>
    tpu.vector_store %arg8[%swap3A_148], %swap3A_151 {strides = array<i32>} : memref<128xi32, #tpu.memory_space<vmem>>, vector<16xi32>,
    %dma_start3A = arith.constant 0 : i32
    %dma_start3A_152 = arith.constant 0 : i32
    %dma_start3A_153 = tpu.memref_slice %arg2[%dma_start3A, %dma_start3A_152] : memref<10240x128xf32, #tpu.memory_space<hbm>> -> memref<10240x128xf32, #tpu.memory_space<hbm>>
    tpu.enqueue_indirect_dma source(%dma_start3A_153 : memref<10240x128xf32, #tpu.memory_space<hbm>>) target(%arg10 : memref<128x128xf32, #tpu.memory_space<vmem>>) offsets(%arg6 : memref<128xi32, #tpu.memory_space<vmem>>) semaphore(%arg13 : memref<!tpu.dma_semaphore, #tpu.memory_space<semaphore_mem>>)
    %get3A_154 = arith.constant 128 : index
    %get3A_155 = tpu.vector_load %arg5[%get3A_154] {strides = array<i32>} : memref<10240xi32, #tpu.memory_space<vmem>>, vector<16xi32>,
    %get3A_156 = vector.shape_cast %get3A_155 : vector<16xi32> to vector<16xi32>
    %and3A_157 = arith.constant 65535 : i32
    %and3A_158 = vector.broadcast %and3A_157 : i32 to vector<16xi32>
    %and3A_159 = arith.andi %get3A_156, %and3A_158 : vector<16xi32>
    %swap3A_160 = arith.constant 0 : index
    %swap3A_161 = tpu.vector_load %arg7[%swap3A_160] {strides = array<i32>} : memref<128xi32, #tpu.memory_space<vmem>>, vector<16xi32>,
    %swap3A_162 = vector.shape_cast %swap3A_161 : vector<16xi32> to vector<16xi32>
    %swap3A_163 = vector.shape_cast %and3A_159 : vector<16xi32> to vector<16xi32>
    tpu.vector_store %arg7[%swap3A_160], %swap3A_163 {strides = array<i32>} : memref<128xi32, #tpu.memory_space<vmem>>, vector<16xi32>,
    %shift_right_logical3A_164 = arith.constant 16 : i32
    %shift_right_logical3A_165 = vector.broadcast %shift_right_logical3A_164 : i32 to vector<16xi32>
    %shift_right_logical3A_166 = arith.shrui %get3A_156, %shift_right_logical3A_165 : vector<16xi32>
    %swap3A_167 = arith.constant 0 : index
    %swap3A_168 = tpu.vector_load %arg9[%swap3A_167] {strides = array<i32>} : memref<128xi32, #tpu.memory_space<vmem>>, vector<16xi32>,
    %swap3A_169 = vector.shape_cast %swap3A_168 : vector<16xi32> to vector<16xi32>
    %swap3A_170 = vector.shape_cast %shift_right_logical3A_166 : vector<16xi32> to vector<16xi32>
    tpu.vector_store %arg9[%swap3A_167], %swap3A_170 {strides = array<i32>} : memref<128xi32, #tpu.memory_space<vmem>>, vector<16xi32>,
    %get3A_171 = arith.constant 144 : index
    %get3A_172 = tpu.vector_load %arg5[%get3A_171] {strides = array<i32>} : memref<10240xi32, #tpu.memory_space<vmem>>, vector<16xi32>,
    %get3A_173 = vector.shape_cast %get3A_172 : vector<16xi32> to vector<16xi32>
    %and3A_174 = arith.constant 65535 : i32
    %and3A_175 = vector.broadcast %and3A_174 : i32 to vector<16xi32>
    %and3A_176 = arith.andi %get3A_173, %and3A_175 : vector<16xi32>
    %swap3A_177 = arith.constant 16 : index
    %swap3A_178 = tpu.vector_load %arg7[%swap3A_177] {strides = array<i32>} : memref<128xi32, #tpu.memory_space<vmem>>, vector<16xi32>,
    %swap3A_179 = vector.shape_cast %swap3A_178 : vector<16xi32> to vector<16xi32>
    %swap3A_180 = vector.shape_cast %and3A_176 : vector<16xi32> to vector<16xi32>
    tpu.vector_store %arg7[%swap3A_177], %swap3A_180 {strides = array<i32>} : memref<128xi32, #tpu.memory_space<vmem>>, vector<16xi32>,
    %shift_right_logical3A_181 = arith.constant 16 : i32
    %shift_right_logical3A_182 = vector.broadcast %shift_right_logical3A_181 : i32 to vector<16xi32>
    %shift_right_logical3A_183 = arith.shrui %get3A_173, %shift_right_logical3A_182 : vector<16xi32>
    %swap3A_184 = arith.constant 16 : index
    %swap3A_185 = tpu.vector_load %arg9[%swap3A_184] {strides = array<i32>} : memref<128xi32, #tpu.memory_space<vmem>>, vector<16xi32>,
    %swap3A_186 = vector.shape_cast %swap3A_185 : vector<16xi32> to vector<16xi32>
    %swap3A_187 = vector.shape_cast %shift_right_logical3A_183 : vector<16xi32> to vector<16xi32>
    tpu.vector_store %arg9[%swap3A_184], %swap3A_187 {strides = array<i32>} : memref<128xi32, #tpu.memory_space<vmem>>, vector<16xi32>,
    %get3A_188 = arith.constant 160 : index
    %get3A_189 = tpu.vector_load %arg5[%get3A_188] {strides = array<i32>} : memref<10240xi32, #tpu.memory_space<vmem>>, vector<16xi32>,
    %get3A_190 = vector.shape_cast %get3A_189 : vector<16xi32> to vector<16xi32>
    %and3A_191 = arith.constant 65535 : i32
    %and3A_192 = vector.broadcast %and3A_191 : i32 to vector<16xi32>
    %and3A_193 = arith.andi %get3A_190, %and3A_192 : vector<16xi32>
    %swap3A_194 = arith.constant 32 : index
    %swap3A_195 = tpu.vector_load %arg7[%swap3A_194] {strides = array<i32>} : memref<128xi32, #tpu.memory_space<vmem>>, vector<16xi32>,
    %swap3A_196 = vector.shape_cast %swap3A_195 : vector<16xi32> to vector<16xi32>
    %swap3A_197 = vector.shape_cast %and3A_193 : vector<16xi32> to vector<16xi32>
    tpu.vector_store %arg7[%swap3A_194], %swap3A_197 {strides = array<i32>} : memref<128xi32, #tpu.memory_space<vmem>>, vector<16xi32>,
    %shift_right_logical3A_198 = arith.constant 16 : i32
    %shift_right_logical3A_199 = vector.broadcast %shift_right_logical3A_198 : i32 to vector<16xi32>
    %shift_right_logical3A_200 = arith.shrui %get3A_190, %shift_right_logical3A_199 : vector<16xi32>
    %swap3A_201 = arith.constant 32 : index
    %swap3A_202 = tpu.vector_load %arg9[%swap3A_201] {strides = array<i32>} : memref<128xi32, #tpu.memory_space<vmem>>, vector<16xi32>,
    %swap3A_203 = vector.shape_cast %swap3A_202 : vector<16xi32> to vector<16xi32>
    %swap3A_204 = vector.shape_cast %shift_right_logical3A_200 : vector<16xi32> to vector<16xi32>
    tpu.vector_store %arg9[%swap3A_201], %swap3A_204 {strides = array<i32>} : memref<128xi32, #tpu.memory_space<vmem>>, vector<16xi32>,
    %get3A_205 = arith.constant 176 : index
    %get3A_206 = tpu.vector_load %arg5[%get3A_205] {strides = array<i32>} : memref<10240xi32, #tpu.memory_space<vmem>>, vector<16xi32>,
    %get3A_207 = vector.shape_cast %get3A_206 : vector<16xi32> to vector<16xi32>
    %and3A_208 = arith.constant 65535 : i32
    %and3A_209 = vector.broadcast %and3A_208 : i32 to vector<16xi32>
    %and3A_210 = arith.andi %get3A_207, %and3A_209 : vector<16xi32>
    %swap3A_211 = arith.constant 48 : index
    %swap3A_212 = tpu.vector_load %arg7[%swap3A_211] {strides = array<i32>} : memref<128xi32, #tpu.memory_space<vmem>>, vector<16xi32>,
    %swap3A_213 = vector.shape_cast %swap3A_212 : vector<16xi32> to vector<16xi32>
    %swap3A_214 = vector.shape_cast %and3A_210 : vector<16xi32> to vector<16xi32>
    tpu.vector_store %arg7[%swap3A_211], %swap3A_214 {strides = array<i32>} : memref<128xi32, #tpu.memory_space<vmem>>, vector<16xi32>,
    %shift_right_logical3A_215 = arith.constant 16 : i32
    %shift_right_logical3A_216 = vector.broadcast %shift_right_logical3A_215 : i32 to vector<16xi32>
    %shift_right_logical3A_217 = arith.shrui %get3A_207, %shift_right_logical3A_216 : vector<16xi32>
    %swap3A_218 = arith.constant 48 : index
    %swap3A_219 = tpu.vector_load %arg9[%swap3A_218] {strides = array<i32>} : memref<128xi32, #tpu.memory_space<vmem>>, vector<16xi32>,
    %swap3A_220 = vector.shape_cast %swap3A_219 : vector<16xi32> to vector<16xi32>
    %swap3A_221 = vector.shape_cast %shift_right_logical3A_217 : vector<16xi32> to vector<16xi32>
    tpu.vector_store %arg9[%swap3A_218], %swap3A_221 {strides = array<i32>} : memref<128xi32, #tpu.memory_space<vmem>>, vector<16xi32>,
    %get3A_222 = arith.constant 192 : index
    %get3A_223 = tpu.vector_load %arg5[%get3A_222] {strides = array<i32>} : memref<10240xi32, #tpu.memory_space<vmem>>, vector<16xi32>,
    %get3A_224 = vector.shape_cast %get3A_223 : vector<16xi32> to vector<16xi32>
    %and3A_225 = arith.constant 65535 : i32
    %and3A_226 = vector.broadcast %and3A_225 : i32 to vector<16xi32>
    %and3A_227 = arith.andi %get3A_224, %and3A_226 : vector<16xi32>
    %swap3A_228 = arith.constant 64 : index
    %swap3A_229 = tpu.vector_load %arg7[%swap3A_228] {strides = array<i32>} : memref<128xi32, #tpu.memory_space<vmem>>, vector<16xi32>,
    %swap3A_230 = vector.shape_cast %swap3A_229 : vector<16xi32> to vector<16xi32>
    %swap3A_231 = vector.shape_cast %and3A_227 : vector<16xi32> to vector<16xi32>
    tpu.vector_store %arg7[%swap3A_228], %swap3A_231 {strides = array<i32>} : memref<128xi32, #tpu.memory_space<vmem>>, vector<16xi32>,
    %shift_right_logical3A_232 = arith.constant 16 : i32
    %shift_right_logical3A_233 = vector.broadcast %shift_right_logical3A_232 : i32 to vector<16xi32>
    %shift_right_logical3A_234 = arith.shrui %get3A_224, %shift_right_logical3A_233 : vector<16xi32>
    %swap3A_235 = arith.constant 64 : index
    %swap3A_236 = tpu.vector_load %arg9[%swap3A_235] {strides = array<i32>} : memref<128xi32, #tpu.memory_space<vmem>>, vector<16xi32>,
    %swap3A_237 = vector.shape_cast %swap3A_236 : vector<16xi32> to vector<16xi32>
    %swap3A_238 = vector.shape_cast %shift_right_logical3A_234 : vector<16xi32> to vector<16xi32>
    tpu.vector_store %arg9[%swap3A_235], %swap3A_238 {strides = array<i32>} : memref<128xi32, #tpu.memory_space<vmem>>, vector<16xi32>,
    %get3A_239 = arith.constant 208 : index
    %get3A_240 = tpu.vector_load %arg5[%get3A_239] {strides = array<i32>} : memref<10240xi32, #tpu.memory_space<vmem>>, vector<16xi32>,
    %get3A_241 = vector.shape_cast %get3A_240 : vector<16xi32> to vector<16xi32>
    %and3A_242 = arith.constant 65535 : i32
    %and3A_243 = vector.broadcast %and3A_242 : i32 to vector<16xi32>
    %and3A_244 = arith.andi %get3A_241, %and3A_243 : vector<16xi32>
    %swap3A_245 = arith.constant 80 : index
    %swap3A_246 = tpu.vector_load %arg7[%swap3A_245] {strides = array<i32>} : memref<128xi32, #tpu.memory_space<vmem>>, vector<16xi32>,
    %swap3A_247 = vector.shape_cast %swap3A_246 : vector<16xi32> to vector<16xi32>
    %swap3A_248 = vector.shape_cast %and3A_244 : vector<16xi32> to vector<16xi32>
    tpu.vector_store %arg7[%swap3A_245], %swap3A_248 {strides = array<i32>} : memref<128xi32, #tpu.memory_space<vmem>>, vector<16xi32>,
    %shift_right_logical3A_249 = arith.constant 16 : i32
    %shift_right_logical3A_250 = vector.broadcast %shift_right_logical3A_249 : i32 to vector<16xi32>
    %shift_right_logical3A_251 = arith.shrui %get3A_241, %shift_right_logical3A_250 : vector<16xi32>
    %swap3A_252 = arith.constant 80 : index
    %swap3A_253 = tpu.vector_load %arg9[%swap3A_252] {strides = array<i32>} : memref<128xi32, #tpu.memory_space<vmem>>, vector<16xi32>,
    %swap3A_254 = vector.shape_cast %swap3A_253 : vector<16xi32> to vector<16xi32>
    %swap3A_255 = vector.shape_cast %shift_right_logical3A_251 : vector<16xi32> to vector<16xi32>
    tpu.vector_store %arg9[%swap3A_252], %swap3A_255 {strides = array<i32>} : memref<128xi32, #tpu.memory_space<vmem>>, vector<16xi32>,
    %get3A_256 = arith.constant 224 : index
    %get3A_257 = tpu.vector_load %arg5[%get3A_256] {strides = array<i32>} : memref<10240xi32, #tpu.memory_space<vmem>>, vector<16xi32>,
    %get3A_258 = vector.shape_cast %get3A_257 : vector<16xi32> to vector<16xi32>
    %and3A_259 = arith.constant 65535 : i32
    %and3A_260 = vector.broadcast %and3A_259 : i32 to vector<16xi32>
    %and3A_261 = arith.andi %get3A_258, %and3A_260 : vector<16xi32>
    %swap3A_262 = arith.constant 96 : index
    %swap3A_263 = tpu.vector_load %arg7[%swap3A_262] {strides = array<i32>} : memref<128xi32, #tpu.memory_space<vmem>>, vector<16xi32>,
    %swap3A_264 = vector.shape_cast %swap3A_263 : vector<16xi32> to vector<16xi32>
    %swap3A_265 = vector.shape_cast %and3A_261 : vector<16xi32> to vector<16xi32>
    tpu.vector_store %arg7[%swap3A_262], %swap3A_265 {strides = array<i32>} : memref<128xi32, #tpu.memory_space<vmem>>, vector<16xi32>,
    %shift_right_logical3A_266 = arith.constant 16 : i32
    %shift_right_logical3A_267 = vector.broadcast %shift_right_logical3A_266 : i32 to vector<16xi32>
    %shift_right_logical3A_268 = arith.shrui %get3A_258, %shift_right_logical3A_267 : vector<16xi32>
    %swap3A_269 = arith.constant 96 : index
    %swap3A_270 = tpu.vector_load %arg9[%swap3A_269] {strides = array<i32>} : memref<128xi32, #tpu.memory_space<vmem>>, vector<16xi32>,
    %swap3A_271 = vector.shape_cast %swap3A_270 : vector<16xi32> to vector<16xi32>
    %swap3A_272 = vector.shape_cast %shift_right_logical3A_268 : vector<16xi32> to vector<16xi32>
    tpu.vector_store %arg9[%swap3A_269], %swap3A_272 {strides = array<i32>} : memref<128xi32, #tpu.memory_space<vmem>>, vector<16xi32>,
    %get3A_273 = arith.constant 240 : index
    %get3A_274 = tpu.vector_load %arg5[%get3A_273] {strides = array<i32>} : memref<10240xi32, #tpu.memory_space<vmem>>, vector<16xi32>,
    %get3A_275 = vector.shape_cast %get3A_274 : vector<16xi32> to vector<16xi32>
    %and3A_276 = arith.constant 65535 : i32
    %and3A_277 = vector.broadcast %and3A_276 : i32 to vector<16xi32>
    %and3A_278 = arith.andi %get3A_275, %and3A_277 : vector<16xi32>
    %swap3A_279 = arith.constant 112 : index
    %swap3A_280 = tpu.vector_load %arg7[%swap3A_279] {strides = array<i32>} : memref<128xi32, #tpu.memory_space<vmem>>, vector<16xi32>,
    %swap3A_281 = vector.shape_cast %swap3A_280 : vector<16xi32> to vector<16xi32>
    %swap3A_282 = vector.shape_cast %and3A_278 : vector<16xi32> to vector<16xi32>
    tpu.vector_store %arg7[%swap3A_279], %swap3A_282 {strides = array<i32>} : memref<128xi32, #tpu.memory_space<vmem>>, vector<16xi32>,
    %shift_right_logical3A_283 = arith.constant 16 : i32
    %shift_right_logical3A_284 = vector.broadcast %shift_right_logical3A_283 : i32 to vector<16xi32>
    %shift_right_logical3A_285 = arith.shrui %get3A_275, %shift_right_logical3A_284 : vector<16xi32>
    %swap3A_286 = arith.constant 112 : index
    %swap3A_287 = tpu.vector_load %arg9[%swap3A_286] {strides = array<i32>} : memref<128xi32, #tpu.memory_space<vmem>>, vector<16xi32>,
    %swap3A_288 = vector.shape_cast %swap3A_287 : vector<16xi32> to vector<16xi32>
    %swap3A_289 = vector.shape_cast %shift_right_logical3A_285 : vector<16xi32> to vector<16xi32>
    tpu.vector_store %arg9[%swap3A_286], %swap3A_289 {strides = array<i32>} : memref<128xi32, #tpu.memory_space<vmem>>, vector<16xi32>,
    %dma_start3A_290 = arith.constant 0 : i32
    %dma_start3A_291 = arith.constant 0 : i32
    %dma_start3A_292 = tpu.memref_slice %arg2[%dma_start3A_290, %dma_start3A_291] : memref<10240x128xf32, #tpu.memory_space<hbm>> -> memref<10240x128xf32, #tpu.memory_space<hbm>>
    tpu.enqueue_indirect_dma source(%dma_start3A_292 : memref<10240x128xf32, #tpu.memory_space<hbm>>) target(%arg11 : memref<128x128xf32, #tpu.memory_space<vmem>>) offsets(%arg7 : memref<128xi32, #tpu.memory_space<vmem>>) semaphore(%arg14 : memref<!tpu.dma_semaphore, #tpu.memory_space<semaphore_mem>>)
    %scan3A_293 = arith.constant 0 : i32
    %scan3A_294 = arith.constant 0 : i32
    %scan3A_295 = arith.constant 39 : i32
    %scan3A_296 = arith.addi %scan3A_294, %scan3A_295 : i32
    %scan3A_297 = arith.constant 1 : i32
    %scan3A_298 = scf.for %scan3A_321 = %scan3A_294 to %scan3A_296 step %scan3A_297 iter_args(%scan3A_322 = %scan3A_293) -> (i32)  : i32 {
      %mul3A_323 = arith.constant 2 : i32
      %mul3A_324 = arith.muli %mul3A_323, %scan3A_321 : i32
      %mul3A_325 = arith.constant 2 : i32
      %mul3A_326 = arith.muli %mul3A_325, %scan3A_321 : i32
      %add3A_327 = arith.constant 1 : i32
      %add3A_328 = arith.addi %mul3A_326, %add3A_327 : i32
      %dma_wait3A_329 = arith.constant 0 : i32
      %dma_wait3A_330 = arith.constant 0 : i32
      %dma_wait3A_331 = tpu.memref_slice %arg2[%dma_wait3A_329, %dma_wait3A_330] : memref<10240x128xf32, #tpu.memory_space<hbm>> -> memref<10240x128xf32, #tpu.memory_space<hbm>>
      tpu.wait_indirect_dma semaphore(%arg13 : memref<!tpu.dma_semaphore, #tpu.memory_space<semaphore_mem>>) src(%dma_wait3A_331 : memref<10240x128xf32, #tpu.memory_space<hbm>>) dst(%arg10 : memref<128x128xf32, #tpu.memory_space<vmem>>)
      %dma_start3A_332 = arith.constant 0 : i32
      %dma_start3A_333 = arith.constant 0 : i32
      %dma_start3A_334 = tpu.memref_slice %arg12[%dma_start3A_332, %dma_start3A_333] : memref<10240x128xf32, #tpu.memory_space<vmem_shared>> -> memref<10240x128xf32, #tpu.memory_space<vmem_shared>>
      tpu.enqueue_indirect_dma source(%arg10 : memref<128x128xf32, #tpu.memory_space<vmem>>) target(%dma_start3A_334 : memref<10240x128xf32, #tpu.memory_space<vmem_shared>>) offsets(%arg8 : memref<128xi32, #tpu.memory_space<vmem>>) semaphore(%arg15 : memref<!tpu.dma_semaphore, #tpu.memory_space<semaphore_mem>>) {add = true}
      %dma_wait3A_335 = arith.constant 0 : i32
      %dma_wait3A_336 = arith.constant 0 : i32
      %dma_wait3A_337 = tpu.memref_slice %arg2[%dma_wait3A_335, %dma_wait3A_336] : memref<10240x128xf32, #tpu.memory_space<hbm>> -> memref<10240x128xf32, #tpu.memory_space<hbm>>
      tpu.wait_indirect_dma semaphore(%arg14 : memref<!tpu.dma_semaphore, #tpu.memory_space<semaphore_mem>>) src(%dma_wait3A_337 : memref<10240x128xf32, #tpu.memory_space<hbm>>) dst(%arg11 : memref<128x128xf32, #tpu.memory_space<vmem>>)
      %dma_start3A_338 = arith.constant 0 : i32
      %dma_start3A_339 = arith.constant 0 : i32
      %dma_start3A_340 = tpu.memref_slice %arg12[%dma_start3A_338, %dma_start3A_339] : memref<10240x128xf32, #tpu.memory_space<vmem_shared>> -> memref<10240x128xf32, #tpu.memory_space<vmem_shared>>
      tpu.enqueue_indirect_dma source(%arg11 : memref<128x128xf32, #tpu.memory_space<vmem>>) target(%dma_start3A_340 : memref<10240x128xf32, #tpu.memory_space<vmem_shared>>) offsets(%arg9 : memref<128xi32, #tpu.memory_space<vmem>>) semaphore(%arg16 : memref<!tpu.dma_semaphore, #tpu.memory_space<semaphore_mem>>) {add = true}
      %dma_wait3A_341 = arith.constant 0 : i32
      %dma_wait3A_342 = arith.constant 0 : i32
      %dma_wait3A_343 = tpu.memref_slice %arg12[%dma_wait3A_341, %dma_wait3A_342] : memref<10240x128xf32, #tpu.memory_space<vmem_shared>> -> memref<10240x128xf32, #tpu.memory_space<vmem_shared>>
      tpu.wait_indirect_dma semaphore(%arg15 : memref<!tpu.dma_semaphore, #tpu.memory_space<semaphore_mem>>) src(%arg10 : memref<128x128xf32, #tpu.memory_space<vmem>>) dst(%dma_wait3A_343 : memref<10240x128xf32, #tpu.memory_space<vmem_shared>>)
      %add3A_344 = arith.constant 2 : i32
      %add3A_345 = arith.addi %mul3A_324, %add3A_344 : i32
      %mul3A_346 = arith.constant 128 : i32
      %mul3A_347 = arith.muli %add3A_345, %mul3A_346 : i32
      %add3A_348 = arith.constant 0 : i32
      %add3A_349 = arith.addi %mul3A_347, %add3A_348 : i32
      %get3A_350 = arith.index_cast %add3A_349 : i32 to index
      %get3A_351 = tpu.vector_load %arg5[%get3A_350] {strides = array<i32>} : memref<10240xi32, #tpu.memory_space<vmem>>, vector<16xi32>,
      %get3A_352 = vector.shape_cast %get3A_351 : vector<16xi32> to vector<16xi32>
      %and3A_353 = arith.constant 65535 : i32
      %and3A_354 = vector.broadcast %and3A_353 : i32 to vector<16xi32>
      %and3A_355 = arith.andi %get3A_352, %and3A_354 : vector<16xi32>
      %swap3A_356 = arith.constant 0 : index
      %swap3A_357 = tpu.vector_load %arg6[%swap3A_356] {strides = array<i32>} : memref<128xi32, #tpu.memory_space<vmem>>, vector<16xi32>,
      %swap3A_358 = vector.shape_cast %swap3A_357 : vector<16xi32> to vector<16xi32>
      %swap3A_359 = vector.shape_cast %and3A_355 : vector<16xi32> to vector<16xi32>
      tpu.vector_store %arg6[%swap3A_356], %swap3A_359 {strides = array<i32>} : memref<128xi32, #tpu.memory_space<vmem>>, vector<16xi32>,
      %shift_right_logical3A_360 = arith.constant 16 : i32
      %shift_right_logical3A_361 = vector.broadcast %shift_right_logical3A_360 : i32 to vector<16xi32>
      %shift_right_logical3A_362 = arith.shrui %get3A_352, %shift_right_logical3A_361 : vector<16xi32>
      %swap3A_363 = arith.constant 0 : index
      %swap3A_364 = tpu.vector_load %arg8[%swap3A_363] {strides = array<i32>} : memref<128xi32, #tpu.memory_space<vmem>>, vector<16xi32>,
      %swap3A_365 = vector.shape_cast %swap3A_364 : vector<16xi32> to vector<16xi32>
      %swap3A_366 = vector.shape_cast %shift_right_logical3A_362 : vector<16xi32> to vector<16xi32>
      tpu.vector_store %arg8[%swap3A_363], %swap3A_366 {strides = array<i32>} : memref<128xi32, #tpu.memory_space<vmem>>, vector<16xi32>,
      %mul3A_367 = arith.constant 128 : i32
      %mul3A_368 = arith.muli %add3A_345, %mul3A_367 : i32
      %add3A_369 = arith.constant 16 : i32
      %add3A_370 = arith.addi %mul3A_368, %add3A_369 : i32
      %get3A_371 = arith.index_cast %add3A_370 : i32 to index
      %get3A_372 = tpu.vector_load %arg5[%get3A_371] {strides = array<i32>} : memref<10240xi32, #tpu.memory_space<vmem>>, vector<16xi32>,
      %get3A_373 = vector.shape_cast %get3A_372 : vector<16xi32> to vector<16xi32>
      %and3A_374 = arith.constant 65535 : i32
      %and3A_375 = vector.broadcast %and3A_374 : i32 to vector<16xi32>
      %and3A_376 = arith.andi %get3A_373, %and3A_375 : vector<16xi32>
      %swap3A_377 = arith.constant 16 : index
      %swap3A_378 = tpu.vector_load %arg6[%swap3A_377] {strides = array<i32>} : memref<128xi32, #tpu.memory_space<vmem>>, vector<16xi32>,
      %swap3A_379 = vector.shape_cast %swap3A_378 : vector<16xi32> to vector<16xi32>
      %swap3A_380 = vector.shape_cast %and3A_376 : vector<16xi32> to vector<16xi32>
      tpu.vector_store %arg6[%swap3A_377], %swap3A_380 {strides = array<i32>} : memref<128xi32, #tpu.memory_space<vmem>>, vector<16xi32>,
      %shift_right_logical3A_381 = arith.constant 16 : i32
      %shift_right_logical3A_382 = vector.broadcast %shift_right_logical3A_381 : i32 to vector<16xi32>
      %shift_right_logical3A_383 = arith.shrui %get3A_373, %shift_right_logical3A_382 : vector<16xi32>
      %swap3A_384 = arith.constant 16 : index
      %swap3A_385 = tpu.vector_load %arg8[%swap3A_384] {strides = array<i32>} : memref<128xi32, #tpu.memory_space<vmem>>, vector<16xi32>,
      %swap3A_386 = vector.shape_cast %swap3A_385 : vector<16xi32> to vector<16xi32>
      %swap3A_387 = vector.shape_cast %shift_right_logical3A_383 : vector<16xi32> to vector<16xi32>
      tpu.vector_store %arg8[%swap3A_384], %swap3A_387 {strides = array<i32>} : memref<128xi32, #tpu.memory_space<vmem>>, vector<16xi32>,
      %mul3A_388 = arith.constant 128 : i32
      %mul3A_389 = arith.muli %add3A_345, %mul3A_388 : i32
      %add3A_390 = arith.constant 32 : i32
      %add3A_391 = arith.addi %mul3A_389, %add3A_390 : i32
      %get3A_392 = arith.index_cast %add3A_391 : i32 to index
      %get3A_393 = tpu.vector_load %arg5[%get3A_392] {strides = array<i32>} : memref<10240xi32, #tpu.memory_space<vmem>>, vector<16xi32>,
      %get3A_394 = vector.shape_cast %get3A_393 : vector<16xi32> to vector<16xi32>
      %and3A_395 = arith.constant 65535 : i32
      %and3A_396 = vector.broadcast %and3A_395 : i32 to vector<16xi32>
      %and3A_397 = arith.andi %get3A_394, %and3A_396 : vector<16xi32>
      %swap3A_398 = arith.constant 32 : index
      %swap3A_399 = tpu.vector_load %arg6[%swap3A_398] {strides = array<i32>} : memref<128xi32, #tpu.memory_space<vmem>>, vector<16xi32>,
      %swap3A_400 = vector.shape_cast %swap3A_399 : vector<16xi32> to vector<16xi32>
      %swap3A_401 = vector.shape_cast %and3A_397 : vector<16xi32> to vector<16xi32>
      tpu.vector_store %arg6[%swap3A_398], %swap3A_401 {strides = array<i32>} : memref<128xi32, #tpu.memory_space<vmem>>, vector<16xi32>,
      %shift_right_logical3A_402 = arith.constant 16 : i32
      %shift_right_logical3A_403 = vector.broadcast %shift_right_logical3A_402 : i32 to vector<16xi32>
      %shift_right_logical3A_404 = arith.shrui %get3A_394, %shift_right_logical3A_403 : vector<16xi32>
      %swap3A_405 = arith.constant 32 : index
      %swap3A_406 = tpu.vector_load %arg8[%swap3A_405] {strides = array<i32>} : memref<128xi32, #tpu.memory_space<vmem>>, vector<16xi32>,
      %swap3A_407 = vector.shape_cast %swap3A_406 : vector<16xi32> to vector<16xi32>
      %swap3A_408 = vector.shape_cast %shift_right_logical3A_404 : vector<16xi32> to vector<16xi32>
      tpu.vector_store %arg8[%swap3A_405], %swap3A_408 {strides = array<i32>} : memref<128xi32, #tpu.memory_space<vmem>>, vector<16xi32>,
      %mul3A_409 = arith.constant 128 : i32
      %mul3A_410 = arith.muli %add3A_345, %mul3A_409 : i32
      %add3A_411 = arith.constant 48 : i32
      %add3A_412 = arith.addi %mul3A_410, %add3A_411 : i32
      %get3A_413 = arith.index_cast %add3A_412 : i32 to index
      %get3A_414 = tpu.vector_load %arg5[%get3A_413] {strides = array<i32>} : memref<10240xi32, #tpu.memory_space<vmem>>, vector<16xi32>,
      %get3A_415 = vector.shape_cast %get3A_414 : vector<16xi32> to vector<16xi32>
      %and3A_416 = arith.constant 65535 : i32
      %and3A_417 = vector.broadcast %and3A_416 : i32 to vector<16xi32>
      %and3A_418 = arith.andi %get3A_415, %and3A_417 : vector<16xi32>
      %swap3A_419 = arith.constant 48 : index
      %swap3A_420 = tpu.vector_load %arg6[%swap3A_419] {strides = array<i32>} : memref<128xi32, #tpu.memory_space<vmem>>, vector<16xi32>,
      %swap3A_421 = vector.shape_cast %swap3A_420 : vector<16xi32> to vector<16xi32>
      %swap3A_422 = vector.shape_cast %and3A_418 : vector<16xi32> to vector<16xi32>
      tpu.vector_store %arg6[%swap3A_419], %swap3A_422 {strides = array<i32>} : memref<128xi32, #tpu.memory_space<vmem>>, vector<16xi32>,
      %shift_right_logical3A_423 = arith.constant 16 : i32
      %shift_right_logical3A_424 = vector.broadcast %shift_right_logical3A_423 : i32 to vector<16xi32>
      %shift_right_logical3A_425 = arith.shrui %get3A_415, %shift_right_logical3A_424 : vector<16xi32>
      %swap3A_426 = arith.constant 48 : index
      %swap3A_427 = tpu.vector_load %arg8[%swap3A_426] {strides = array<i32>} : memref<128xi32, #tpu.memory_space<vmem>>, vector<16xi32>,
      %swap3A_428 = vector.shape_cast %swap3A_427 : vector<16xi32> to vector<16xi32>
      %swap3A_429 = vector.shape_cast %shift_right_logical3A_425 : vector<16xi32> to vector<16xi32>
      tpu.vector_store %arg8[%swap3A_426], %swap3A_429 {strides = array<i32>} : memref<128xi32, #tpu.memory_space<vmem>>, vector<16xi32>,
      %mul3A_430 = arith.constant 128 : i32
      %mul3A_431 = arith.muli %add3A_345, %mul3A_430 : i32
      %add3A_432 = arith.constant 64 : i32
      %add3A_433 = arith.addi %mul3A_431, %add3A_432 : i32
      %get3A_434 = arith.index_cast %add3A_433 : i32 to index
      %get3A_435 = tpu.vector_load %arg5[%get3A_434] {strides = array<i32>} : memref<10240xi32, #tpu.memory_space<vmem>>, vector<16xi32>,
      %get3A_436 = vector.shape_cast %get3A_435 : vector<16xi32> to vector<16xi32>
      %and3A_437 = arith.constant 65535 : i32
      %and3A_438 = vector.broadcast %and3A_437 : i32 to vector<16xi32>
      %and3A_439 = arith.andi %get3A_436, %and3A_438 : vector<16xi32>
      %swap3A_440 = arith.constant 64 : index
      %swap3A_441 = tpu.vector_load %arg6[%swap3A_440] {strides = array<i32>} : memref<128xi32, #tpu.memory_space<vmem>>, vector<16xi32>,
      %swap3A_442 = vector.shape_cast %swap3A_441 : vector<16xi32> to vector<16xi32>
      %swap3A_443 = vector.shape_cast %and3A_439 : vector<16xi32> to vector<16xi32>
      tpu.vector_store %arg6[%swap3A_440], %swap3A_443 {strides = array<i32>} : memref<128xi32, #tpu.memory_space<vmem>>, vector<16xi32>,
      %shift_right_logical3A_444 = arith.constant 16 : i32
      %shift_right_logical3A_445 = vector.broadcast %shift_right_logical3A_444 : i32 to vector<16xi32>
      %shift_right_logical3A_446 = arith.shrui %get3A_436, %shift_right_logical3A_445 : vector<16xi32>
      %swap3A_447 = arith.constant 64 : index
      %swap3A_448 = tpu.vector_load %arg8[%swap3A_447] {strides = array<i32>} : memref<128xi32, #tpu.memory_space<vmem>>, vector<16xi32>,
      %swap3A_449 = vector.shape_cast %swap3A_448 : vector<16xi32> to vector<16xi32>
      %swap3A_450 = vector.shape_cast %shift_right_logical3A_446 : vector<16xi32> to vector<16xi32>
      tpu.vector_store %arg8[%swap3A_447], %swap3A_450 {strides = array<i32>} : memref<128xi32, #tpu.memory_space<vmem>>, vector<16xi32>,
      %mul3A_451 = arith.constant 128 : i32
      %mul3A_452 = arith.muli %add3A_345, %mul3A_451 : i32
      %add3A_453 = arith.constant 80 : i32
      %add3A_454 = arith.addi %mul3A_452, %add3A_453 : i32
      %get3A_455 = arith.index_cast %add3A_454 : i32 to index
      %get3A_456 = tpu.vector_load %arg5[%get3A_455] {strides = array<i32>} : memref<10240xi32, #tpu.memory_space<vmem>>, vector<16xi32>,
      %get3A_457 = vector.shape_cast %get3A_456 : vector<16xi32> to vector<16xi32>
      %and3A_458 = arith.constant 65535 : i32
      %and3A_459 = vector.broadcast %and3A_458 : i32 to vector<16xi32>
      %and3A_460 = arith.andi %get3A_457, %and3A_459 : vector<16xi32>
      %swap3A_461 = arith.constant 80 : index
      %swap3A_462 = tpu.vector_load %arg6[%swap3A_461] {strides = array<i32>} : memref<128xi32, #tpu.memory_space<vmem>>, vector<16xi32>,
      %swap3A_463 = vector.shape_cast %swap3A_462 : vector<16xi32> to vector<16xi32>
      %swap3A_464 = vector.shape_cast %and3A_460 : vector<16xi32> to vector<16xi32>
      tpu.vector_store %arg6[%swap3A_461], %swap3A_464 {strides = array<i32>} : memref<128xi32, #tpu.memory_space<vmem>>, vector<16xi32>,
      %shift_right_logical3A_465 = arith.constant 16 : i32
      %shift_right_logical3A_466 = vector.broadcast %shift_right_logical3A_465 : i32 to vector<16xi32>
      %shift_right_logical3A_467 = arith.shrui %get3A_457, %shift_right_logical3A_466 : vector<16xi32>
      %swap3A_468 = arith.constant 80 : index
      %swap3A_469 = tpu.vector_load %arg8[%swap3A_468] {strides = array<i32>} : memref<128xi32, #tpu.memory_space<vmem>>, vector<16xi32>,
      %swap3A_470 = vector.shape_cast %swap3A_469 : vector<16xi32> to vector<16xi32>
      %swap3A_471 = vector.shape_cast %shift_right_logical3A_467 : vector<16xi32> to vector<16xi32>
      tpu.vector_store %arg8[%swap3A_468], %swap3A_471 {strides = array<i32>} : memref<128xi32, #tpu.memory_space<vmem>>, vector<16xi32>,
      %mul3A_472 = arith.constant 128 : i32
      %mul3A_473 = arith.muli %add3A_345, %mul3A_472 : i32
      %add3A_474 = arith.constant 96 : i32
      %add3A_475 = arith.addi %mul3A_473, %add3A_474 : i32
      %get3A_476 = arith.index_cast %add3A_475 : i32 to index
      %get3A_477 = tpu.vector_load %arg5[%get3A_476] {strides = array<i32>} : memref<10240xi32, #tpu.memory_space<vmem>>, vector<16xi32>,
      %get3A_478 = vector.shape_cast %get3A_477 : vector<16xi32> to vector<16xi32>
      %and3A_479 = arith.constant 65535 : i32
      %and3A_480 = vector.broadcast %and3A_479 : i32 to vector<16xi32>
      %and3A_481 = arith.andi %get3A_478, %and3A_480 : vector<16xi32>
      %swap3A_482 = arith.constant 96 : index
      %swap3A_483 = tpu.vector_load %arg6[%swap3A_482] {strides = array<i32>} : memref<128xi32, #tpu.memory_space<vmem>>, vector<16xi32>,
      %swap3A_484 = vector.shape_cast %swap3A_483 : vector<16xi32> to vector<16xi32>
      %swap3A_485 = vector.shape_cast %and3A_481 : vector<16xi32> to vector<16xi32>
      tpu.vector_store %arg6[%swap3A_482], %swap3A_485 {strides = array<i32>} : memref<128xi32, #tpu.memory_space<vmem>>, vector<16xi32>,
      %shift_right_logical3A_486 = arith.constant 16 : i32
      %shift_right_logical3A_487 = vector.broadcast %shift_right_logical3A_486 : i32 to vector<16xi32>
      %shift_right_logical3A_488 = arith.shrui %get3A_478, %shift_right_logical3A_487 : vector<16xi32>
      %swap3A_489 = arith.constant 96 : index
      %swap3A_490 = tpu.vector_load %arg8[%swap3A_489] {strides = array<i32>} : memref<128xi32, #tpu.memory_space<vmem>>, vector<16xi32>,
      %swap3A_491 = vector.shape_cast %swap3A_490 : vector<16xi32> to vector<16xi32>
      %swap3A_492 = vector.shape_cast %shift_right_logical3A_488 : vector<16xi32> to vector<16xi32>
      tpu.vector_store %arg8[%swap3A_489], %swap3A_492 {strides = array<i32>} : memref<128xi32, #tpu.memory_space<vmem>>, vector<16xi32>,
      %mul3A_493 = arith.constant 128 : i32
      %mul3A_494 = arith.muli %add3A_345, %mul3A_493 : i32
      %add3A_495 = arith.constant 112 : i32
      %add3A_496 = arith.addi %mul3A_494, %add3A_495 : i32
      %get3A_497 = arith.index_cast %add3A_496 : i32 to index
      %get3A_498 = tpu.vector_load %arg5[%get3A_497] {strides = array<i32>} : memref<10240xi32, #tpu.memory_space<vmem>>, vector<16xi32>,
      %get3A_499 = vector.shape_cast %get3A_498 : vector<16xi32> to vector<16xi32>
      %and3A_500 = arith.constant 65535 : i32
      %and3A_501 = vector.broadcast %and3A_500 : i32 to vector<16xi32>
      %and3A_502 = arith.andi %get3A_499, %and3A_501 : vector<16xi32>
      %swap3A_503 = arith.constant 112 : index
      %swap3A_504 = tpu.vector_load %arg6[%swap3A_503] {strides = array<i32>} : memref<128xi32, #tpu.memory_space<vmem>>, vector<16xi32>,
      %swap3A_505 = vector.shape_cast %swap3A_504 : vector<16xi32> to vector<16xi32>
      %swap3A_506 = vector.shape_cast %and3A_502 : vector<16xi32> to vector<16xi32>
      tpu.vector_store %arg6[%swap3A_503], %swap3A_506 {strides = array<i32>} : memref<128xi32, #tpu.memory_space<vmem>>, vector<16xi32>,
      %shift_right_logical3A_507 = arith.constant 16 : i32
      %shift_right_logical3A_508 = vector.broadcast %shift_right_logical3A_507 : i32 to vector<16xi32>
      %shift_right_logical3A_509 = arith.shrui %get3A_499, %shift_right_logical3A_508 : vector<16xi32>
      %swap3A_510 = arith.constant 112 : index
      %swap3A_511 = tpu.vector_load %arg8[%swap3A_510] {strides = array<i32>} : memref<128xi32, #tpu.memory_space<vmem>>, vector<16xi32>,
      %swap3A_512 = vector.shape_cast %swap3A_511 : vector<16xi32> to vector<16xi32>
      %swap3A_513 = vector.shape_cast %shift_right_logical3A_509 : vector<16xi32> to vector<16xi32>
      tpu.vector_store %arg8[%swap3A_510], %swap3A_513 {strides = array<i32>} : memref<128xi32, #tpu.memory_space<vmem>>, vector<16xi32>,
      %dma_start3A_514 = arith.constant 0 : i32
      %dma_start3A_515 = arith.constant 0 : i32
      %dma_start3A_516 = tpu.memref_slice %arg2[%dma_start3A_514, %dma_start3A_515] : memref<10240x128xf32, #tpu.memory_space<hbm>> -> memref<10240x128xf32, #tpu.memory_space<hbm>>
      tpu.enqueue_indirect_dma source(%dma_start3A_516 : memref<10240x128xf32, #tpu.memory_space<hbm>>) target(%arg10 : memref<128x128xf32, #tpu.memory_space<vmem>>) offsets(%arg6 : memref<128xi32, #tpu.memory_space<vmem>>) semaphore(%arg13 : memref<!tpu.dma_semaphore, #tpu.memory_space<semaphore_mem>>)
      %dma_wait3A_517 = arith.constant 0 : i32
      %dma_wait3A_518 = arith.constant 0 : i32
      %dma_wait3A_519 = tpu.memref_slice %arg12[%dma_wait3A_517, %dma_wait3A_518] : memref<10240x128xf32, #tpu.memory_space<vmem_shared>> -> memref<10240x128xf32, #tpu.memory_space<vmem_shared>>
      tpu.wait_indirect_dma semaphore(%arg16 : memref<!tpu.dma_semaphore, #tpu.memory_space<semaphore_mem>>) src(%arg11 : memref<128x128xf32, #tpu.memory_space<vmem>>) dst(%dma_wait3A_519 : memref<10240x128xf32, #tpu.memory_space<vmem_shared>>)
      %add3A_520 = arith.constant 2 : i32
      %add3A_521 = arith.addi %add3A_328, %add3A_520 : i32
      %mul3A_522 = arith.constant 128 : i32
      %mul3A_523 = arith.muli %add3A_521, %mul3A_522 : i32
      %add3A_524 = arith.constant 0 : i32
      %add3A_525 = arith.addi %mul3A_523, %add3A_524 : i32
      %get3A_526 = arith.index_cast %add3A_525 : i32 to index
      %get3A_527 = tpu.vector_load %arg5[%get3A_526] {strides = array<i32>} : memref<10240xi32, #tpu.memory_space<vmem>>, vector<16xi32>,
      %get3A_528 = vector.shape_cast %get3A_527 : vector<16xi32> to vector<16xi32>
      %and3A_529 = arith.constant 65535 : i32
      %and3A_530 = vector.broadcast %and3A_529 : i32 to vector<16xi32>
      %and3A_531 = arith.andi %get3A_528, %and3A_530 : vector<16xi32>
      %swap3A_532 = arith.constant 0 : index
      %swap3A_533 = tpu.vector_load %arg7[%swap3A_532] {strides = array<i32>} : memref<128xi32, #tpu.memory_space<vmem>>, vector<16xi32>,
      %swap3A_534 = vector.shape_cast %swap3A_533 : vector<16xi32> to vector<16xi32>
      %swap3A_535 = vector.shape_cast %and3A_531 : vector<16xi32> to vector<16xi32>
      tpu.vector_store %arg7[%swap3A_532], %swap3A_535 {strides = array<i32>} : memref<128xi32, #tpu.memory_space<vmem>>, vector<16xi32>,
      %shift_right_logical3A_536 = arith.constant 16 : i32
      %shift_right_logical3A_537 = vector.broadcast %shift_right_logical3A_536 : i32 to vector<16xi32>
      %shift_right_logical3A_538 = arith.shrui %get3A_528, %shift_right_logical3A_537 : vector<16xi32>
      %swap3A_539 = arith.constant 0 : index
      %swap3A_540 = tpu.vector_load %arg9[%swap3A_539] {strides = array<i32>} : memref<128xi32, #tpu.memory_space<vmem>>, vector<16xi32>,
      %swap3A_541 = vector.shape_cast %swap3A_540 : vector<16xi32> to vector<16xi32>
      %swap3A_542 = vector.shape_cast %shift_right_logical3A_538 : vector<16xi32> to vector<16xi32>
      tpu.vector_store %arg9[%swap3A_539], %swap3A_542 {strides = array<i32>} : memref<128xi32, #tpu.memory_space<vmem>>, vector<16xi32>,
      %mul3A_543 = arith.constant 128 : i32
      %mul3A_544 = arith.muli %add3A_521, %mul3A_543 : i32
      %add3A_545 = arith.constant 16 : i32
      %add3A_546 = arith.addi %mul3A_544, %add3A_545 : i32
      %get3A_547 = arith.index_cast %add3A_546 : i32 to index
      %get3A_548 = tpu.vector_load %arg5[%get3A_547] {strides = array<i32>} : memref<10240xi32, #tpu.memory_space<vmem>>, vector<16xi32>,
      %get3A_549 = vector.shape_cast %get3A_548 : vector<16xi32> to vector<16xi32>
      %and3A_550 = arith.constant 65535 : i32
      %and3A_551 = vector.broadcast %and3A_550 : i32 to vector<16xi32>
      %and3A_552 = arith.andi %get3A_549, %and3A_551 : vector<16xi32>
      %swap3A_553 = arith.constant 16 : index
      %swap3A_554 = tpu.vector_load %arg7[%swap3A_553] {strides = array<i32>} : memref<128xi32, #tpu.memory_space<vmem>>, vector<16xi32>,
      %swap3A_555 = vector.shape_cast %swap3A_554 : vector<16xi32> to vector<16xi32>
      %swap3A_556 = vector.shape_cast %and3A_552 : vector<16xi32> to vector<16xi32>
      tpu.vector_store %arg7[%swap3A_553], %swap3A_556 {strides = array<i32>} : memref<128xi32, #tpu.memory_space<vmem>>, vector<16xi32>,
      %shift_right_logical3A_557 = arith.constant 16 : i32
      %shift_right_logical3A_558 = vector.broadcast %shift_right_logical3A_557 : i32 to vector<16xi32>
      %shift_right_logical3A_559 = arith.shrui %get3A_549, %shift_right_logical3A_558 : vector<16xi32>
      %swap3A_560 = arith.constant 16 : index
      %swap3A_561 = tpu.vector_load %arg9[%swap3A_560] {strides = array<i32>} : memref<128xi32, #tpu.memory_space<vmem>>, vector<16xi32>,
      %swap3A_562 = vector.shape_cast %swap3A_561 : vector<16xi32> to vector<16xi32>
      %swap3A_563 = vector.shape_cast %shift_right_logical3A_559 : vector<16xi32> to vector<16xi32>
      tpu.vector_store %arg9[%swap3A_560], %swap3A_563 {strides = array<i32>} : memref<128xi32, #tpu.memory_space<vmem>>, vector<16xi32>,
      %mul3A_564 = arith.constant 128 : i32
      %mul3A_565 = arith.muli %add3A_521, %mul3A_564 : i32
      %add3A_566 = arith.constant 32 : i32
      %add3A_567 = arith.addi %mul3A_565, %add3A_566 : i32
      %get3A_568 = arith.index_cast %add3A_567 : i32 to index
      %get3A_569 = tpu.vector_load %arg5[%get3A_568] {strides = array<i32>} : memref<10240xi32, #tpu.memory_space<vmem>>, vector<16xi32>,
      %get3A_570 = vector.shape_cast %get3A_569 : vector<16xi32> to vector<16xi32>
      %and3A_571 = arith.constant 65535 : i32
      %and3A_572 = vector.broadcast %and3A_571 : i32 to vector<16xi32>
      %and3A_573 = arith.andi %get3A_570, %and3A_572 : vector<16xi32>
      %swap3A_574 = arith.constant 32 : index
      %swap3A_575 = tpu.vector_load %arg7[%swap3A_574] {strides = array<i32>} : memref<128xi32, #tpu.memory_space<vmem>>, vector<16xi32>,
      %swap3A_576 = vector.shape_cast %swap3A_575 : vector<16xi32> to vector<16xi32>
      %swap3A_577 = vector.shape_cast %and3A_573 : vector<16xi32> to vector<16xi32>
      tpu.vector_store %arg7[%swap3A_574], %swap3A_577 {strides = array<i32>} : memref<128xi32, #tpu.memory_space<vmem>>, vector<16xi32>,
      %shift_right_logical3A_578 = arith.constant 16 : i32
      %shift_right_logical3A_579 = vector.broadcast %shift_right_logical3A_578 : i32 to vector<16xi32>
      %shift_right_logical3A_580 = arith.shrui %get3A_570, %shift_right_logical3A_579 : vector<16xi32>
      %swap3A_581 = arith.constant 32 : index
      %swap3A_582 = tpu.vector_load %arg9[%swap3A_581] {strides = array<i32>} : memref<128xi32, #tpu.memory_space<vmem>>, vector<16xi32>,
      %swap3A_583 = vector.shape_cast %swap3A_582 : vector<16xi32> to vector<16xi32>
      %swap3A_584 = vector.shape_cast %shift_right_logical3A_580 : vector<16xi32> to vector<16xi32>
      tpu.vector_store %arg9[%swap3A_581], %swap3A_584 {strides = array<i32>} : memref<128xi32, #tpu.memory_space<vmem>>, vector<16xi32>,
      %mul3A_585 = arith.constant 128 : i32
      %mul3A_586 = arith.muli %add3A_521, %mul3A_585 : i32
      %add3A_587 = arith.constant 48 : i32
      %add3A_588 = arith.addi %mul3A_586, %add3A_587 : i32
      %get3A_589 = arith.index_cast %add3A_588 : i32 to index
      %get3A_590 = tpu.vector_load %arg5[%get3A_589] {strides = array<i32>} : memref<10240xi32, #tpu.memory_space<vmem>>, vector<16xi32>,
      %get3A_591 = vector.shape_cast %get3A_590 : vector<16xi32> to vector<16xi32>
      %and3A_592 = arith.constant 65535 : i32
      %and3A_593 = vector.broadcast %and3A_592 : i32 to vector<16xi32>
      %and3A_594 = arith.andi %get3A_591, %and3A_593 : vector<16xi32>
      %swap3A_595 = arith.constant 48 : index
      %swap3A_596 = tpu.vector_load %arg7[%swap3A_595] {strides = array<i32>} : memref<128xi32, #tpu.memory_space<vmem>>, vector<16xi32>,
      %swap3A_597 = vector.shape_cast %swap3A_596 : vector<16xi32> to vector<16xi32>
      %swap3A_598 = vector.shape_cast %and3A_594 : vector<16xi32> to vector<16xi32>
      tpu.vector_store %arg7[%swap3A_595], %swap3A_598 {strides = array<i32>} : memref<128xi32, #tpu.memory_space<vmem>>, vector<16xi32>,
      %shift_right_logical3A_599 = arith.constant 16 : i32
      %shift_right_logical3A_600 = vector.broadcast %shift_right_logical3A_599 : i32 to vector<16xi32>
      %shift_right_logical3A_601 = arith.shrui %get3A_591, %shift_right_logical3A_600 : vector<16xi32>
      %swap3A_602 = arith.constant 48 : index
      %swap3A_603 = tpu.vector_load %arg9[%swap3A_602] {strides = array<i32>} : memref<128xi32, #tpu.memory_space<vmem>>, vector<16xi32>,
      %swap3A_604 = vector.shape_cast %swap3A_603 : vector<16xi32> to vector<16xi32>
      %swap3A_605 = vector.shape_cast %shift_right_logical3A_601 : vector<16xi32> to vector<16xi32>
      tpu.vector_store %arg9[%swap3A_602], %swap3A_605 {strides = array<i32>} : memref<128xi32, #tpu.memory_space<vmem>>, vector<16xi32>,
      %mul3A_606 = arith.constant 128 : i32
      %mul3A_607 = arith.muli %add3A_521, %mul3A_606 : i32
      %add3A_608 = arith.constant 64 : i32
      %add3A_609 = arith.addi %mul3A_607, %add3A_608 : i32
      %get3A_610 = arith.index_cast %add3A_609 : i32 to index
      %get3A_611 = tpu.vector_load %arg5[%get3A_610] {strides = array<i32>} : memref<10240xi32, #tpu.memory_space<vmem>>, vector<16xi32>,
      %get3A_612 = vector.shape_cast %get3A_611 : vector<16xi32> to vector<16xi32>
      %and3A_613 = arith.constant 65535 : i32
      %and3A_614 = vector.broadcast %and3A_613 : i32 to vector<16xi32>
      %and3A_615 = arith.andi %get3A_612, %and3A_614 : vector<16xi32>
      %swap3A_616 = arith.constant 64 : index
      %swap3A_617 = tpu.vector_load %arg7[%swap3A_616] {strides = array<i32>} : memref<128xi32, #tpu.memory_space<vmem>>, vector<16xi32>,
      %swap3A_618 = vector.shape_cast %swap3A_617 : vector<16xi32> to vector<16xi32>
      %swap3A_619 = vector.shape_cast %and3A_615 : vector<16xi32> to vector<16xi32>
      tpu.vector_store %arg7[%swap3A_616], %swap3A_619 {strides = array<i32>} : memref<128xi32, #tpu.memory_space<vmem>>, vector<16xi32>,
      %shift_right_logical3A_620 = arith.constant 16 : i32
      %shift_right_logical3A_621 = vector.broadcast %shift_right_logical3A_620 : i32 to vector<16xi32>
      %shift_right_logical3A_622 = arith.shrui %get3A_612, %shift_right_logical3A_621 : vector<16xi32>
      %swap3A_623 = arith.constant 64 : index
      %swap3A_624 = tpu.vector_load %arg9[%swap3A_623] {strides = array<i32>} : memref<128xi32, #tpu.memory_space<vmem>>, vector<16xi32>,
      %swap3A_625 = vector.shape_cast %swap3A_624 : vector<16xi32> to vector<16xi32>
      %swap3A_626 = vector.shape_cast %shift_right_logical3A_622 : vector<16xi32> to vector<16xi32>
      tpu.vector_store %arg9[%swap3A_623], %swap3A_626 {strides = array<i32>} : memref<128xi32, #tpu.memory_space<vmem>>, vector<16xi32>,
      %mul3A_627 = arith.constant 128 : i32
      %mul3A_628 = arith.muli %add3A_521, %mul3A_627 : i32
      %add3A_629 = arith.constant 80 : i32
      %add3A_630 = arith.addi %mul3A_628, %add3A_629 : i32
      %get3A_631 = arith.index_cast %add3A_630 : i32 to index
      %get3A_632 = tpu.vector_load %arg5[%get3A_631] {strides = array<i32>} : memref<10240xi32, #tpu.memory_space<vmem>>, vector<16xi32>,
      %get3A_633 = vector.shape_cast %get3A_632 : vector<16xi32> to vector<16xi32>
      %and3A_634 = arith.constant 65535 : i32
      %and3A_635 = vector.broadcast %and3A_634 : i32 to vector<16xi32>
      %and3A_636 = arith.andi %get3A_633, %and3A_635 : vector<16xi32>
      %swap3A_637 = arith.constant 80 : index
      %swap3A_638 = tpu.vector_load %arg7[%swap3A_637] {strides = array<i32>} : memref<128xi32, #tpu.memory_space<vmem>>, vector<16xi32>,
      %swap3A_639 = vector.shape_cast %swap3A_638 : vector<16xi32> to vector<16xi32>
      %swap3A_640 = vector.shape_cast %and3A_636 : vector<16xi32> to vector<16xi32>
      tpu.vector_store %arg7[%swap3A_637], %swap3A_640 {strides = array<i32>} : memref<128xi32, #tpu.memory_space<vmem>>, vector<16xi32>,
      %shift_right_logical3A_641 = arith.constant 16 : i32
      %shift_right_logical3A_642 = vector.broadcast %shift_right_logical3A_641 : i32 to vector<16xi32>
      %shift_right_logical3A_643 = arith.shrui %get3A_633, %shift_right_logical3A_642 : vector<16xi32>
      %swap3A_644 = arith.constant 80 : index
      %swap3A_645 = tpu.vector_load %arg9[%swap3A_644] {strides = array<i32>} : memref<128xi32, #tpu.memory_space<vmem>>, vector<16xi32>,
      %swap3A_646 = vector.shape_cast %swap3A_645 : vector<16xi32> to vector<16xi32>
      %swap3A_647 = vector.shape_cast %shift_right_logical3A_643 : vector<16xi32> to vector<16xi32>
      tpu.vector_store %arg9[%swap3A_644], %swap3A_647 {strides = array<i32>} : memref<128xi32, #tpu.memory_space<vmem>>, vector<16xi32>,
      %mul3A_648 = arith.constant 128 : i32
      %mul3A_649 = arith.muli %add3A_521, %mul3A_648 : i32
      %add3A_650 = arith.constant 96 : i32
      %add3A_651 = arith.addi %mul3A_649, %add3A_650 : i32
      %get3A_652 = arith.index_cast %add3A_651 : i32 to index
      %get3A_653 = tpu.vector_load %arg5[%get3A_652] {strides = array<i32>} : memref<10240xi32, #tpu.memory_space<vmem>>, vector<16xi32>,
      %get3A_654 = vector.shape_cast %get3A_653 : vector<16xi32> to vector<16xi32>
      %and3A_655 = arith.constant 65535 : i32
      %and3A_656 = vector.broadcast %and3A_655 : i32 to vector<16xi32>
      %and3A_657 = arith.andi %get3A_654, %and3A_656 : vector<16xi32>
      %swap3A_658 = arith.constant 96 : index
      %swap3A_659 = tpu.vector_load %arg7[%swap3A_658] {strides = array<i32>} : memref<128xi32, #tpu.memory_space<vmem>>, vector<16xi32>,
      %swap3A_660 = vector.shape_cast %swap3A_659 : vector<16xi32> to vector<16xi32>
      %swap3A_661 = vector.shape_cast %and3A_657 : vector<16xi32> to vector<16xi32>
      tpu.vector_store %arg7[%swap3A_658], %swap3A_661 {strides = array<i32>} : memref<128xi32, #tpu.memory_space<vmem>>, vector<16xi32>,
      %shift_right_logical3A_662 = arith.constant 16 : i32
      %shift_right_logical3A_663 = vector.broadcast %shift_right_logical3A_662 : i32 to vector<16xi32>
      %shift_right_logical3A_664 = arith.shrui %get3A_654, %shift_right_logical3A_663 : vector<16xi32>
      %swap3A_665 = arith.constant 96 : index
      %swap3A_666 = tpu.vector_load %arg9[%swap3A_665] {strides = array<i32>} : memref<128xi32, #tpu.memory_space<vmem>>, vector<16xi32>,
      %swap3A_667 = vector.shape_cast %swap3A_666 : vector<16xi32> to vector<16xi32>
      %swap3A_668 = vector.shape_cast %shift_right_logical3A_664 : vector<16xi32> to vector<16xi32>
      tpu.vector_store %arg9[%swap3A_665], %swap3A_668 {strides = array<i32>} : memref<128xi32, #tpu.memory_space<vmem>>, vector<16xi32>,
      %mul3A_669 = arith.constant 128 : i32
      %mul3A_670 = arith.muli %add3A_521, %mul3A_669 : i32
      %add3A_671 = arith.constant 112 : i32
      %add3A_672 = arith.addi %mul3A_670, %add3A_671 : i32
      %get3A_673 = arith.index_cast %add3A_672 : i32 to index
      %get3A_674 = tpu.vector_load %arg5[%get3A_673] {strides = array<i32>} : memref<10240xi32, #tpu.memory_space<vmem>>, vector<16xi32>,
      %get3A_675 = vector.shape_cast %get3A_674 : vector<16xi32> to vector<16xi32>
      %and3A_676 = arith.constant 65535 : i32
      %and3A_677 = vector.broadcast %and3A_676 : i32 to vector<16xi32>
      %and3A_678 = arith.andi %get3A_675, %and3A_677 : vector<16xi32>
      %swap3A_679 = arith.constant 112 : index
      %swap3A_680 = tpu.vector_load %arg7[%swap3A_679] {strides = array<i32>} : memref<128xi32, #tpu.memory_space<vmem>>, vector<16xi32>,
      %swap3A_681 = vector.shape_cast %swap3A_680 : vector<16xi32> to vector<16xi32>
      %swap3A_682 = vector.shape_cast %and3A_678 : vector<16xi32> to vector<16xi32>
      tpu.vector_store %arg7[%swap3A_679], %swap3A_682 {strides = array<i32>} : memref<128xi32, #tpu.memory_space<vmem>>, vector<16xi32>,
      %shift_right_logical3A_683 = arith.constant 16 : i32
      %shift_right_logical3A_684 = vector.broadcast %shift_right_logical3A_683 : i32 to vector<16xi32>
      %shift_right_logical3A_685 = arith.shrui %get3A_675, %shift_right_logical3A_684 : vector<16xi32>
      %swap3A_686 = arith.constant 112 : index
      %swap3A_687 = tpu.vector_load %arg9[%swap3A_686] {strides = array<i32>} : memref<128xi32, #tpu.memory_space<vmem>>, vector<16xi32>,
      %swap3A_688 = vector.shape_cast %swap3A_687 : vector<16xi32> to vector<16xi32>
      %swap3A_689 = vector.shape_cast %shift_right_logical3A_685 : vector<16xi32> to vector<16xi32>
      tpu.vector_store %arg9[%swap3A_686], %swap3A_689 {strides = array<i32>} : memref<128xi32, #tpu.memory_space<vmem>>, vector<16xi32>,
      %dma_start3A_690 = arith.constant 0 : i32
      %dma_start3A_691 = arith.constant 0 : i32
      %dma_start3A_692 = tpu.memref_slice %arg2[%dma_start3A_690, %dma_start3A_691] : memref<10240x128xf32, #tpu.memory_space<hbm>> -> memref<10240x128xf32, #tpu.memory_space<hbm>>
      tpu.enqueue_indirect_dma source(%dma_start3A_692 : memref<10240x128xf32, #tpu.memory_space<hbm>>) target(%arg11 : memref<128x128xf32, #tpu.memory_space<vmem>>) offsets(%arg7 : memref<128xi32, #tpu.memory_space<vmem>>) semaphore(%arg14 : memref<!tpu.dma_semaphore, #tpu.memory_space<semaphore_mem>>)
      %scan3A_693 = arith.constant 0 : i32
      scf.yield %scan3A_693 : i32
    }
    %scan3A_299 = arith.constant 39 : i32
    %dma_wait3A = arith.constant 0 : i32
    %dma_wait3A_300 = arith.constant 0 : i32
    %dma_wait3A_301 = tpu.memref_slice %arg2[%dma_wait3A, %dma_wait3A_300] : memref<10240x128xf32, #tpu.memory_space<hbm>> -> memref<10240x128xf32, #tpu.memory_space<hbm>>
    tpu.wait_indirect_dma semaphore(%arg13 : memref<!tpu.dma_semaphore, #tpu.memory_space<semaphore_mem>>) src(%dma_wait3A_301 : memref<10240x128xf32, #tpu.memory_space<hbm>>) dst(%arg10 : memref<128x128xf32, #tpu.memory_space<vmem>>)
    %dma_start3A_302 = arith.constant 0 : i32
    %dma_start3A_303 = arith.constant 0 : i32
    %dma_start3A_304 = tpu.memref_slice %arg12[%dma_start3A_302, %dma_start3A_303] : memref<10240x128xf32, #tpu.memory_space<vmem_shared>> -> memref<10240x128xf32, #tpu.memory_space<vmem_shared>>
    tpu.enqueue_indirect_dma source(%arg10 : memref<128x128xf32, #tpu.memory_space<vmem>>) target(%dma_start3A_304 : memref<10240x128xf32, #tpu.memory_space<vmem_shared>>) offsets(%arg8 : memref<128xi32, #tpu.memory_space<vmem>>) semaphore(%arg15 : memref<!tpu.dma_semaphore, #tpu.memory_space<semaphore_mem>>) {add = true}
    %dma_wait3A_305 = arith.constant 0 : i32
    %dma_wait3A_306 = arith.constant 0 : i32
    %dma_wait3A_307 = tpu.memref_slice %arg2[%dma_wait3A_305, %dma_wait3A_306] : memref<10240x128xf32, #tpu.memory_space<hbm>> -> memref<10240x128xf32, #tpu.memory_space<hbm>>
    tpu.wait_indirect_dma semaphore(%arg14 : memref<!tpu.dma_semaphore, #tpu.memory_space<semaphore_mem>>) src(%dma_wait3A_307 : memref<10240x128xf32, #tpu.memory_space<hbm>>) dst(%arg11 : memref<128x128xf32, #tpu.memory_space<vmem>>)
    %dma_start3A_308 = arith.constant 0 : i32
    %dma_start3A_309 = arith.constant 0 : i32
    %dma_start3A_310 = tpu.memref_slice %arg12[%dma_start3A_308, %dma_start3A_309] : memref<10240x128xf32, #tpu.memory_space<vmem_shared>> -> memref<10240x128xf32, #tpu.memory_space<vmem_shared>>
    tpu.enqueue_indirect_dma source(%arg11 : memref<128x128xf32, #tpu.memory_space<vmem>>) target(%dma_start3A_310 : memref<10240x128xf32, #tpu.memory_space<vmem_shared>>) offsets(%arg9 : memref<128xi32, #tpu.memory_space<vmem>>) semaphore(%arg16 : memref<!tpu.dma_semaphore, #tpu.memory_space<semaphore_mem>>) {add = true}
    %dma_wait3A_311 = arith.constant 0 : i32
    %dma_wait3A_312 = arith.constant 0 : i32
    %dma_wait3A_313 = tpu.memref_slice %arg12[%dma_wait3A_311, %dma_wait3A_312] : memref<10240x128xf32, #tpu.memory_space<vmem_shared>> -> memref<10240x128xf32, #tpu.memory_space<vmem_shared>>
    tpu.wait_indirect_dma semaphore(%arg15 : memref<!tpu.dma_semaphore, #tpu.memory_space<semaphore_mem>>) src(%arg10 : memref<128x128xf32, #tpu.memory_space<vmem>>) dst(%dma_wait3A_313 : memref<10240x128xf32, #tpu.memory_space<vmem_shared>>)
    %dma_wait3A_314 = arith.constant 0 : i32
    %dma_wait3A_315 = arith.constant 0 : i32
    %dma_wait3A_316 = tpu.memref_slice %arg12[%dma_wait3A_314, %dma_wait3A_315] : memref<10240x128xf32, #tpu.memory_space<vmem_shared>> -> memref<10240x128xf32, #tpu.memory_space<vmem_shared>>
    tpu.wait_indirect_dma semaphore(%arg16 : memref<!tpu.dma_semaphore, #tpu.memory_space<semaphore_mem>>) src(%arg11 : memref<128x128xf32, #tpu.memory_space<vmem>>) dst(%dma_wait3A_316 : memref<10240x128xf32, #tpu.memory_space<vmem_shared>>)
    %barrier3A_317 = arith.constant 0 : index
    tpu.barrier barrier_id(%barrier3A_317)
    %mul3A_318 = arith.constant 10240 : i32
    %mul3A_319 = arith.muli %arg0, %mul3A_318 : i32
    %add3A_320 = arith.addi %mul3A_319, %mul3A_10 : i32
    "tpu.region"() ({
      %run_scoped3A = tpu.sem_alloc : memref<!tpu.dma_semaphore, #tpu.memory_space<semaphore_mem>>
      %dma_start3A_321 = arith.constant 0 : i32
      %dma_start3A_322 = tpu.memref_slice %arg4[%add3A_320, %dma_start3A_321] : memref<20480x128xf32, #tpu.memory_space<hbm>> -> memref<640x128xf32, #tpu.memory_space<hbm>>
      %dma_start3A_323 = arith.constant 0 : i32
      %dma_start3A_324 = tpu.memref_slice %arg12[%mul3A_10, %dma_start3A_323] : memref<10240x128xf32, #tpu.memory_space<vmem_shared>> -> memref<640x128xf32, #tpu.memory_space<vmem_shared>>
      tpu.enqueue_dma source(%dma_start3A_324 : memref<640x128xf32, #tpu.memory_space<vmem_shared>>) target(%dma_start3A_322 : memref<640x128xf32, #tpu.memory_space<hbm>>) target_semaphore(%run_scoped3A : memref<!tpu.dma_semaphore, #tpu.memory_space<semaphore_mem>>)
      %dma_wait3A_325 = arith.constant 0 : i32
      %dma_wait3A_326 = tpu.memref_slice %arg4[%add3A_320, %dma_wait3A_325] : memref<20480x128xf32, #tpu.memory_space<hbm>> -> memref<640x128xf32, #tpu.memory_space<hbm>>
      %dma_wait3A_327 = arith.constant 0 : i32
      %dma_wait3A_328 = tpu.memref_slice %arg12[%mul3A_10, %dma_wait3A_327] : memref<10240x128xf32, #tpu.memory_space<vmem_shared>> -> memref<640x128xf32, #tpu.memory_space<vmem_shared>>
      tpu.wait_dma2 semaphore(%run_scoped3A : memref<!tpu.dma_semaphore, #tpu.memory_space<semaphore_mem>>) src(%dma_wait3A_328 : memref<640x128xf32, #tpu.memory_space<vmem_shared>>) dst(%dma_wait3A_326 : memref<640x128xf32, #tpu.memory_space<hbm>>)
      tpu.yield
    }) : () -> ()
    return
  }
}

module attributes {stable_mosaic.version = 14 : i64} {
  func.func @_tc1_body(%arg0: i32, %arg1: memref<8x128xf32, #tpu.memory_space<vmem>>, %arg2: memref<8x128xf32, #tpu.memory_space<vmem>>, %arg3: memref<1024x128xf32, #tpu.memory_space<vmem>>, %arg4: memref<128x128xf32, #tpu.memory_space<vmem>>, %arg5: memref<1024x128xf32, #tpu.memory_space<vmem>>, %arg6: memref<1024x16xf32, #tpu.memory_space<vmem>>) attributes {dimension_semantics = [#tpu.dimension_semantics<arbitrary>], iteration_bounds = array<i64: 10>, scalar_prefetch = 0 : i64, scratch_operands = 0 : i64, tpu.core_type = #tpu.core_type<tc>, window_params = [{transform_indices = @transform_0, window_bounds = array<i64: 8, 128>}, {transform_indices = @transform_1, window_bounds = array<i64: 8, 128>}, {transform_indices = @transform_2, window_bounds = array<i64: 1024, 128>}, {pipeline_mode = #tpu.pipeline_mode<synchronous>, transform_indices = @transform_3, window_bounds = array<i64: 128, 128>}, {transform_indices = @transform_4, window_bounds = array<i64: 1024, 128>}, {transform_indices = @transform_5, window_bounds = array<i64: 1024, 16>}]} {
    %get3A = arith.constant 0 : index
    %get3A_0 = arith.constant 0 : index
    %get3A_1 = vector.load %arg1[%get3A, %get3A_0] : memref<8x128xf32, #tpu.memory_space<vmem>>, vector<8x128xf32>
    %get3A_2 = arith.constant 0 : index
    %get3A_3 = arith.constant 0 : index
    %get3A_4 = vector.load %arg2[%get3A_2, %get3A_3] : memref<8x128xf32, #tpu.memory_space<vmem>>, vector<8x128xf32>
    %add3A = arith.addf %get3A_1, %get3A_4 : vector<8x128xf32>
    %add3A_5 = arith.constant 1.000000e+00 : f32
    %add3A_6 = vector.broadcast %add3A_5 : f32 to vector<8x128xf32>
    %add3A_7 = arith.addf %add3A, %add3A_6 : vector<8x128xf32>
    %rsqrt3A = math.rsqrt %add3A_7 : vector<8x128xf32>
    %iota3A = tpu.iota {dimensions = array<i32: 0>} : vector<1024x8xi32>
    %iota3A_8 = tpu.iota {dimensions = array<i32: 1>} : vector<1024x8xi32>
    %jit3A = arith.constant 128 : i32
    %div3A = vector.broadcast %jit3A : i32 to vector<1024x8xi32>
    %div3A_9 = arith.divsi %iota3A, %div3A : vector<1024x8xi32>
    %sign3A = arith.constant 0 : i32
    %sign3A_10 = vector.broadcast %sign3A : i32 to vector<1024x8xi32>
    %sign3A_11 = arith.cmpi sgt, %iota3A, %sign3A_10 : vector<1024x8xi32>
    %sign3A_12 = arith.extui %sign3A_11 : vector<1024x8xi1> to vector<1024x8xi32>
    %sign3A_13 = arith.constant 0 : i32
    %sign3A_14 = vector.broadcast %sign3A_13 : i32 to vector<1024x8xi32>
    %sign3A_15 = arith.cmpi slt, %iota3A, %sign3A_14 : vector<1024x8xi32>
    %sign3A_16 = arith.extui %sign3A_15 : vector<1024x8xi1> to vector<1024x8xi32>
    %sign3A_17 = arith.subi %sign3A_12, %sign3A_16 : vector<1024x8xi32>
    %sign3A_18 = arith.constant 0 : i32
    %sign3A_19 = arith.cmpi sgt, %jit3A, %sign3A_18 : i32
    %sign3A_20 = arith.extui %sign3A_19 : i1 to i32
    %sign3A_21 = arith.constant 0 : i32
    %sign3A_22 = arith.cmpi slt, %jit3A, %sign3A_21 : i32
    %sign3A_23 = arith.extui %sign3A_22 : i1 to i32
    %sign3A_24 = arith.subi %sign3A_20, %sign3A_23 : i32
    %ne3A = vector.broadcast %sign3A_24 : i32 to vector<1024x8xi32>
    %ne3A_25 = arith.cmpi ne, %sign3A_17, %ne3A : vector<1024x8xi32>
    %rem3A = vector.broadcast %jit3A : i32 to vector<1024x8xi32>
    %rem3A_26 = arith.remsi %iota3A, %rem3A : vector<1024x8xi32>
    %ne3A_27 = arith.constant 0 : i32
    %ne3A_28 = vector.broadcast %ne3A_27 : i32 to vector<1024x8xi32>
    %ne3A_29 = arith.cmpi ne, %rem3A_26, %ne3A_28 : vector<1024x8xi32>
    %and3A = arith.andi %ne3A_25, %ne3A_29 : vector<1024x8xi1>
    %sub3A = arith.constant 1 : i32
    %sub3A_30 = vector.broadcast %sub3A : i32 to vector<1024x8xi32>
    %sub3A_31 = arith.subi %div3A_9, %sub3A_30 : vector<1024x8xi32>
    %select_n3A = arith.select %and3A, %sub3A_31, %div3A_9 : vector<1024x8xi1>, vector<1024x8xi32>
    %eq3A = arith.cmpi eq, %select_n3A, %iota3A_8 : vector<1024x8xi32>
    %convert_element_type3A = arith.extui %eq3A : vector<1024x8xi1> to vector<1024x8xi32>
    %convert_element_type3A_32 = arith.sitofp %convert_element_type3A : vector<1024x8xi32> to vector<1024x8xf32>
    %dot_general3A = arith.constant dense<0.000000e+00> : vector<1024x128xf32>
    %dot_general3A_33 = tpu.matmul %convert_element_type3A_32, %rsqrt3A, %dot_general3A {dimension_numbers = #tpu.dot_dimension_numbers<[1], [0], [0], [1], [0, 0, 1, 1], [], []>, transpose_lhs_hint = false} : vector<1024x8xf32>, vector<8x128xf32>, vector<1024x128xf32> -> vector<1024x128xf32>
    %iota3A_34 = tpu.iota {dimensions = array<i32: 0>} : vector<1024x128xi32>
    %iota3A_35 = tpu.iota {dimensions = array<i32: 1>} : vector<1024x128xi32>
    %jit3A_36 = arith.constant 128 : i32
    %eq3A_37 = arith.constant 0 : i32
    %eq3A_38 = arith.cmpi eq, %jit3A_36, %eq3A_37 : i32
    %jit3A_39 = arith.constant 1 : i32
    %select_n3A_40 = arith.select %eq3A_38, %jit3A_39, %jit3A_36 : i32
    %rem3A_41 = vector.broadcast %select_n3A_40 : i32 to vector<1024x128xi32>
    %rem3A_42 = arith.remsi %iota3A_34, %rem3A_41 : vector<1024x128xi32>
    %ne3A_43 = arith.constant 0 : i32
    %ne3A_44 = vector.broadcast %ne3A_43 : i32 to vector<1024x128xi32>
    %ne3A_45 = arith.cmpi ne, %rem3A_42, %ne3A_44 : vector<1024x128xi32>
    %lt3A = arith.constant 0 : i32
    %lt3A_46 = vector.broadcast %lt3A : i32 to vector<1024x128xi32>
    %lt3A_47 = arith.cmpi slt, %rem3A_42, %lt3A_46 : vector<1024x128xi32>
    %lt3A_48 = arith.constant 0 : i32
    %lt3A_49 = arith.cmpi slt, %select_n3A_40, %lt3A_48 : i32
    %ne3A_50 = vector.broadcast %lt3A_49 : i1 to vector<1024x128xi1>
    %ne3A_51 = vector.broadcast %ne3A_50 : vector<1024x128xi1> to vector<1024x128xi1>
    %ne3A_52 = arith.xori %lt3A_47, %ne3A_51 : vector<1024x128xi1>
    %and3A_53 = arith.andi %ne3A_52, %ne3A_45 : vector<1024x128xi1>
    %add3A_54 = vector.broadcast %select_n3A_40 : i32 to vector<1024x128xi32>
    %add3A_55 = arith.addi %rem3A_42, %add3A_54 : vector<1024x128xi32>
    %select_n3A_56 = arith.select %and3A_53, %add3A_55, %rem3A_42 : vector<1024x128xi1>, vector<1024x128xi32>
    %eq3A_57 = arith.cmpi eq, %iota3A_35, %select_n3A_56 : vector<1024x128xi32>
    %convert_element_type3A_58 = arith.extui %eq3A_57 : vector<1024x128xi1> to vector<1024x128xi32>
    %convert_element_type3A_59 = arith.sitofp %convert_element_type3A_58 : vector<1024x128xi32> to vector<1024x128xf32>
    %mul3A = arith.mulf %dot_general3A_33, %convert_element_type3A_59 : vector<1024x128xf32>
    %reduce_sum3A = arith.constant dense<0.000000e+00> : vector<1024xf32>
    %reduce_sum3A_60 = vector.multi_reduction <add>, %mul3A, %reduce_sum3A [1] : vector<1024x128xf32> to vector<1024xf32>
    %broadcast_in_dim3A = vector.shape_cast %reduce_sum3A_60 : vector<1024xf32> to vector<1024x1xf32>
    %get3A_61 = arith.constant 0 : index
    %get3A_62 = arith.constant 0 : index
    %get3A_63 = vector.load %arg3[%get3A_61, %get3A_62] : memref<1024x128xf32, #tpu.memory_space<vmem>>, vector<1024x128xf32>
    %get3A_64 = arith.constant 0 : index
    %get3A_65 = arith.constant 0 : index
    %get3A_66 = vector.load %arg4[%get3A_64, %get3A_65] : memref<128x128xf32, #tpu.memory_space<vmem>>, vector<128x128xf32>
    %dot_general3A_67 = arith.constant dense<0.000000e+00> : vector<1024x128xf32>
    %dot_general3A_68 = tpu.matmul %get3A_63, %get3A_66, %dot_general3A_67 {dimension_numbers = #tpu.dot_dimension_numbers<[1], [0], [0], [1], [0, 0, 1, 1], [], []>, transpose_lhs_hint = false} : vector<1024x128xf32>, vector<128x128xf32>, vector<1024x128xf32> -> vector<1024x128xf32>
    %mul3A_69 = vector.broadcast %broadcast_in_dim3A : vector<1024x1xf32> to vector<1024x128xf32>
    %mul3A_70 = arith.mulf %dot_general3A_68, %mul3A_69 : vector<1024x128xf32>
    %swap3A = arith.constant 0 : index
    %swap3A_71 = arith.constant 0 : index
    %swap3A_72 = vector.load %arg5[%swap3A, %swap3A_71] : memref<1024x128xf32, #tpu.memory_space<vmem>>, vector<1024x128xf32>
    tpu.vector_store %arg5[%swap3A, %swap3A_71], %mul3A_70 {strides = array<i32>} : memref<1024x128xf32, #tpu.memory_space<vmem>>, vector<1024x128xf32>,
    %broadcast_in_dim3A_73 = vector.shape_cast %broadcast_in_dim3A : vector<1024x1xf32> to vector<1024x1xf32>
    %broadcast_in_dim3A_74 = vector.broadcast %broadcast_in_dim3A_73 : vector<1024x1xf32> to vector<1024x16xf32>
    %swap3A_75 = arith.constant 0 : index
    %swap3A_76 = arith.constant 0 : index
    %swap3A_77 = vector.load %arg6[%swap3A_75, %swap3A_76] : memref<1024x16xf32, #tpu.memory_space<vmem>>, vector<1024x16xf32>
    tpu.vector_store %arg6[%swap3A_75, %swap3A_76], %broadcast_in_dim3A_74 {strides = array<i32>} : memref<1024x16xf32, #tpu.memory_space<vmem>>, vector<1024x16xf32>,
    return
  }
  func.func @transform_0(%arg0: i32) -> (i32, i32) {
    %c0_i32 = arith.constant 0 : i32
    %c0_i32_0 = arith.constant 0 : i32
    return %arg0, %c0_i32 : i32, i32
  }
  func.func @transform_1(%arg0: i32) -> (i32, i32) {
    %add3A = arith.constant 10 : i32
    %add3A_0 = arith.addi %arg0, %add3A : i32
    %c0_i32 = arith.constant 0 : i32
    %c0_i32_1 = arith.constant 0 : i32
    return %add3A_0, %c0_i32 : i32, i32
  }
  func.func @transform_2(%arg0: i32) -> (i32, i32) {
    %c0_i32 = arith.constant 0 : i32
    %c0_i32_0 = arith.constant 0 : i32
    return %arg0, %c0_i32 : i32, i32
  }
  func.func @transform_3(%arg0: i32) -> (i32, i32) {
    %c0_i32 = arith.constant 0 : i32
    %c0_i32_0 = arith.constant 0 : i32
    %c0_i32_1 = arith.constant 0 : i32
    return %c0_i32, %c0_i32_0 : i32, i32
  }
  func.func @transform_4(%arg0: i32) -> (i32, i32) {
    %c0_i32 = arith.constant 0 : i32
    %c0_i32_0 = arith.constant 0 : i32
    return %arg0, %c0_i32 : i32, i32
  }
  func.func @transform_5(%arg0: i32) -> (i32, i32) {
    %c0_i32 = arith.constant 0 : i32
    %c0_i32_0 = arith.constant 0 : i32
    return %arg0, %c0_i32 : i32, i32
  }
}

module attributes {stable_mosaic.version = 14 : i64} {
  func.func @_tc3_body(%arg0: i32, %arg1: memref<1024x128xf32, #tpu.memory_space<vmem>>, %arg2: memref<1024x128xf32, #tpu.memory_space<vmem>>, %arg3: memref<1024x128xf32, #tpu.memory_space<vmem>>, %arg4: memref<1024x16xf32, #tpu.memory_space<vmem>>, %arg5: memref<1x128xf32, #tpu.memory_space<vmem>>, %arg6: memref<1024x128xf32, #tpu.memory_space<vmem>>) attributes {dimension_semantics = [#tpu.dimension_semantics<arbitrary>], iteration_bounds = array<i64: 10>, scalar_prefetch = 0 : i64, scratch_operands = 0 : i64, tpu.core_type = #tpu.core_type<tc>, window_params = [{transform_indices = @transform_0, window_bounds = array<i64: 1024, 128>}, {transform_indices = @transform_1, window_bounds = array<i64: 1024, 128>}, {transform_indices = @transform_2, window_bounds = array<i64: 1024, 128>}, {transform_indices = @transform_3, window_bounds = array<i64: 1024, 16>}, {pipeline_mode = #tpu.pipeline_mode<synchronous>, transform_indices = @transform_4, window_bounds = array<i64: 1, 128>}, {transform_indices = @transform_5, window_bounds = array<i64: 1024, 128>}]} {
    %get3A = arith.constant 0 : index
    %get3A_0 = arith.constant 0 : index
    %get3A_1 = vector.load %arg4[%get3A, %get3A_0] : memref<1024x16xf32, #tpu.memory_space<vmem>>, vector<1024x1xf32>
    %get3A_2 = arith.constant 0 : index
    %get3A_3 = arith.constant 0 : index
    %get3A_4 = vector.load %arg1[%get3A_2, %get3A_3] : memref<1024x128xf32, #tpu.memory_space<vmem>>, vector<1024x128xf32>
    %get3A_5 = arith.constant 0 : index
    %get3A_6 = arith.constant 0 : index
    %get3A_7 = vector.load %arg2[%get3A_5, %get3A_6] : memref<1024x128xf32, #tpu.memory_space<vmem>>, vector<1024x128xf32>
    %add3A = arith.addf %get3A_4, %get3A_7 : vector<1024x128xf32>
    %get3A_8 = arith.constant 0 : index
    %get3A_9 = arith.constant 0 : index
    %get3A_10 = vector.load %arg3[%get3A_8, %get3A_9] : memref<1024x128xf32, #tpu.memory_space<vmem>>, vector<1024x128xf32>
    %add3A_11 = arith.addf %add3A, %get3A_10 : vector<1024x128xf32>
    %mul3A = vector.broadcast %get3A_1 : vector<1024x1xf32> to vector<1024x128xf32>
    %mul3A_12 = arith.mulf %add3A_11, %mul3A : vector<1024x128xf32>
    %get3A_13 = arith.constant 0 : index
    %get3A_14 = arith.constant 0 : index
    %get3A_15 = vector.load %arg5[%get3A_13, %get3A_14] : memref<1x128xf32, #tpu.memory_space<vmem>>, vector<1x128xf32>
    %add3A_16 = vector.broadcast %get3A_15 : vector<1x128xf32> to vector<1024x128xf32>
    %add3A_17 = arith.addf %mul3A_12, %add3A_16 : vector<1024x128xf32>
    %swap3A = arith.constant 0 : index
    %swap3A_18 = arith.constant 0 : index
    %swap3A_19 = vector.load %arg6[%swap3A, %swap3A_18] : memref<1024x128xf32, #tpu.memory_space<vmem>>, vector<1024x128xf32>
    tpu.vector_store %arg6[%swap3A, %swap3A_18], %add3A_17 {strides = array<i32>} : memref<1024x128xf32, #tpu.memory_space<vmem>>, vector<1024x128xf32>,
    return
  }
  func.func @transform_0(%arg0: i32) -> (i32, i32) {
    %c0_i32 = arith.constant 0 : i32
    %c0_i32_0 = arith.constant 0 : i32
    return %arg0, %c0_i32 : i32, i32
  }
  func.func @transform_1(%arg0: i32) -> (i32, i32) {
    %add3A = arith.constant 10 : i32
    %add3A_0 = arith.addi %arg0, %add3A : i32
    %c0_i32 = arith.constant 0 : i32
    %c0_i32_1 = arith.constant 0 : i32
    return %add3A_0, %c0_i32 : i32, i32
  }
  func.func @transform_2(%arg0: i32) -> (i32, i32) {
    %c0_i32 = arith.constant 0 : i32
    %c0_i32_0 = arith.constant 0 : i32
    return %arg0, %c0_i32 : i32, i32
  }
  func.func @transform_3(%arg0: i32) -> (i32, i32) {
    %c0_i32 = arith.constant 0 : i32
    %c0_i32_0 = arith.constant 0 : i32
    return %arg0, %c0_i32 : i32, i32
  }
  func.func @transform_4(%arg0: i32) -> (i32, i32) {
    %c0_i32 = arith.constant 0 : i32
    %c0_i32_0 = arith.constant 0 : i32
    %c0_i32_1 = arith.constant 0 : i32
    return %c0_i32, %c0_i32_0 : i32, i32
  }
  func.func @transform_5(%arg0: i32) -> (i32, i32) {
    %c0_i32 = arith.constant 0 : i32
    %c0_i32_0 = arith.constant 0 : i32
    return %arg0, %c0_i32 : i32, i32
  }
}

module attributes {stable_mosaic.version = 14 : i64} {
  func.func @_tc2_body(%arg0: i32, %arg1: memref<1024x128xf32, #tpu.memory_space<vmem>>, %arg2: memref<1024x128xf32, #tpu.memory_space<vmem>>, %arg3: memref<1024x128xf32, #tpu.memory_space<vmem>>, %arg4: memref<1024x16xf32, #tpu.memory_space<vmem>>, %arg5: memref<128x128xf32, #tpu.memory_space<vmem>>, %arg6: memref<1x128xf32, #tpu.memory_space<vmem>>, %arg7: memref<1024x128xf32, #tpu.memory_space<vmem>>) attributes {dimension_semantics = [#tpu.dimension_semantics<arbitrary>], iteration_bounds = array<i64: 10>, scalar_prefetch = 0 : i64, scratch_operands = 0 : i64, tpu.core_type = #tpu.core_type<tc>, window_params = [{transform_indices = @transform_0, window_bounds = array<i64: 1024, 128>}, {transform_indices = @transform_1, window_bounds = array<i64: 1024, 128>}, {transform_indices = @transform_2, window_bounds = array<i64: 1024, 128>}, {transform_indices = @transform_3, window_bounds = array<i64: 1024, 16>}, {pipeline_mode = #tpu.pipeline_mode<synchronous>, transform_indices = @transform_4, window_bounds = array<i64: 128, 128>}, {pipeline_mode = #tpu.pipeline_mode<synchronous>, transform_indices = @transform_5, window_bounds = array<i64: 1, 128>}, {transform_indices = @transform_6, window_bounds = array<i64: 1024, 128>}]} {
    %get3A = arith.constant 0 : index
    %get3A_0 = arith.constant 0 : index
    %get3A_1 = vector.load %arg4[%get3A, %get3A_0] : memref<1024x16xf32, #tpu.memory_space<vmem>>, vector<1024x1xf32>
    %get3A_2 = arith.constant 0 : index
    %get3A_3 = arith.constant 0 : index
    %get3A_4 = vector.load %arg1[%get3A_2, %get3A_3] : memref<1024x128xf32, #tpu.memory_space<vmem>>, vector<1024x128xf32>
    %get3A_5 = arith.constant 0 : index
    %get3A_6 = arith.constant 0 : index
    %get3A_7 = vector.load %arg2[%get3A_5, %get3A_6] : memref<1024x128xf32, #tpu.memory_space<vmem>>, vector<1024x128xf32>
    %add3A = arith.addf %get3A_4, %get3A_7 : vector<1024x128xf32>
    %get3A_8 = arith.constant 0 : index
    %get3A_9 = arith.constant 0 : index
    %get3A_10 = vector.load %arg3[%get3A_8, %get3A_9] : memref<1024x128xf32, #tpu.memory_space<vmem>>, vector<1024x128xf32>
    %add3A_11 = arith.addf %add3A, %get3A_10 : vector<1024x128xf32>
    %mul3A = vector.broadcast %get3A_1 : vector<1024x1xf32> to vector<1024x128xf32>
    %mul3A_12 = arith.mulf %add3A_11, %mul3A : vector<1024x128xf32>
    %get3A_13 = arith.constant 0 : index
    %get3A_14 = arith.constant 0 : index
    %get3A_15 = vector.load %arg6[%get3A_13, %get3A_14] : memref<1x128xf32, #tpu.memory_space<vmem>>, vector<1x128xf32>
    %add3A_16 = vector.broadcast %get3A_15 : vector<1x128xf32> to vector<1024x128xf32>
    %add3A_17 = arith.addf %mul3A_12, %add3A_16 : vector<1024x128xf32>
    %max3A = arith.constant 0.000000e+00 : f32
    %max3A_18 = vector.broadcast %max3A : f32 to vector<1024x128xf32>
    %max3A_19 = arith.maximumf %add3A_17, %max3A_18 : vector<1024x128xf32>
    %get3A_20 = arith.constant 0 : index
    %get3A_21 = arith.constant 0 : index
    %get3A_22 = vector.load %arg5[%get3A_20, %get3A_21] : memref<128x128xf32, #tpu.memory_space<vmem>>, vector<128x128xf32>
    %dot_general3A = arith.constant dense<0.000000e+00> : vector<1024x128xf32>
    %dot_general3A_23 = tpu.matmul %max3A_19, %get3A_22, %dot_general3A {dimension_numbers = #tpu.dot_dimension_numbers<[1], [0], [0], [1], [0, 0, 1, 1], [], []>, transpose_lhs_hint = false} : vector<1024x128xf32>, vector<128x128xf32>, vector<1024x128xf32> -> vector<1024x128xf32>
    %mul3A_24 = vector.broadcast %get3A_1 : vector<1024x1xf32> to vector<1024x128xf32>
    %mul3A_25 = arith.mulf %dot_general3A_23, %mul3A_24 : vector<1024x128xf32>
    %swap3A = arith.constant 0 : index
    %swap3A_26 = arith.constant 0 : index
    %swap3A_27 = vector.load %arg7[%swap3A, %swap3A_26] : memref<1024x128xf32, #tpu.memory_space<vmem>>, vector<1024x128xf32>
    tpu.vector_store %arg7[%swap3A, %swap3A_26], %mul3A_25 {strides = array<i32>} : memref<1024x128xf32, #tpu.memory_space<vmem>>, vector<1024x128xf32>,
    return
  }
  func.func @transform_0(%arg0: i32) -> (i32, i32) {
    %c0_i32 = arith.constant 0 : i32
    %c0_i32_0 = arith.constant 0 : i32
    return %arg0, %c0_i32 : i32, i32
  }
  func.func @transform_1(%arg0: i32) -> (i32, i32) {
    %add3A = arith.constant 10 : i32
    %add3A_0 = arith.addi %arg0, %add3A : i32
    %c0_i32 = arith.constant 0 : i32
    %c0_i32_1 = arith.constant 0 : i32
    return %add3A_0, %c0_i32 : i32, i32
  }
  func.func @transform_2(%arg0: i32) -> (i32, i32) {
    %c0_i32 = arith.constant 0 : i32
    %c0_i32_0 = arith.constant 0 : i32
    return %arg0, %c0_i32 : i32, i32
  }
  func.func @transform_3(%arg0: i32) -> (i32, i32) {
    %c0_i32 = arith.constant 0 : i32
    %c0_i32_0 = arith.constant 0 : i32
    return %arg0, %c0_i32 : i32, i32
  }
  func.func @transform_4(%arg0: i32) -> (i32, i32) {
    %c0_i32 = arith.constant 0 : i32
    %c0_i32_0 = arith.constant 0 : i32
    %c0_i32_1 = arith.constant 0 : i32
    return %c0_i32, %c0_i32_0 : i32, i32
  }
  func.func @transform_5(%arg0: i32) -> (i32, i32) {
    %c0_i32 = arith.constant 0 : i32
    %c0_i32_0 = arith.constant 0 : i32
    %c0_i32_1 = arith.constant 0 : i32
    return %c0_i32, %c0_i32_0 : i32, i32
  }
  func.func @transform_6(%arg0: i32) -> (i32, i32) {
    %c0_i32 = arith.constant 0 : i32
    %c0_i32_0 = arith.constant 0 : i32
    return %arg0, %c0_i32 : i32, i32
  }
}

</mosaic_0001>

<sc_bundles>
// kernel: kernel.11.cloned.1.call-start
scs
__scs_entry_jumppad:
0x0: {  	(pc) =	sbr.rel $0x88, $3  }
0x1: {  	(tag) =	ssettag $0x0;
	lr =	simm.s32 $0x1  }
0x2: {  	[smem:$0x3F9B] =	sst lr;
	_ =	strace $0xD0000000  }
0x3: {  	_ = 	snop  }
0x4: {  	_ = 	snop  }
0x5: {  	_ = 	snop  }
0x6: {  	_ = 	snop  }
0x7: {  	_ = 	snop  }
__scs_overlays_trampoline_lowered:
0x8: {  	[smem:$0x3FAA] =	sst s0  }
0x9: {  	[smem:$0x3FAB] =	sst s1  }
0xa: {  	[smem:$0x3FAC] =	sst s2  }
0xb: {  	[smem:$0x3FAD] =	sst s3  }
0xc: {  	[smem:$0x3FAE] =	sst s4  }
0xd: {  	[smem:$0x3FAF] =	sst s5  }
0xe: {  	[smem:$0x3FB0] =	sst s6  }
0xf: {  	[smem:$0x3FB1] =	sst s7  }
0x10: {  	[smem:$0x3FB2] =	sst s8  }
0x11: {  	[smem:$0x3FB3] =	sst s9;
	s0 =	simm.s32 @!p0 $0x0  }
0x12: {  	s1 =	sld [smem:$0x3F99];
	s0 =	simm.s32 @p0 $0x1  }
0x13: {  	[smem:$0x3FB4] =	sst s0;
	s0 =	simm.s32 @!p1 $0x0  }
0x14: {  	s2 =	sld [smem:$0x3F98];
	s0 =	simm.s32 @p1 $0x1  }
0x15: {  	[smem:$0x3FB5] =	sst s0;
	s0 =	simm.s32 @!p2 $0x0  }
0x16: {  	s3 =	sld [smem:$0x3FDB];
	s0 =	simm.s32 @p2 $0x1  }
0x17: {  	s4 =	simm.s32 $0x1BF5;
	[smem:$0x3FB7] =	sst s0  }
0x18: {  	s0 =	sld [smem:$0x3F9A];
	_ =	swait.ge [sflag:s4], $0x0  }
0x19: {  	s7 =	sld [smem:$0x3F9B]  }
0x1a: {  	s8 =	sadd.s32 $0xFFFFE003, lr  }
0x1b: {  	s9 =	sadd.s32 $0xFFFFFEF7, lr;
	s5 =	simm.s32 $0xFFFFFFFF;
	p2 =	slt.u32 s8, $0xFFFFF086  }
0x1c: {  	p1 =	slt.u32 s9, $0xF7A;
	s5 =	simm.s32 @!p2 $0x0  }
0x1d: {  	s5 =	simm.s32 @p1 $0x1;
	p0 =	seq.s32 s7, s2  }
0x1e: {  	s7 =	smul.u32 @!p0 $0xF7A, s2;
	p2 =	seq.s32 @!p0 s5, $0x0  }
0x1f: {  	s9 =	smul.u32 $0xF7A, s1;
	s8 =	simm.s32 @!p0 $0x1BF5;
	p2 =	por !p2, p0  }
0x20: {  	[sflag:s8] =	ssyncset.s32 @!p0 $0xFFFFF086;
	s6 =	sadd.s32 @!p0 s3, s7;
	s7 =	simm.s32 @!p0 $0x108  }
0x21: {  	s3 =	sadd.s32 s3, s9;
	s6 =	sadd.s32 @!p0 $0x88, s6;
	s7 =	simm.s32 @p2 $0x1082  }
0x22: {  	[simem:s7], [sflag:s8] =	dma.local @!p0 [hbm:s6], $0xF7A  }
0x23: {  	s9 =	sor.u32 $0xD0000000, s2;
	s6 =	simm.s32 $0x108;
	_ =	swait.ge @!p0 [sflag:s8], $0x0  }
0x24: {  	s3 =	sadd.s32 $0x88, s3;
	s6 =	simm.s32 @!p1 $0x1082;
	[sflag:s4] =	ssyncset.s32 $0xFFFFF086  }
0x25: {  	[simem:s6], [sflag:s4] =	dma.local [hbm:s3], $0xF7A  }
0x26: {  	[smem:$0x3F9B] =	sst s1;
	(tag) =	ssettag s2;
	_ =	strace s9  }
0x27: {  	s1 =	sld [smem:$0x3FAB]  }
0x28: {  	s2 =	sld [smem:$0x3FAC]  }
0x29: {  	s4 =	sld [smem:$0x3FAE]  }
0x2a: {  	p0 =	seq.s32 s5, $0x0;
	s5 =	sld [smem:$0x3FAF]  }
0x2b: {  	s6 =	sld [smem:$0x3FB0]  }
0x2c: {  	s7 =	sld [smem:$0x3FB1]  }
0x2d: {  	s3 =	simm.s32 $0x108;
	s8 =	sld [smem:$0x3FB2]  }
0x2e: {  	s3 =	simm.s32 @!p0 $0x1082;
	s9 =	sld [smem:$0x3FB3]  }
0x2f: {  	lr =	sadd.s32 s0, s3;
	s0 =	sld [smem:$0x3FAA]  }
0x30: {  	s3 =	sld [smem:$0x3FAD]  }
0x31: {  	[smem:$0x3FB6] =	sst s10  }
0x32: {  	s10 =	sld [smem:$0x3FB4];
	_ =	sdelay $0x3  }
0x33: {  	p0 =	seq.s32 s10, $0x1;
	s10 =	sld [smem:$0x3FB6];
	_ =	sdelay $0x3  }
0x34: {  	[smem:$0x3FB6] =	sst s10  }
0x35: {  	s10 =	sld [smem:$0x3FB5];
	_ =	sdelay $0x3  }
0x36: {  	p1 =	seq.s32 s10, $0x1;
	s10 =	sld [smem:$0x3FB6];
	_ =	sdelay $0x3  }
0x37: {  	[smem:$0x3FB6] =	sst s10  }
0x38: {  	s10 =	sld [smem:$0x3FB7]  }
0x39: {  	_ = 	snop;
	(pc) =	sbr.ind lr, $3  }
0x3a: {  	_ = 	snop  }
0x3b: {  	_ = 	snop  }
0x3c: {  	p2 =	seq.s32 s10, $0x1;
	s10 =	sld [smem:$0x3FB6]  }
0x3d: {  	_ =	shalt  }
0x3e: {  	_ =	shalt  }
0x3f: {  	_ =	shalt  }
0x40: {  	_ =	shalt  }
0x41: {  	_ =	shalt  }
0x42: {  	_ =	shalt  }
0x43: {  	_ =	shalt  }
0x44: {  	_ =	shalt  }
0x45: {  	_ =	shalt  }
0x46: {  	_ =	shalt  }
0x47: {  	_ =	shalt  }
0x48: {  	_ =	shalt  }
0x49: {  	_ =	shalt  }
0x4a: {  	_ =	shalt  }
0x4b: {  	_ =	shalt  }
0x4c: {  	_ =	shalt  }
0x4d: {  	_ =	shalt  }
0x4e: {  	_ =	shalt  }
0x4f: {  	_ =	shalt  }
0x50: {  	_ =	shalt  }
0x51: {  	_ =	shalt  }
0x52: {  	_ =	shalt  }
0x53: {  	_ =	shalt  }
0x54: {  	_ =	shalt  }
0x55: {  	_ =	shalt  }
0x56: {  	_ =	shalt  }
0x57: {  	_ =	shalt  }
0x58: {  	_ =	shalt  }
0x59: {  	_ =	shalt  }
0x5a: {  	_ =	shalt  }
0x5b: {  	_ =	shalt  }
0x5c: {  	_ =	shalt  }
0x5d: {  	_ =	shalt  }
0x5e: {  	_ =	shalt  }
0x5f: {  	_ =	shalt  }
0x60: {  	_ =	shalt  }
0x61: {  	_ =	shalt  }
0x62: {  	_ =	shalt  }
0x63: {  	_ =	shalt  }
0x64: {  	_ =	shalt  }
0x65: {  	_ =	shalt  }
0x66: {  	_ =	shalt  }
0x67: {  	_ =	shalt  }
0x68: {  	_ =	shalt  }
0x69: {  	_ =	shalt  }
0x6a: {  	_ =	shalt  }
0x6b: {  	_ =	shalt  }
0x6c: {  	_ =	shalt  }
0x6d: {  	_ =	shalt  }
0x6e: {  	_ =	shalt  }
0x6f: {  	_ =	shalt  }
0x70: {  	_ =	shalt  }
0x71: {  	_ =	shalt  }
0x72: {  	_ =	shalt  }
0x73: {  	_ =	shalt  }
0x74: {  	_ =	shalt  }
0x75: {  	_ =	shalt  }
0x76: {  	_ =	shalt  }
0x77: {  	_ =	shalt  }
0x78: {  	_ =	shalt  }
0x79: {  	_ =	shalt  }
0x7a: {  	_ =	shalt  }
0x7b: {  	_ =	shalt  }
0x7c: {  	_ =	shalt  }
0x7d: {  	_ =	shalt  }
0x7e: {  	_ =	shalt  }
0x7f: {  	_ =	shalt  }
0x80: {  	_ =	shalt  }
0x81: {  	_ =	shalt  }
0x82: {  	_ =	shalt  }
0x83: {  	_ =	shalt  }
0x84: {  	_ =	shalt  }
0x85: {  	_ =	shalt  }
0x86: {  	_ =	shalt  }
0x87: {  	_ =	shalt  }
.Lfunc_end0:
.L_simem_size_0:
called_computation.1_lowered:
.L_overlay_start_0:
0x88: {  	s2 =	sld [smem:$0x3FD9]  }
0x89: {  	s3 =	sld [smem:$0x3FFE];
	_ =	sdelay $0x1  }
0x8a: {  	s1 =	srdreg.scid  }
0x8b: {  	s0 =	sand.u32 $0x1, s1  }
0x8c: {  	s17 =	sshll.u32 s0, $0xA;
	s2 =	sadd.s32 s3, s2  }
0x8d: {  	s2 =	sadd.s32 s2, s17  }
0x8e: {  	[smem:$0x3FC2] =	sst s2  }
0x8f: {  	_ = 	snop  }
0x90: {  	s2 =	sld [smem:$0x3FD0];
	(tm) =	ssettm $0x1  }
0x91: {  	s18 =	sld [smem:$0x3FFB];
	_ =	sdelay $0x3  }
0x92: {  	_ =	strace s18  }
0x93: {  	s3 =	sld [smem:$0x3FFC];
	_ =	sdelay $0x3  }
0x94: {  	_ =	strace s3  }
0x95: {  	s3 =	sld [smem:$0x3FFD];
	_ =	sdelay $0x3  }
0x96: {  	_ =	strace s3  }
0x97: {  	_ =	strace $0x8FFFFFFF  }
0x98: {  	s19 =	sld [smem:$0x3FDB];
	_ =	sdelay $0x1  }
0x99: {  	s4 =	simm.s32 $_scs_section_size  }
0x9a: {  	s5 =	simm.s32 $_size__tile_overlayer_lowered;
	s6 =	simm.s32 $_tile_overlayer_lowered  }
0x9b: {  	s22 =	simm.s32 $0x1BFF;
	s21 =	sshll.u32 s6, $0x1;
	s3 =	sadd.s32 s4, s19  }
0x9c: {  	s7 =	simm.s32 $0x0;
	s20 =	sshll.u32 s5, $0x1;
	s5 =	sadd.s32 s21, s3  }
0x9d: {  	[timem:s7], [sflag:s22] =	dma.local [hbm:s5], s20  }
0x9e: {  	_ =	swait.ge [sflag:s22], s20  }
0x9f: {  	s4 =	ssub.s32 $0x0, s20;
	[sflag:s22] =	ssyncset.done $0x0  }
0xa0: {  	[sflag:s22] =	ssyncadd.s32 s4;
	_ =	sdelay $0x1  }
0xa1: {  	s23 =	simm.s32 $0x1B8B  }
0xa2: {  	_ =	swait.ge [sflag:s23], $0x1  }
0xa3: {  	[sflag:s23] =	ssyncset.done $0x0  }
0xa4: {  	s25 =	simm.s32 $0x1B8E;
	s24 =	sld [smem:$0x3FFE];
	[sflag:s23] =	ssyncadd.s32 $0xFFFFFFFF  }
0xa5: {  	s26 =	simm.s32 $execute0_lowered;
	[smem:$0x3FD2] =	sst s25  }
0xa6: {  	s5 =	sshll.u32 s26, $0x1;
	_ =	strace $0x80000049;
	[dreg:$0x1] =	wrdreg $0xFFFFFFFF  }
0xa7: {  	s28 =	simm.s32 $_size_execute0_lowered;
	s3 =	sadd.s32 s3, s5;
	[dreg:$0x0] =	wrdreg $0x0  }
0xa8: {  	s5 =	sshll.u32 s28, $0x1;
	[dreg:$0x2] =	wrdreg s3  }
0xa9: {  	[dreg:$0x3] =	wrdreg s5  }
0xaa: {  	[dreg:$0x4] =	wrdreg $0xC0  }
0xab: {  	_ =	task [dreg:s7], $0x5FFFF  }
0xac: {  	[dreg:$0x1] =	wrdreg $0xFFFFFFFF  }
0xad: {  	[dreg:$0x0] =	wrdreg $0x60  }
0xae: {  	[dreg:$0x2] =	wrdreg s24  }
0xaf: {  	[dreg:$0x3] =	wrdreg s2  }
0xb0: {  	[dreg:$0x4] =	wrdreg $0xAA000  }
0xb1: {  	[dreg:$0x5] =	wrdreg $0x9  }
0xb2: {  	_ =	task.clear_ibuf [dreg:s7], $0x6FFFF;
	_ =	strace $0x90000049  }
0xb3: {  	s29 =	simm.s32 $0x9;
	_ =	strace $0x8000004B  }
0xb4: {  	_ =	swait.ge [sflag:s29], $0x1  }
0xb5: {  	[sflag:s29] =	ssyncadd.s32 $0xFFFFFFFF  }
0xb6: {  	_ =	strace $0x9000004B  }
0xb7: {  	_ =	sfence  }
0xb8: {  	s30 =	sld [smem:$0x0];
	_ =	sdelay $0x2  }
0xb9: {  	s31 =	sshll.u32 s1, $0xD;
	s1 =	sshrl.u32 s1, $0x2  }
0xba: {  	s3 =	sand.u32 $0x4000, s31;
	s1 =	sadd.s32 s1, s30  }
0xbb: {  	s0 =	sor.u32 s3, s0;
	s1 =	sshll.u32 s1, $0x11  }
0xbc: {  	s0 =	sor.u32 s1, s0  }
0xbd: {  	s0 =	sadd.s32 $0x8F2B, s0  }
0xbe: {  	[sflag:s0] =	ssyncadd.remote.s32 $0x1  }
0xbf: {  	_ =	sfence.sel $0xFFFF  }
0xc0: {  	[dreg:$0x0] =	wrdreg $0xFFFFFFFF;
	(pc) =	sbr.abs _section_cstart, $3  }
0xc1: {  	[dreg:$0x1] =	wrdreg $0xFFFFFFFF  }
0xc2: {  	_ =	task.clear_ibuf [dreg:s7], $0x2FFFF;
	_ =	strace $0x9FFFFFFF  }
0xc3: {  	(tm) =	ssettm $0x7FFFFFFF  }
tec
execute0_lowered:
.L_overlay_start_1:
0x0: {  	(tag) =	ssettag $0x1  }
0x1: {  	s5 =	rddreg [dreg:$0x0]  }
0x2: {  	s6 =	rddreg [dreg:$0x1]  }
0x3: {  	s1 =	rddreg [dreg:$0x2]  }
0x4: {  	s0 =	rddreg [dreg:$0x3];
	s3 =	simm.s32 $0x0  }
0x5: {  	s4 =	srdreg.scid;
	s2 =	stileid.u32;
	s13 =	simm.s32 $0x2A00  }
0x6: {  	s14 =	simm.s32 $0x5;
	s15 =	simm.s32 $0x80;
	s16 =	simm.s32 $0x2800  }
0x7: {  	s17 =	simm.s32 $0x2880;
	s18 =	simm.s32 $0x6A00;
	s19 =	simm.s32 $0x1  }
0x8: {  	s20 =	simm.s32 $0x2900;
	s21 =	simm.s32 $0x2;
	s22 =	simm.s32 $0x2980  }
0x9: {  	s23 =	simm.s32 $0x3;
	s24 =	simm.s32 $0x4;
	s25 =	simm.s32 $0x0  }
0xa: {  	[smem:$0x7FF] =	sst s3;
	s7 =	sand.u32 $0x1, s4;
	s8 =	smul.u32 $0x2800, s2  }
0xb: {  	s4 =	sadd.s32 $0x2600, s5;
	s11 =	smul.u32 $0x50000, s2;
	s10 =	sshll.u32 s7, $0x4  }
0xc: {  	s9 =	smul.u32 $0x28000, s7;
	s7 =	ssub.s32 $0x2, s7;
	s10 =	sor.u32 s2, s10  }
0xd: {  	_ =	strace $0x8000004A;
	s30 =	sshrl.u32 s7, $0x1;
	s10 =	smul.u32 $0x500, s10  }
0xe: {  	s31 =	sshrl.u32 s11, $0x2;
	s8 =	sadd.s32 s8, s9;
	s9 =	ssub.s32 s7, s30  }
0xf: {  	s8 =	sadd.s32 s8, s5;
	s5 =	sadd.s32 s31, s1;
	s6 =	sadd.s32 s6, s10  }
0x10: {  	s7 =	sadd.s32 $0x2A600, s8;
	s8 =	smax.u32 s9, $0x1;
	s9 =	sadd.s32 $0x4000, s5  }
0x11: {  	v0 =	vimm.f32 $0.0e+00;
	s10 =	sadd.s32 $0x8000, s5;
	s11 =	sadd.s32 $0xC000, s5;
	s12 =	sadd.s32 $0x10000, s5  }
.LBB2_1:
0x12: {  	s26 =	simm.s32 $0x0;
	s28 =	simm.s32 $0x200  }
.LBB2_2:
0x13: {  	p0 =	sne.s32 s28, $0xFE00;
	[tilespmem:s26+$0x2A70] =	vst v0  }
0x14: {  	[tilespmem:s26+$0x2A00] =	vst v0  }
0x15: {  	[tilespmem:s26+$0x2A10] =	vst v0  }
.Ltmp0:
0x16: {  	[tilespmem:s26+$0x2A20] =	vst v0;
	(pc) =	sbr.rel @p0 .LBB2_2-.Ltmp0, $4  }
0x17: {  	[tilespmem:s26+$0x2A30] =	vst v0  }
0x18: {  	[tilespmem:s26+$0x2A40] =	vst v0  }
0x19: {  	[tilespmem:s26+$0x2A50] =	vst v0  }
0x1a: {  	[tilespmem:s26+$0x2A60] =	vst v0;
	s26 =	sshra.s32 s28, $0x2;
	s28 =	sadd.s32 $0x200, s28  }
0x1b: {  	[tilespmem:s26+$0x2A70] =	vst v0  }
0x1c: {  	[tilespmem:s26+$0x2A00] =	vst v0  }
0x1d: {  	[tilespmem:s26+$0x2A10] =	vst v0  }
0x1e: {  	[tilespmem:s26+$0x2A20] =	vst v0  }
0x1f: {  	[tilespmem:s26+$0x2A30] =	vst v0  }
0x20: {  	[tilespmem:s26+$0x2A40] =	vst v0  }
0x21: {  	[tilespmem:s26+$0x2A50] =	vst v0  }
0x22: {  	[tilespmem:s26+$0x2A60] =	vst v0  }
0x23: {  	[spmem:s5] =	stream.linear.scatter [tilespmem:s13], [sflag:$0x5], $0x4000, $0x38;
	[tilespmem:$0x1EA00] =	vst v63  }
0x24: {  	_ =	swait.ge [sflag:s14], $0x4000  }
0x25: {  	[sflag:s14] =	ssyncset.done $0x0  }
0x26: {  	[sflag:s14] =	ssyncadd.s32 $0xFFFFC000  }
0x27: {  	[spmem:s9] =	stream.linear.scatter [tilespmem:s13], [sflag:$0x5], $0x4000, $0x38;
	[tilespmem:$0x1EA00] =	vst v63  }
0x28: {  	_ =	swait.ge [sflag:s14], $0x4000  }
0x29: {  	[sflag:s14] =	ssyncset.done $0x0  }
0x2a: {  	[sflag:s14] =	ssyncadd.s32 $0xFFFFC000  }
0x2b: {  	[spmem:s10] =	stream.linear.scatter [tilespmem:s13], [sflag:$0x5], $0x4000, $0x38;
	[tilespmem:$0x1EA00] =	vst v63  }
0x2c: {  	_ =	swait.ge [sflag:s14], $0x4000  }
0x2d: {  	[sflag:s14] =	ssyncset.done $0x0  }
0x2e: {  	[sflag:s14] =	ssyncadd.s32 $0xFFFFC000  }
0x2f: {  	[spmem:s11] =	stream.linear.scatter [tilespmem:s13], [sflag:$0x5], $0x4000, $0x38;
	[tilespmem:$0x1EA00] =	vst v63  }
0x30: {  	_ =	swait.ge [sflag:s14], $0x4000  }
0x31: {  	[sflag:s14] =	ssyncset.done $0x0  }
0x32: {  	[sflag:s14] =	ssyncadd.s32 $0xFFFFC000  }
0x33: {  	[spmem:s12] =	stream.linear.scatter [tilespmem:s13], [sflag:$0x5], $0x4000, $0x38;
	[tilespmem:$0x1EA00] =	vst v63  }
0x34: {  	_ =	swait.ge [sflag:s14], $0x4000  }
0x35: {  	[sflag:s14] =	ssyncset.done $0x0  }
0x36: {  	[sflag:s14] =	ssyncadd.s32 $0xFFFFC000  }
0x37: {  	[tilespmem:s3], [sflag:$0x5] =	stream.linear.gather [hbm4b:s6+s3], $0x2800, $0x38;
	[tilespmem:$0x1EA00] =	vst v63  }
0x38: {  	_ =	swait.ge [sflag:s14], $0x2800  }
0x39: {  	[sflag:s14] =	ssyncset.done $0x0  }
0x3a: {  	[sflag:s14] =	ssyncadd.s32 $0xFFFFD800  }
0x3b: {  	[bflag:$0x0] =	sbarrier.arrive $0xFFFF  }
0x3c: {  	v1 =	vld [tilespmem:$0x0];
	_ =	sdelay $0x1  }
0x3d: {  	v2 =	vld [tilespmem:$0x10];
	_ =	sdelay $0x1  }
0x3e: {  	v3 =	vld [tilespmem:$0x20]  }
0x3f: {  	v4 =	vand.u32 $0xFFFF, v1  }
0x40: {  	v59 =	vld [tilespmem:$0x30];
	v1 =	vshrl.u32 v1, $0x10;
	[tilespmem:$0x2800] =	vst v4  }
0x41: {  	[tilespmem:$0x2900] =	vst v1;
	v1 =	vand.u32 $0xFFFF, v2  }
0x42: {  	[tilespmem:$0x2810] =	vst v1;
	v1 =	vshrl.u32 v2, $0x10;
	v2 =	vld [tilespmem:$0x40]  }
0x43: {  	[tilespmem:$0x2910] =	vst v1;
	v1 =	vand.u32 $0xFFFF, v3  }
0x44: {  	[tilespmem:$0x2820] =	vst v1;
	v1 =	vshrl.u32 v3, $0x10;
	v3 =	vld [tilespmem:$0x50]  }
0x45: {  	[tilespmem:$0x2920] =	vst v1;
	v1 =	vand.u32 $0xFFFF, v59  }
0x46: {  	v60 =	vld [tilespmem:$0x60];
	[tilespmem:$0x2830] =	vst v1;
	v1 =	vshrl.u32 v59, $0x10  }
0x47: {  	[tilespmem:$0x2930] =	vst v1;
	v1 =	vand.u32 $0xFFFF, v2  }
0x48: {  	[tilespmem:$0x2840] =	vst v1;
	v1 =	vshrl.u32 v2, $0x10;
	v2 =	vld [tilespmem:$0x70]  }
0x49: {  	[tilespmem:$0x2940] =	vst v1;
	v1 =	vand.u32 $0xFFFF, v3  }
0x4a: {  	[tilespmem:$0x2850] =	vst v1;
	v1 =	vshrl.u32 v3, $0x10  }
0x4b: {  	[tilespmem:$0x2950] =	vst v1;
	v1 =	vand.u32 $0xFFFF, v60  }
0x4c: {  	[tilespmem:$0x2860] =	vst v1;
	v1 =	vshrl.u32 v60, $0x10  }
0x4d: {  	[tilespmem:$0x2960] =	vst v1;
	v1 =	vand.u32 $0xFFFF, v2  }
0x4e: {  	[tilespmem:$0x2870] =	vst v1;
	v1 =	vshrl.u32 v2, $0x10  }
0x4f: {  	[tilespmem:$0x2970] =	vst v1  }
0x50: {  	[tilespmem:s13], [sflag:$0x1] =	stream.indirect.gather [hbm4b:s4+s15], $0x80, s16, s15, $0xb8;
	[tilespmem:$0x1EA00] =	vst v63  }
0x51: {  	v1 =	vld [tilespmem:$0x80];
	_ =	sdelay $0x1  }
0x52: {  	v2 =	vld [tilespmem:$0x90];
	_ =	sdelay $0x1  }
0x53: {  	v3 =	vld [tilespmem:$0xA0]  }
0x54: {  	v61 =	vand.u32 $0xFFFF, v1  }
0x55: {  	v62 =	vld [tilespmem:$0xB0];
	v1 =	vshrl.u32 v1, $0x10;
	[tilespmem:$0x2880] =	vst v61  }
0x56: {  	[tilespmem:$0x2980] =	vst v1;
	v1 =	vand.u32 $0xFFFF, v2  }
0x57: {  	[tilespmem:$0x2890] =	vst v1;
	v1 =	vshrl.u32 v2, $0x10;
	v2 =	vld [tilespmem:$0xC0]  }
0x58: {  	[tilespmem:$0x2990] =	vst v1;
	v1 =	vand.u32 $0xFFFF, v3  }
0x59: {  	[tilespmem:$0x28A0] =	vst v1;
	v1 =	vshrl.u32 v3, $0x10;
	v3 =	vld [tilespmem:$0xD0]  }
0x5a: {  	[tilespmem:$0x29A0] =	vst v1;
	v1 =	vand.u32 $0xFFFF, v62  }
0x5b: {  	v63 =	vld [tilespmem:$0xE0];
	[tilespmem:$0x28B0] =	vst v1;
	v1 =	vshrl.u32 v62, $0x10  }
0x5c: {  	[tilespmem:$0x29B0] =	vst v1;
	v1 =	vand.u32 $0xFFFF, v2  }
0x5d: {  	[tilespmem:$0x28C0] =	vst v1;
	v1 =	vshrl.u32 v2, $0x10;
	v2 =	vld [tilespmem:$0xF0]  }
0x5e: {  	[tilespmem:$0x29C0] =	vst v1;
	v1 =	vand.u32 $0xFFFF, v3  }
0x5f: {  	[tilespmem:$0x28D0] =	vst v1;
	v1 =	vshrl.u32 v3, $0x10  }
0x60: {  	[tilespmem:$0x29D0] =	vst v1;
	v1 =	vand.u32 $0xFFFF, v63  }
0x61: {  	[tilespmem:$0x28E0] =	vst v1;
	v1 =	vshrl.u32 v63, $0x10  }
0x62: {  	[tilespmem:$0x29E0] =	vst v1;
	v1 =	vand.u32 $0xFFFF, v2  }
0x63: {  	[tilespmem:$0x28F0] =	vst v1;
	v1 =	vshrl.u32 v2, $0x10  }
0x64: {  	[tilespmem:$0x29F0] =	vst v1  }
0x65: {  	[tilespmem:s18], [sflag:$0x2] =	stream.indirect.gather [hbm4b:s4+s15], $0x80, s17, s15, $0xb8;
	[tilespmem:$0x1EA00] =	vst v63  }
0x66: {  	_ =	swait.ge [sflag:s19], $0x4000  }
0x67: {  	[sflag:s19] =	ssyncset.done $0x0  }
0x68: {  	[sflag:s19] =	ssyncadd.s32 $0xFFFFC000  }
0x69: {  	[spmem:s1] =	stream.indirect.scatter.add.f32 [tilespmem:s13], [sflag:$0x3], $0x80, s20, s15, $0xb8;
	[tilespmem:$0x1EA00] =	vst v63  }
0x6a: {  	_ =	swait.ge [sflag:s21], $0x4000  }
0x6b: {  	[sflag:s21] =	ssyncset.done $0x0  }
0x6c: {  	[sflag:s21] =	ssyncadd.s32 $0xFFFFC000  }
0x6d: {  	[spmem:s1] =	stream.indirect.scatter.add.f32 [tilespmem:s18], [sflag:$0x4], $0x80, s22, s15, $0xb8;
	[tilespmem:$0x1EA00] =	vst v63  }
0x6e: {  	_ =	swait.ge [sflag:s23], $0x4000  }
0x6f: {  	[sflag:s23] =	ssyncset.done $0x0  }
0x70: {  	s26 =	simm.s32 $0x1F0;
	[sflag:s23] =	ssyncadd.s32 $0xFFFFC000  }
0x71: {  	v1 =	vld [tilespmem:s26+$0xFFFFFF10];
	_ =	sdelay $0x4  }
0x72: {  	v2 =	vand.u32 $0xFFFF, v1  }
0x73: {  	v1 =	vshrl.u32 v1, $0x10;
	[tilespmem:$0x2800] =	vst v2  }
0x74: {  	[tilespmem:$0x2900] =	vst v1  }
0x75: {  	v1 =	vld [tilespmem:s26+$0xFFFFFF20];
	_ =	sdelay $0x4  }
0x76: {  	v2 =	vand.u32 $0xFFFF, v1  }
0x77: {  	v1 =	vshrl.u32 v1, $0x10;
	[tilespmem:$0x2810] =	vst v2  }
0x78: {  	[tilespmem:$0x2910] =	vst v1  }
0x79: {  	v1 =	vld [tilespmem:s26+$0xFFFFFF30];
	_ =	sdelay $0x4  }
0x7a: {  	v2 =	vand.u32 $0xFFFF, v1  }
0x7b: {  	v1 =	vshrl.u32 v1, $0x10;
	[tilespmem:$0x2820] =	vst v2  }
0x7c: {  	[tilespmem:$0x2920] =	vst v1  }
0x7d: {  	v1 =	vld [tilespmem:s26+$0xFFFFFF40];
	_ =	sdelay $0x4  }
0x7e: {  	v2 =	vand.u32 $0xFFFF, v1  }
0x7f: {  	v1 =	vshrl.u32 v1, $0x10;
	[tilespmem:$0x2830] =	vst v2  }
0x80: {  	[tilespmem:$0x2930] =	vst v1  }
0x81: {  	v1 =	vld [tilespmem:s26+$0xFFFFFF50];
	_ =	sdelay $0x4  }
0x82: {  	v2 =	vand.u32 $0xFFFF, v1  }
0x83: {  	v1 =	vshrl.u32 v1, $0x10;
	[tilespmem:$0x2840] =	vst v2  }
0x84: {  	[tilespmem:$0x2940] =	vst v1  }
0x85: {  	v1 =	vld [tilespmem:s26+$0xFFFFFF60];
	_ =	sdelay $0x4  }
0x86: {  	v2 =	vand.u32 $0xFFFF, v1  }
0x87: {  	v1 =	vshrl.u32 v1, $0x10;
	[tilespmem:$0x2850] =	vst v2  }
0x88: {  	[tilespmem:$0x2950] =	vst v1  }
0x89: {  	v1 =	vld [tilespmem:s26+$0xFFFFFF70];
	_ =	sdelay $0x4  }
0x8a: {  	v2 =	vand.u32 $0xFFFF, v1  }
0x8b: {  	v1 =	vshrl.u32 v1, $0x10;
	[tilespmem:$0x2860] =	vst v2  }
0x8c: {  	[tilespmem:$0x2960] =	vst v1  }
0x8d: {  	v1 =	vld [tilespmem:s26+$0xFFFFFF80];
	_ =	sdelay $0x4  }
0x8e: {  	v2 =	vand.u32 $0xFFFF, v1  }
0x8f: {  	v1 =	vshrl.u32 v1, $0x10;
	[tilespmem:$0x2870] =	vst v2  }
0x90: {  	[tilespmem:$0x2970] =	vst v1  }
0x91: {  	[tilespmem:s13], [sflag:$0x1] =	stream.indirect.gather [hbm4b:s4+s15], $0x80, s16, s15, $0xb8;
	[tilespmem:$0x1EA00] =	vst v63  }
0x92: {  	_ =	swait.ge [sflag:s24], $0x4000  }
0x93: {  	[sflag:s24] =	ssyncset.done $0x0  }
0x94: {  	[sflag:s24] =	ssyncadd.s32 $0xFFFFC000  }
0x95: {  	v1 =	vld [tilespmem:s26+$0xFFFFFF90];
	_ =	sdelay $0x4  }
0x96: {  	v2 =	vand.u32 $0xFFFF, v1  }
0x97: {  	v1 =	vshrl.u32 v1, $0x10;
	[tilespmem:$0x2880] =	vst v2  }
0x98: {  	[tilespmem:$0x2980] =	vst v1  }
0x99: {  	v1 =	vld [tilespmem:s26+$0xFFFFFFA0];
	_ =	sdelay $0x4  }
0x9a: {  	v2 =	vand.u32 $0xFFFF, v1  }
0x9b: {  	v1 =	vshrl.u32 v1, $0x10;
	[tilespmem:$0x2890] =	vst v2  }
0x9c: {  	[tilespmem:$0x2990] =	vst v1  }
0x9d: {  	v1 =	vld [tilespmem:s26+$0xFFFFFFB0];
	_ =	sdelay $0x4  }
0x9e: {  	v2 =	vand.u32 $0xFFFF, v1  }
0x9f: {  	v1 =	vshrl.u32 v1, $0x10;
	[tilespmem:$0x28A0] =	vst v2  }
0xa0: {  	[tilespmem:$0x29A0] =	vst v1  }
0xa1: {  	v1 =	vld [tilespmem:s26+$0xFFFFFFC0];
	_ =	sdelay $0x4  }
0xa2: {  	v2 =	vand.u32 $0xFFFF, v1  }
0xa3: {  	v1 =	vshrl.u32 v1, $0x10;
	[tilespmem:$0x28B0] =	vst v2  }
0xa4: {  	[tilespmem:$0x29B0] =	vst v1  }
0xa5: {  	v1 =	vld [tilespmem:s26+$0xFFFFFFD0];
	_ =	sdelay $0x4  }
0xa6: {  	v2 =	vand.u32 $0xFFFF, v1  }
0xa7: {  	v1 =	vshrl.u32 v1, $0x10;
	[tilespmem:$0x28C0] =	vst v2  }
0xa8: {  	[tilespmem:$0x29C0] =	vst v1  }
0xa9: {  	v1 =	vld [tilespmem:s26+$0xFFFFFFE0];
	_ =	sdelay $0x4  }
0xaa: {  	v2 =	vand.u32 $0xFFFF, v1  }
0xab: {  	v1 =	vshrl.u32 v1, $0x10;
	[tilespmem:$0x28D0] =	vst v2  }
0xac: {  	s28 =	simm.s32 $0xBC0;
	[tilespmem:$0x29D0] =	vst v1  }
.LBB2_4:
0xad: {  	p0 =	sne.s32 s28, $0x9FC0;
	v1 =	vld [tilespmem:s26+$0xFFFFFFF0];
	s29 =	smov.u32 s28;
	s28 =	sadd.s32 $0x400, s28  }
0xae: {  	_ =	sdelay $0x3  }
0xaf: {  	v2 =	vand.u32 $0xFFFF, v1;
	v1 =	vshrl.u32 v1, $0x10  }
0xb0: {  	[tilespmem:$0x28E0] =	vst v2  }
0xb1: {  	[tilespmem:$0x29E0] =	vst v1  }
0xb2: {  	v1 =	vld [tilespmem:s26+$0x0];
	_ =	sdelay $0x4  }
0xb3: {  	v2 =	vand.u32 $0xFFFF, v1;
	v1 =	vshrl.u32 v1, $0x10  }
0xb4: {  	[tilespmem:$0x28F0] =	vst v2  }
0xb5: {  	[tilespmem:$0x29F0] =	vst v1  }
0xb6: {  	[tilespmem:s18], [sflag:$0x2] =	stream.indirect.gather [hbm4b:s4+s15], $0x80, s17, s15, $0xb8;
	[tilespmem:$0x1EA00] =	vst v63  }
0xb7: {  	_ =	swait.ge [sflag:s19], $0x4000  }
0xb8: {  	[sflag:s19] =	ssyncset.done $0x0  }
0xb9: {  	[sflag:s19] =	ssyncadd.s32 $0xFFFFC000  }
0xba: {  	[spmem:s1] =	stream.indirect.scatter.add.f32 [tilespmem:s13], [sflag:$0x3], $0x80, s20, s15, $0xb8;
	[tilespmem:$0x1EA00] =	vst v63  }
0xbb: {  	_ =	swait.ge [sflag:s21], $0x4000  }
0xbc: {  	[sflag:s21] =	ssyncset.done $0x0  }
0xbd: {  	[sflag:s21] =	ssyncadd.s32 $0xFFFFC000  }
0xbe: {  	[spmem:s1] =	stream.indirect.scatter.add.f32 [tilespmem:s18], [sflag:$0x4], $0x80, s22, s15, $0xb8;
	[tilespmem:$0x1EA00] =	vst v63  }
0xbf: {  	_ =	swait.ge [sflag:s23], $0x4000  }
0xc0: {  	[sflag:s23] =	ssyncset.done $0x0  }
0xc1: {  	s26 =	sshra.s32 s29, $0x2;
	[sflag:s23] =	ssyncadd.s32 $0xFFFFC000  }
0xc2: {  	v1 =	vld [tilespmem:s26+$0xFFFFFF10];
	_ =	sdelay $0x4  }
0xc3: {  	v2 =	vand.u32 $0xFFFF, v1;
	v1 =	vshrl.u32 v1, $0x10  }
0xc4: {  	[tilespmem:$0x2800] =	vst v2  }
0xc5: {  	[tilespmem:$0x2900] =	vst v1  }
0xc6: {  	v1 =	vld [tilespmem:s26+$0xFFFFFF20];
	_ =	sdelay $0x4  }
0xc7: {  	v2 =	vand.u32 $0xFFFF, v1;
	v1 =	vshrl.u32 v1, $0x10  }
0xc8: {  	[tilespmem:$0x2810] =	vst v2  }
0xc9: {  	[tilespmem:$0x2910] =	vst v1  }
0xca: {  	v1 =	vld [tilespmem:s26+$0xFFFFFF30];
	_ =	sdelay $0x4  }
0xcb: {  	v2 =	vand.u32 $0xFFFF, v1;
	v1 =	vshrl.u32 v1, $0x10  }
0xcc: {  	[tilespmem:$0x2820] =	vst v2  }
0xcd: {  	[tilespmem:$0x2920] =	vst v1  }
0xce: {  	v1 =	vld [tilespmem:s26+$0xFFFFFF40];
	_ =	sdelay $0x4  }
0xcf: {  	v2 =	vand.u32 $0xFFFF, v1;
	v1 =	vshrl.u32 v1, $0x10  }
0xd0: {  	[tilespmem:$0x2830] =	vst v2  }
0xd1: {  	[tilespmem:$0x2930] =	vst v1  }
0xd2: {  	v1 =	vld [tilespmem:s26+$0xFFFFFF50];
	_ =	sdelay $0x4  }
0xd3: {  	v2 =	vand.u32 $0xFFFF, v1;
	v1 =	vshrl.u32 v1, $0x10  }
0xd4: {  	[tilespmem:$0x2840] =	vst v2  }
0xd5: {  	[tilespmem:$0x2940] =	vst v1  }
0xd6: {  	v1 =	vld [tilespmem:s26+$0xFFFFFF60];
	_ =	sdelay $0x4  }
0xd7: {  	v2 =	vand.u32 $0xFFFF, v1;
	v1 =	vshrl.u32 v1, $0x10  }
0xd8: {  	[tilespmem:$0x2850] =	vst v2  }
0xd9: {  	[tilespmem:$0x2950] =	vst v1  }
0xda: {  	v1 =	vld [tilespmem:s26+$0xFFFFFF70];
	_ =	sdelay $0x4  }
0xdb: {  	v2 =	vand.u32 $0xFFFF, v1;
	v1 =	vshrl.u32 v1, $0x10  }
0xdc: {  	[tilespmem:$0x2860] =	vst v2  }
0xdd: {  	[tilespmem:$0x2960] =	vst v1  }
0xde: {  	v1 =	vld [tilespmem:s26+$0xFFFFFF80];
	_ =	sdelay $0x4  }
0xdf: {  	v2 =	vand.u32 $0xFFFF, v1;
	v1 =	vshrl.u32 v1, $0x10  }
0xe0: {  	[tilespmem:$0x2870] =	vst v2  }
0xe1: {  	[tilespmem:$0x2970] =	vst v1  }
0xe2: {  	[tilespmem:s13], [sflag:$0x1] =	stream.indirect.gather [hbm4b:s4+s15], $0x80, s16, s15, $0xb8;
	[tilespmem:$0x1EA00] =	vst v63  }
0xe3: {  	_ =	swait.ge [sflag:s24], $0x4000  }
0xe4: {  	[sflag:s24] =	ssyncset.done $0x0  }
0xe5: {  	[sflag:s24] =	ssyncadd.s32 $0xFFFFC000  }
0xe6: {  	v1 =	vld [tilespmem:s26+$0xFFFFFF90];
	_ =	sdelay $0x4  }
0xe7: {  	v2 =	vand.u32 $0xFFFF, v1;
	v1 =	vshrl.u32 v1, $0x10  }
0xe8: {  	[tilespmem:$0x2880] =	vst v2  }
0xe9: {  	[tilespmem:$0x2980] =	vst v1  }
0xea: {  	v1 =	vld [tilespmem:s26+$0xFFFFFFA0];
	_ =	sdelay $0x4  }
0xeb: {  	v2 =	vand.u32 $0xFFFF, v1;
	v1 =	vshrl.u32 v1, $0x10  }
0xec: {  	[tilespmem:$0x2890] =	vst v2  }
0xed: {  	[tilespmem:$0x2990] =	vst v1  }
0xee: {  	v1 =	vld [tilespmem:s26+$0xFFFFFFB0];
	_ =	sdelay $0x4  }
0xef: {  	v2 =	vand.u32 $0xFFFF, v1;
	v1 =	vshrl.u32 v1, $0x10  }
0xf0: {  	[tilespmem:$0x28A0] =	vst v2  }
0xf1: {  	[tilespmem:$0x29A0] =	vst v1  }
0xf2: {  	v1 =	vld [tilespmem:s26+$0xFFFFFFC0];
	_ =	sdelay $0x4  }
0xf3: {  	v2 =	vand.u32 $0xFFFF, v1;
	v1 =	vshrl.u32 v1, $0x10  }
0xf4: {  	[tilespmem:$0x28B0] =	vst v2  }
0xf5: {  	[tilespmem:$0x29B0] =	vst v1  }
0xf6: {  	v1 =	vld [tilespmem:s26+$0xFFFFFFD0];
	_ =	sdelay $0x4  }
0xf7: {  	v2 =	vand.u32 $0xFFFF, v1;
	v1 =	vshrl.u32 v1, $0x10  }
0xf8: {  	[tilespmem:$0x28C0] =	vst v2  }
0xf9: {  	[tilespmem:$0x29C0] =	vst v1  }
0xfa: {  	v1 =	vld [tilespmem:s26+$0xFFFFFFE0];
	_ =	sdelay $0x2  }
.Ltmp1:
0xfb: {  	(pc) =	sbr.rel @p0 .LBB2_4-.Ltmp1, $4  }
0xfc: {  	_ = 	snop  }
0xfd: {  	v2 =	vand.u32 $0xFFFF, v1;
	v1 =	vshrl.u32 v1, $0x10  }
0xfe: {  	[tilespmem:$0x28D0] =	vst v2  }
0xff: {  	[tilespmem:$0x29D0] =	vst v1  }
0x100: {  	v1 =	vld [tilespmem:s26+$0xFFFFFFF0];
	_ =	sdelay $0x4  }
0x101: {  	v2 =	vand.u32 $0xFFFF, v1  }
0x102: {  	v1 =	vshrl.u32 v1, $0x10;
	[tilespmem:$0x28E0] =	vst v2  }
0x103: {  	[tilespmem:$0x29E0] =	vst v1  }
0x104: {  	v1 =	vld [tilespmem:s26+$0x0];
	_ =	sdelay $0x4  }
0x105: {  	v2 =	vand.u32 $0xFFFF, v1  }
0x106: {  	v1 =	vshrl.u32 v1, $0x10;
	[tilespmem:$0x28F0] =	vst v2  }
0x107: {  	[tilespmem:$0x29F0] =	vst v1  }
0x108: {  	[tilespmem:s18], [sflag:$0x2] =	stream.indirect.gather [hbm4b:s4+s15], $0x80, s17, s15, $0xb8;
	[tilespmem:$0x1EA00] =	vst v63  }
0x109: {  	_ =	swait.ge [sflag:s19], $0x4000  }
0x10a: {  	[sflag:s19] =	ssyncset.done $0x0  }
0x10b: {  	[sflag:s19] =	ssyncadd.s32 $0xFFFFC000  }
0x10c: {  	[spmem:s1] =	stream.indirect.scatter.add.f32 [tilespmem:s13], [sflag:$0x3], $0x80, s20, s15, $0xb8;
	[tilespmem:$0x1EA00] =	vst v63  }
0x10d: {  	_ =	swait.ge [sflag:s21], $0x4000  }
0x10e: {  	[sflag:s21] =	ssyncset.done $0x0  }
0x10f: {  	[sflag:s21] =	ssyncadd.s32 $0xFFFFC000  }
0x110: {  	[spmem:s1] =	stream.indirect.scatter.add.f32 [tilespmem:s18], [sflag:$0x4], $0x80, s22, s15, $0xb8;
	[tilespmem:$0x1EA00] =	vst v63  }
0x111: {  	_ =	swait.ge [sflag:s23], $0x4000  }
0x112: {  	[sflag:s23] =	ssyncset.done $0x0  }
0x113: {  	[sflag:s23] =	ssyncadd.s32 $0xFFFFC000  }
0x114: {  	_ =	swait.ge [sflag:s24], $0x4000  }
0x115: {  	s31 =	sshll.u32 s2, $0x6;
	s25 =	sadd.s32 $0x1, s25;
	[sflag:s24] =	ssyncset.done $0x0  }
0x116: {  	s28 =	sshrl.u32 s5, $0x3;
	p0 =	sne.s32 s25, s8;
	[sflag:s24] =	ssyncadd.s32 $0xFFFFC000  }
.Ltmp2:
0x117: {  	s26 =	sor.u32 $0x1C05, s31;
	[bflag:$0x0] =	sbarrier.arrive $0xFFFF;
	(pc) =	sbr.rel @p0 .LBB2_1-.Ltmp2, $4  }
0x118: {  	[hbm:s7], [sflag:s26] =	dma.local [spmem:s28], $0x2800  }
0x119: {  	_ =	swait.ge [sflag:s14], $0x2800  }
0x11a: {  	[sflag:s14] =	ssyncset.done $0x0  }
0x11b: {  	[sflag:s14] =	ssyncadd.s32 $0xFFFFD800  }
0x11c: {  	_ =	sfence.sel $0x180000  }
0x11d: {  	[bflag:$0x0] =	sbarrier.arrive $0xFFFF  }
0x11e: {  	p0 =	sne.s32 s2, $0x0;
	_ =	strace $0x9000004A  }
0x11f: {  	s0 =	sadd.s32 @!p0 $0x100000, s0;
	[bflag:$0x2] =	sbarrier.arrive $0xFFFF  }
0x120: {  	[sflag:s0] =	ssyncadd.tile.s32 @!p0 $0x1;
	_ =	shalt  }
.Lfunc_end2:
_tile_overlayer_lowered:
.L_overlay_start_2:
0x121: {  	(tag) =	ssettag $0x2  }
0x122: {  	s0 =	rddreg [dreg:$0x0];
	s2 =	stileid.u32  }
0x123: {  	s1 =	rddreg [dreg:$0x1];
	p0 =	sne.s32 s2, $0x0  }
0x124: {  	s3 =	rddreg [dreg:$0x2];
	[bflag:$0x3] =	sbarrier.arrive $0xFFFF;
	s2 =	simm.s32 @!p0 $0x1C05  }
0x125: {  	[timem:s3], [sflag:s2] =	dma.local @!p0 [hbm:s0], s1  }
0x126: {  	s0 =	simm.s32 @!p0 $0x5  }
0x127: {  	_ =	swait.ge @!p0 [sflag:s0], s1  }
0x128: {  	s1 =	ssub.s32 @!p0 $0x0, s1;
	[sflag:s0] =	ssyncset.done @!p0 $0x0  }
0x129: {  	[sflag:s0] =	ssyncadd.s32 @!p0 s1  }
0x12a: {  	[bflag:$0x3] =	sbarrier.arrive $0xFFFF  }
0x12b: {  	_ =	shalt  }

// kernel: kernel.14.cloned.1.call-start
scs
__scs_entry_jumppad:
0x0: {  	(pc) =	sbr.rel $0x88, $3  }
0x1: {  	(tag) =	ssettag $0x0;
	lr =	simm.s32 $0x1  }
0x2: {  	[smem:$0x3F9B] =	sst lr;
	_ =	strace $0xD0000000  }
0x3: {  	_ = 	snop  }
0x4: {  	_ = 	snop  }
0x5: {  	_ = 	snop  }
0x6: {  	_ = 	snop  }
0x7: {  	_ = 	snop  }
__scs_overlays_trampoline_lowered:
0x8: {  	[smem:$0x3FAA] =	sst s0  }
0x9: {  	[smem:$0x3FAB] =	sst s1  }
0xa: {  	[smem:$0x3FAC] =	sst s2  }
0xb: {  	[smem:$0x3FAD] =	sst s3  }
0xc: {  	[smem:$0x3FAE] =	sst s4  }
0xd: {  	[smem:$0x3FAF] =	sst s5  }
0xe: {  	[smem:$0x3FB0] =	sst s6  }
0xf: {  	[smem:$0x3FB1] =	sst s7  }
0x10: {  	[smem:$0x3FB2] =	sst s8  }
0x11: {  	[smem:$0x3FB3] =	sst s9;
	s0 =	simm.s32 @!p0 $0x0  }
0x12: {  	s1 =	sld [smem:$0x3F99];
	s0 =	simm.s32 @p0 $0x1  }
0x13: {  	[smem:$0x3FB4] =	sst s0;
	s0 =	simm.s32 @!p1 $0x0  }
0x14: {  	s2 =	sld [smem:$0x3F98];
	s0 =	simm.s32 @p1 $0x1  }
0x15: {  	[smem:$0x3FB5] =	sst s0;
	s0 =	simm.s32 @!p2 $0x0  }
0x16: {  	s3 =	sld [smem:$0x3FDB];
	s0 =	simm.s32 @p2 $0x1  }
0x17: {  	s4 =	simm.s32 $0x1BF5;
	[smem:$0x3FB7] =	sst s0  }
0x18: {  	s0 =	sld [smem:$0x3F9A];
	_ =	swait.ge [sflag:s4], $0x0  }
0x19: {  	s7 =	sld [smem:$0x3F9B]  }
0x1a: {  	s8 =	sadd.s32 $0xFFFFE003, lr  }
0x1b: {  	s9 =	sadd.s32 $0xFFFFFEF7, lr;
	s5 =	simm.s32 $0xFFFFFFFF;
	p2 =	slt.u32 s8, $0xFFFFF086  }
0x1c: {  	p1 =	slt.u32 s9, $0xF7A;
	s5 =	simm.s32 @!p2 $0x0  }
0x1d: {  	s5 =	simm.s32 @p1 $0x1;
	p0 =	seq.s32 s7, s2  }
0x1e: {  	s7 =	smul.u32 @!p0 $0xF7A, s2;
	p2 =	seq.s32 @!p0 s5, $0x0  }
0x1f: {  	s9 =	smul.u32 $0xF7A, s1;
	s8 =	simm.s32 @!p0 $0x1BF5;
	p2 =	por !p2, p0  }
0x20: {  	[sflag:s8] =	ssyncset.s32 @!p0 $0xFFFFF086;
	s6 =	sadd.s32 @!p0 s3, s7;
	s7 =	simm.s32 @!p0 $0x108  }
0x21: {  	s3 =	sadd.s32 s3, s9;
	s6 =	sadd.s32 @!p0 $0x88, s6;
	s7 =	simm.s32 @p2 $0x1082  }
0x22: {  	[simem:s7], [sflag:s8] =	dma.local @!p0 [hbm:s6], $0xF7A  }
0x23: {  	s9 =	sor.u32 $0xD0000000, s2;
	s6 =	simm.s32 $0x108;
	_ =	swait.ge @!p0 [sflag:s8], $0x0  }
0x24: {  	s3 =	sadd.s32 $0x88, s3;
	s6 =	simm.s32 @!p1 $0x1082;
	[sflag:s4] =	ssyncset.s32 $0xFFFFF086  }
0x25: {  	[simem:s6], [sflag:s4] =	dma.local [hbm:s3], $0xF7A  }
0x26: {  	[smem:$0x3F9B] =	sst s1;
	(tag) =	ssettag s2;
	_ =	strace s9  }
0x27: {  	s1 =	sld [smem:$0x3FAB]  }
0x28: {  	s2 =	sld [smem:$0x3FAC]  }
0x29: {  	s4 =	sld [smem:$0x3FAE]  }
0x2a: {  	p0 =	seq.s32 s5, $0x0;
	s5 =	sld [smem:$0x3FAF]  }
0x2b: {  	s6 =	sld [smem:$0x3FB0]  }
0x2c: {  	s7 =	sld [smem:$0x3FB1]  }
0x2d: {  	s3 =	simm.s32 $0x108;
	s8 =	sld [smem:$0x3FB2]  }
0x2e: {  	s3 =	simm.s32 @!p0 $0x1082;
	s9 =	sld [smem:$0x3FB3]  }
0x2f: {  	lr =	sadd.s32 s0, s3;
	s0 =	sld [smem:$0x3FAA]  }
0x30: {  	s3 =	sld [smem:$0x3FAD]  }
0x31: {  	[smem:$0x3FB6] =	sst s10  }
0x32: {  	s10 =	sld [smem:$0x3FB4];
	_ =	sdelay $0x3  }
0x33: {  	p0 =	seq.s32 s10, $0x1;
	s10 =	sld [smem:$0x3FB6];
	_ =	sdelay $0x3  }
0x34: {  	[smem:$0x3FB6] =	sst s10  }
0x35: {  	s10 =	sld [smem:$0x3FB5];
	_ =	sdelay $0x3  }
0x36: {  	p1 =	seq.s32 s10, $0x1;
	s10 =	sld [smem:$0x3FB6];
	_ =	sdelay $0x3  }
0x37: {  	[smem:$0x3FB6] =	sst s10  }
0x38: {  	s10 =	sld [smem:$0x3FB7]  }
0x39: {  	_ = 	snop;
	(pc) =	sbr.ind lr, $3  }
0x3a: {  	_ = 	snop  }
0x3b: {  	_ = 	snop  }
0x3c: {  	p2 =	seq.s32 s10, $0x1;
	s10 =	sld [smem:$0x3FB6]  }
0x3d: {  	_ =	shalt  }
0x3e: {  	_ =	shalt  }
0x3f: {  	_ =	shalt  }
0x40: {  	_ =	shalt  }
0x41: {  	_ =	shalt  }
0x42: {  	_ =	shalt  }
0x43: {  	_ =	shalt  }
0x44: {  	_ =	shalt  }
0x45: {  	_ =	shalt  }
0x46: {  	_ =	shalt  }
0x47: {  	_ =	shalt  }
0x48: {  	_ =	shalt  }
0x49: {  	_ =	shalt  }
0x4a: {  	_ =	shalt  }
0x4b: {  	_ =	shalt  }
0x4c: {  	_ =	shalt  }
0x4d: {  	_ =	shalt  }
0x4e: {  	_ =	shalt  }
0x4f: {  	_ =	shalt  }
0x50: {  	_ =	shalt  }
0x51: {  	_ =	shalt  }
0x52: {  	_ =	shalt  }
0x53: {  	_ =	shalt  }
0x54: {  	_ =	shalt  }
0x55: {  	_ =	shalt  }
0x56: {  	_ =	shalt  }
0x57: {  	_ =	shalt  }
0x58: {  	_ =	shalt  }
0x59: {  	_ =	shalt  }
0x5a: {  	_ =	shalt  }
0x5b: {  	_ =	shalt  }
0x5c: {  	_ =	shalt  }
0x5d: {  	_ =	shalt  }
0x5e: {  	_ =	shalt  }
0x5f: {  	_ =	shalt  }
0x60: {  	_ =	shalt  }
0x61: {  	_ =	shalt  }
0x62: {  	_ =	shalt  }
0x63: {  	_ =	shalt  }
0x64: {  	_ =	shalt  }
0x65: {  	_ =	shalt  }
0x66: {  	_ =	shalt  }
0x67: {  	_ =	shalt  }
0x68: {  	_ =	shalt  }
0x69: {  	_ =	shalt  }
0x6a: {  	_ =	shalt  }
0x6b: {  	_ =	shalt  }
0x6c: {  	_ =	shalt  }
0x6d: {  	_ =	shalt  }
0x6e: {  	_ =	shalt  }
0x6f: {  	_ =	shalt  }
0x70: {  	_ =	shalt  }
0x71: {  	_ =	shalt  }
0x72: {  	_ =	shalt  }
0x73: {  	_ =	shalt  }
0x74: {  	_ =	shalt  }
0x75: {  	_ =	shalt  }
0x76: {  	_ =	shalt  }
0x77: {  	_ =	shalt  }
0x78: {  	_ =	shalt  }
0x79: {  	_ =	shalt  }
0x7a: {  	_ =	shalt  }
0x7b: {  	_ =	shalt  }
0x7c: {  	_ =	shalt  }
0x7d: {  	_ =	shalt  }
0x7e: {  	_ =	shalt  }
0x7f: {  	_ =	shalt  }
0x80: {  	_ =	shalt  }
0x81: {  	_ =	shalt  }
0x82: {  	_ =	shalt  }
0x83: {  	_ =	shalt  }
0x84: {  	_ =	shalt  }
0x85: {  	_ =	shalt  }
0x86: {  	_ =	shalt  }
0x87: {  	_ =	shalt  }
.Lfunc_end0:
.L_simem_size_0:
called_computation.2_lowered:
.L_overlay_start_0:
0x88: {  	s2 =	sld [smem:$0x3FD9]  }
0x89: {  	s3 =	sld [smem:$0x3FFE];
	_ =	sdelay $0x1  }
0x8a: {  	s1 =	srdreg.scid  }
0x8b: {  	s0 =	sand.u32 $0x1, s1  }
0x8c: {  	s17 =	sshll.u32 s0, $0xA;
	s2 =	sadd.s32 s3, s2  }
0x8d: {  	s2 =	sadd.s32 s2, s17  }
0x8e: {  	[smem:$0x3FC2] =	sst s2  }
0x8f: {  	_ = 	snop  }
0x90: {  	s2 =	sld [smem:$0x3FD0];
	(tm) =	ssettm $0x1  }
0x91: {  	s18 =	sld [smem:$0x3FFB];
	_ =	sdelay $0x3  }
0x92: {  	_ =	strace s18  }
0x93: {  	s3 =	sld [smem:$0x3FFC];
	_ =	sdelay $0x3  }
0x94: {  	_ =	strace s3  }
0x95: {  	s3 =	sld [smem:$0x3FFD];
	_ =	sdelay $0x3  }
0x96: {  	_ =	strace s3  }
0x97: {  	_ =	strace $0x8FFFFFFF  }
0x98: {  	s19 =	sld [smem:$0x3FDB];
	_ =	sdelay $0x1  }
0x99: {  	s4 =	simm.s32 $_scs_section_size  }
0x9a: {  	s5 =	simm.s32 $_size__tile_overlayer_lowered;
	s6 =	simm.s32 $_tile_overlayer_lowered  }
0x9b: {  	s22 =	simm.s32 $0x1BFF;
	s21 =	sshll.u32 s6, $0x1;
	s3 =	sadd.s32 s4, s19  }
0x9c: {  	s7 =	simm.s32 $0x0;
	s20 =	sshll.u32 s5, $0x1;
	s5 =	sadd.s32 s21, s3  }
0x9d: {  	[timem:s7], [sflag:s22] =	dma.local [hbm:s5], s20  }
0x9e: {  	_ =	swait.ge [sflag:s22], s20  }
0x9f: {  	s4 =	ssub.s32 $0x0, s20;
	[sflag:s22] =	ssyncset.done $0x0  }
0xa0: {  	[sflag:s22] =	ssyncadd.s32 s4;
	_ =	sdelay $0x1  }
0xa1: {  	s23 =	simm.s32 $0x1B8B  }
0xa2: {  	_ =	swait.ge [sflag:s23], $0x1  }
0xa3: {  	[sflag:s23] =	ssyncset.done $0x0  }
0xa4: {  	s25 =	simm.s32 $0x1B8E;
	s24 =	sld [smem:$0x3FFE];
	[sflag:s23] =	ssyncadd.s32 $0xFFFFFFFF  }
0xa5: {  	s26 =	simm.s32 $execute0_lowered;
	[smem:$0x3FD2] =	sst s25  }
0xa6: {  	s5 =	sshll.u32 s26, $0x1;
	_ =	strace $0x8000004C;
	[dreg:$0x1] =	wrdreg $0xFFFFFFFF  }
0xa7: {  	s28 =	simm.s32 $_size_execute0_lowered;
	s3 =	sadd.s32 s3, s5;
	[dreg:$0x0] =	wrdreg $0x0  }
0xa8: {  	s5 =	sshll.u32 s28, $0x1;
	[dreg:$0x2] =	wrdreg s3  }
0xa9: {  	[dreg:$0x3] =	wrdreg s5  }
0xaa: {  	[dreg:$0x4] =	wrdreg $0xC0  }
0xab: {  	_ =	task [dreg:s7], $0x5FFFF  }
0xac: {  	[dreg:$0x1] =	wrdreg $0xFFFFFFFF  }
0xad: {  	[dreg:$0x0] =	wrdreg $0x60  }
0xae: {  	[dreg:$0x2] =	wrdreg s24  }
0xaf: {  	[dreg:$0x3] =	wrdreg s2  }
0xb0: {  	[dreg:$0x4] =	wrdreg $0xAA000  }
0xb1: {  	[dreg:$0x5] =	wrdreg $0x9  }
0xb2: {  	_ =	task.clear_ibuf [dreg:s7], $0x6FFFF;
	_ =	strace $0x9000004C  }
0xb3: {  	s29 =	simm.s32 $0x9;
	_ =	strace $0x8000004E  }
0xb4: {  	_ =	swait.ge [sflag:s29], $0x1  }
0xb5: {  	[sflag:s29] =	ssyncadd.s32 $0xFFFFFFFF  }
0xb6: {  	_ =	strace $0x9000004E  }
0xb7: {  	_ =	sfence  }
0xb8: {  	s30 =	sld [smem:$0x0];
	_ =	sdelay $0x2  }
0xb9: {  	s31 =	sshll.u32 s1, $0xD;
	s1 =	sshrl.u32 s1, $0x2  }
0xba: {  	s3 =	sand.u32 $0x4000, s31;
	s1 =	sadd.s32 s1, s30  }
0xbb: {  	s0 =	sor.u32 s3, s0;
	s1 =	sshll.u32 s1, $0x11  }
0xbc: {  	s0 =	sor.u32 s1, s0  }
0xbd: {  	s0 =	sadd.s32 $0x8F2B, s0  }
0xbe: {  	[sflag:s0] =	ssyncadd.remote.s32 $0x1  }
0xbf: {  	_ =	sfence.sel $0xFFFF  }
0xc0: {  	[dreg:$0x0] =	wrdreg $0xFFFFFFFF;
	(pc) =	sbr.abs _section_cstart, $3  }
0xc1: {  	[dreg:$0x1] =	wrdreg $0xFFFFFFFF  }
0xc2: {  	_ =	task.clear_ibuf [dreg:s7], $0x2FFFF;
	_ =	strace $0x9FFFFFFF  }
0xc3: {  	(tm) =	ssettm $0x7FFFFFFF  }
tec
execute0_lowered:
.L_overlay_start_1:
0x0: {  	(tag) =	ssettag $0x1  }
0x1: {  	s5 =	rddreg [dreg:$0x0]  }
0x2: {  	s6 =	rddreg [dreg:$0x1]  }
0x3: {  	s1 =	rddreg [dreg:$0x2]  }
0x4: {  	s0 =	rddreg [dreg:$0x3];
	s3 =	simm.s32 $0x0  }
0x5: {  	s4 =	srdreg.scid;
	s2 =	stileid.u32;
	s13 =	simm.s32 $0x2A00  }
0x6: {  	s14 =	simm.s32 $0x5;
	s15 =	simm.s32 $0x80;
	s16 =	simm.s32 $0x2800  }
0x7: {  	s17 =	simm.s32 $0x2880;
	s18 =	simm.s32 $0x6A00;
	s19 =	simm.s32 $0x1  }
0x8: {  	s20 =	simm.s32 $0x2900;
	s21 =	simm.s32 $0x2;
	s22 =	simm.s32 $0x2980  }
0x9: {  	s23 =	simm.s32 $0x3;
	s24 =	simm.s32 $0x4;
	s25 =	simm.s32 $0x0  }
0xa: {  	[smem:$0x7FF] =	sst s3;
	s7 =	sand.u32 $0x1, s4;
	s8 =	smul.u32 $0x2800, s2  }
0xb: {  	s4 =	sadd.s32 $0x2600, s5;
	s11 =	smul.u32 $0x50000, s2;
	s10 =	sshll.u32 s7, $0x4  }
0xc: {  	s9 =	smul.u32 $0x28000, s7;
	s7 =	ssub.s32 $0x2, s7;
	s10 =	sor.u32 s2, s10  }
0xd: {  	_ =	strace $0x8000004D;
	s30 =	sshrl.u32 s7, $0x1;
	s10 =	smul.u32 $0x500, s10  }
0xe: {  	s31 =	sshrl.u32 s11, $0x2;
	s8 =	sadd.s32 s8, s9;
	s9 =	ssub.s32 s7, s30  }
0xf: {  	s8 =	sadd.s32 s8, s5;
	s5 =	sadd.s32 s31, s1;
	s6 =	sadd.s32 s6, s10  }
0x10: {  	s7 =	sadd.s32 $0x2A600, s8;
	s8 =	smax.u32 s9, $0x1;
	s9 =	sadd.s32 $0x4000, s5  }
0x11: {  	v0 =	vimm.f32 $0.0e+00;
	s10 =	sadd.s32 $0x8000, s5;
	s11 =	sadd.s32 $0xC000, s5;
	s12 =	sadd.s32 $0x10000, s5  }
.LBB2_1:
0x12: {  	s26 =	simm.s32 $0x0;
	s28 =	simm.s32 $0x200  }
.LBB2_2:
0x13: {  	p0 =	sne.s32 s28, $0xFE00;
	[tilespmem:s26+$0x2A70] =	vst v0  }
0x14: {  	[tilespmem:s26+$0x2A00] =	vst v0  }
0x15: {  	[tilespmem:s26+$0x2A10] =	vst v0  }
.Ltmp0:
0x16: {  	[tilespmem:s26+$0x2A20] =	vst v0;
	(pc) =	sbr.rel @p0 .LBB2_2-.Ltmp0, $4  }
0x17: {  	[tilespmem:s26+$0x2A30] =	vst v0  }
0x18: {  	[tilespmem:s26+$0x2A40] =	vst v0  }
0x19: {  	[tilespmem:s26+$0x2A50] =	vst v0  }
0x1a: {  	[tilespmem:s26+$0x2A60] =	vst v0;
	s26 =	sshra.s32 s28, $0x2;
	s28 =	sadd.s32 $0x200, s28  }
0x1b: {  	[tilespmem:s26+$0x2A70] =	vst v0  }
0x1c: {  	[tilespmem:s26+$0x2A00] =	vst v0  }
0x1d: {  	[tilespmem:s26+$0x2A10] =	vst v0  }
0x1e: {  	[tilespmem:s26+$0x2A20] =	vst v0  }
0x1f: {  	[tilespmem:s26+$0x2A30] =	vst v0  }
0x20: {  	[tilespmem:s26+$0x2A40] =	vst v0  }
0x21: {  	[tilespmem:s26+$0x2A50] =	vst v0  }
0x22: {  	[tilespmem:s26+$0x2A60] =	vst v0  }
0x23: {  	[spmem:s5] =	stream.linear.scatter [tilespmem:s13], [sflag:$0x5], $0x4000, $0x38;
	[tilespmem:$0x1EA00] =	vst v63  }
0x24: {  	_ =	swait.ge [sflag:s14], $0x4000  }
0x25: {  	[sflag:s14] =	ssyncset.done $0x0  }
0x26: {  	[sflag:s14] =	ssyncadd.s32 $0xFFFFC000  }
0x27: {  	[spmem:s9] =	stream.linear.scatter [tilespmem:s13], [sflag:$0x5], $0x4000, $0x38;
	[tilespmem:$0x1EA00] =	vst v63  }
0x28: {  	_ =	swait.ge [sflag:s14], $0x4000  }
0x29: {  	[sflag:s14] =	ssyncset.done $0x0  }
0x2a: {  	[sflag:s14] =	ssyncadd.s32 $0xFFFFC000  }
0x2b: {  	[spmem:s10] =	stream.linear.scatter [tilespmem:s13], [sflag:$0x5], $0x4000, $0x38;
	[tilespmem:$0x1EA00] =	vst v63  }
0x2c: {  	_ =	swait.ge [sflag:s14], $0x4000  }
0x2d: {  	[sflag:s14] =	ssyncset.done $0x0  }
0x2e: {  	[sflag:s14] =	ssyncadd.s32 $0xFFFFC000  }
0x2f: {  	[spmem:s11] =	stream.linear.scatter [tilespmem:s13], [sflag:$0x5], $0x4000, $0x38;
	[tilespmem:$0x1EA00] =	vst v63  }
0x30: {  	_ =	swait.ge [sflag:s14], $0x4000  }
0x31: {  	[sflag:s14] =	ssyncset.done $0x0  }
0x32: {  	[sflag:s14] =	ssyncadd.s32 $0xFFFFC000  }
0x33: {  	[spmem:s12] =	stream.linear.scatter [tilespmem:s13], [sflag:$0x5], $0x4000, $0x38;
	[tilespmem:$0x1EA00] =	vst v63  }
0x34: {  	_ =	swait.ge [sflag:s14], $0x4000  }
0x35: {  	[sflag:s14] =	ssyncset.done $0x0  }
0x36: {  	[sflag:s14] =	ssyncadd.s32 $0xFFFFC000  }
0x37: {  	[tilespmem:s3], [sflag:$0x5] =	stream.linear.gather [hbm4b:s6+s3], $0x2800, $0x38;
	[tilespmem:$0x1EA00] =	vst v63  }
0x38: {  	_ =	swait.ge [sflag:s14], $0x2800  }
0x39: {  	[sflag:s14] =	ssyncset.done $0x0  }
0x3a: {  	[sflag:s14] =	ssyncadd.s32 $0xFFFFD800  }
0x3b: {  	[bflag:$0x0] =	sbarrier.arrive $0xFFFF  }
0x3c: {  	v1 =	vld [tilespmem:$0x0];
	_ =	sdelay $0x1  }
0x3d: {  	v2 =	vld [tilespmem:$0x10];
	_ =	sdelay $0x1  }
0x3e: {  	v3 =	vld [tilespmem:$0x20]  }
0x3f: {  	v4 =	vand.u32 $0xFFFF, v1  }
0x40: {  	v59 =	vld [tilespmem:$0x30];
	v1 =	vshrl.u32 v1, $0x10;
	[tilespmem:$0x2800] =	vst v4  }
0x41: {  	[tilespmem:$0x2900] =	vst v1;
	v1 =	vand.u32 $0xFFFF, v2  }
0x42: {  	[tilespmem:$0x2810] =	vst v1;
	v1 =	vshrl.u32 v2, $0x10;
	v2 =	vld [tilespmem:$0x40]  }
0x43: {  	[tilespmem:$0x2910] =	vst v1;
	v1 =	vand.u32 $0xFFFF, v3  }
0x44: {  	[tilespmem:$0x2820] =	vst v1;
	v1 =	vshrl.u32 v3, $0x10;
	v3 =	vld [tilespmem:$0x50]  }
0x45: {  	[tilespmem:$0x2920] =	vst v1;
	v1 =	vand.u32 $0xFFFF, v59  }
0x46: {  	v60 =	vld [tilespmem:$0x60];
	[tilespmem:$0x2830] =	vst v1;
	v1 =	vshrl.u32 v59, $0x10  }
0x47: {  	[tilespmem:$0x2930] =	vst v1;
	v1 =	vand.u32 $0xFFFF, v2  }
0x48: {  	[tilespmem:$0x2840] =	vst v1;
	v1 =	vshrl.u32 v2, $0x10;
	v2 =	vld [tilespmem:$0x70]  }
0x49: {  	[tilespmem:$0x2940] =	vst v1;
	v1 =	vand.u32 $0xFFFF, v3  }
0x4a: {  	[tilespmem:$0x2850] =	vst v1;
	v1 =	vshrl.u32 v3, $0x10  }
0x4b: {  	[tilespmem:$0x2950] =	vst v1;
	v1 =	vand.u32 $0xFFFF, v60  }
0x4c: {  	[tilespmem:$0x2860] =	vst v1;
	v1 =	vshrl.u32 v60, $0x10  }
0x4d: {  	[tilespmem:$0x2960] =	vst v1;
	v1 =	vand.u32 $0xFFFF, v2  }
0x4e: {  	[tilespmem:$0x2870] =	vst v1;
	v1 =	vshrl.u32 v2, $0x10  }
0x4f: {  	[tilespmem:$0x2970] =	vst v1  }
0x50: {  	[tilespmem:s13], [sflag:$0x1] =	stream.indirect.gather [hbm4b:s4+s15], $0x80, s16, s15, $0xb8;
	[tilespmem:$0x1EA00] =	vst v63  }
0x51: {  	v1 =	vld [tilespmem:$0x80];
	_ =	sdelay $0x1  }
0x52: {  	v2 =	vld [tilespmem:$0x90];
	_ =	sdelay $0x1  }
0x53: {  	v3 =	vld [tilespmem:$0xA0]  }
0x54: {  	v61 =	vand.u32 $0xFFFF, v1  }
0x55: {  	v62 =	vld [tilespmem:$0xB0];
	v1 =	vshrl.u32 v1, $0x10;
	[tilespmem:$0x2880] =	vst v61  }
0x56: {  	[tilespmem:$0x2980] =	vst v1;
	v1 =	vand.u32 $0xFFFF, v2  }
0x57: {  	[tilespmem:$0x2890] =	vst v1;
	v1 =	vshrl.u32 v2, $0x10;
	v2 =	vld [tilespmem:$0xC0]  }
0x58: {  	[tilespmem:$0x2990] =	vst v1;
	v1 =	vand.u32 $0xFFFF, v3  }
0x59: {  	[tilespmem:$0x28A0] =	vst v1;
	v1 =	vshrl.u32 v3, $0x10;
	v3 =	vld [tilespmem:$0xD0]  }
0x5a: {  	[tilespmem:$0x29A0] =	vst v1;
	v1 =	vand.u32 $0xFFFF, v62  }
0x5b: {  	v63 =	vld [tilespmem:$0xE0];
	[tilespmem:$0x28B0] =	vst v1;
	v1 =	vshrl.u32 v62, $0x10  }
0x5c: {  	[tilespmem:$0x29B0] =	vst v1;
	v1 =	vand.u32 $0xFFFF, v2  }
0x5d: {  	[tilespmem:$0x28C0] =	vst v1;
	v1 =	vshrl.u32 v2, $0x10;
	v2 =	vld [tilespmem:$0xF0]  }
0x5e: {  	[tilespmem:$0x29C0] =	vst v1;
	v1 =	vand.u32 $0xFFFF, v3  }
0x5f: {  	[tilespmem:$0x28D0] =	vst v1;
	v1 =	vshrl.u32 v3, $0x10  }
0x60: {  	[tilespmem:$0x29D0] =	vst v1;
	v1 =	vand.u32 $0xFFFF, v63  }
0x61: {  	[tilespmem:$0x28E0] =	vst v1;
	v1 =	vshrl.u32 v63, $0x10  }
0x62: {  	[tilespmem:$0x29E0] =	vst v1;
	v1 =	vand.u32 $0xFFFF, v2  }
0x63: {  	[tilespmem:$0x28F0] =	vst v1;
	v1 =	vshrl.u32 v2, $0x10  }
0x64: {  	[tilespmem:$0x29F0] =	vst v1  }
0x65: {  	[tilespmem:s18], [sflag:$0x2] =	stream.indirect.gather [hbm4b:s4+s15], $0x80, s17, s15, $0xb8;
	[tilespmem:$0x1EA00] =	vst v63  }
0x66: {  	_ =	swait.ge [sflag:s19], $0x4000  }
0x67: {  	[sflag:s19] =	ssyncset.done $0x0  }
0x68: {  	[sflag:s19] =	ssyncadd.s32 $0xFFFFC000  }
0x69: {  	[spmem:s1] =	stream.indirect.scatter.add.f32 [tilespmem:s13], [sflag:$0x3], $0x80, s20, s15, $0xb8;
	[tilespmem:$0x1EA00] =	vst v63  }
0x6a: {  	_ =	swait.ge [sflag:s21], $0x4000  }
0x6b: {  	[sflag:s21] =	ssyncset.done $0x0  }
0x6c: {  	[sflag:s21] =	ssyncadd.s32 $0xFFFFC000  }
0x6d: {  	[spmem:s1] =	stream.indirect.scatter.add.f32 [tilespmem:s18], [sflag:$0x4], $0x80, s22, s15, $0xb8;
	[tilespmem:$0x1EA00] =	vst v63  }
0x6e: {  	_ =	swait.ge [sflag:s23], $0x4000  }
0x6f: {  	[sflag:s23] =	ssyncset.done $0x0  }
0x70: {  	s26 =	simm.s32 $0x1F0;
	[sflag:s23] =	ssyncadd.s32 $0xFFFFC000  }
0x71: {  	v1 =	vld [tilespmem:s26+$0xFFFFFF10];
	_ =	sdelay $0x4  }
0x72: {  	v2 =	vand.u32 $0xFFFF, v1  }
0x73: {  	v1 =	vshrl.u32 v1, $0x10;
	[tilespmem:$0x2800] =	vst v2  }
0x74: {  	[tilespmem:$0x2900] =	vst v1  }
0x75: {  	v1 =	vld [tilespmem:s26+$0xFFFFFF20];
	_ =	sdelay $0x4  }
0x76: {  	v2 =	vand.u32 $0xFFFF, v1  }
0x77: {  	v1 =	vshrl.u32 v1, $0x10;
	[tilespmem:$0x2810] =	vst v2  }
0x78: {  	[tilespmem:$0x2910] =	vst v1  }
0x79: {  	v1 =	vld [tilespmem:s26+$0xFFFFFF30];
	_ =	sdelay $0x4  }
0x7a: {  	v2 =	vand.u32 $0xFFFF, v1  }
0x7b: {  	v1 =	vshrl.u32 v1, $0x10;
	[tilespmem:$0x2820] =	vst v2  }
0x7c: {  	[tilespmem:$0x2920] =	vst v1  }
0x7d: {  	v1 =	vld [tilespmem:s26+$0xFFFFFF40];
	_ =	sdelay $0x4  }
0x7e: {  	v2 =	vand.u32 $0xFFFF, v1  }
0x7f: {  	v1 =	vshrl.u32 v1, $0x10;
	[tilespmem:$0x2830] =	vst v2  }
0x80: {  	[tilespmem:$0x2930] =	vst v1  }
0x81: {  	v1 =	vld [tilespmem:s26+$0xFFFFFF50];
	_ =	sdelay $0x4  }
0x82: {  	v2 =	vand.u32 $0xFFFF, v1  }
0x83: {  	v1 =	vshrl.u32 v1, $0x10;
	[tilespmem:$0x2840] =	vst v2  }
0x84: {  	[tilespmem:$0x2940] =	vst v1  }
0x85: {  	v1 =	vld [tilespmem:s26+$0xFFFFFF60];
	_ =	sdelay $0x4  }
0x86: {  	v2 =	vand.u32 $0xFFFF, v1  }
0x87: {  	v1 =	vshrl.u32 v1, $0x10;
	[tilespmem:$0x2850] =	vst v2  }
0x88: {  	[tilespmem:$0x2950] =	vst v1  }
0x89: {  	v1 =	vld [tilespmem:s26+$0xFFFFFF70];
	_ =	sdelay $0x4  }
0x8a: {  	v2 =	vand.u32 $0xFFFF, v1  }
0x8b: {  	v1 =	vshrl.u32 v1, $0x10;
	[tilespmem:$0x2860] =	vst v2  }
0x8c: {  	[tilespmem:$0x2960] =	vst v1  }
0x8d: {  	v1 =	vld [tilespmem:s26+$0xFFFFFF80];
	_ =	sdelay $0x4  }
0x8e: {  	v2 =	vand.u32 $0xFFFF, v1  }
0x8f: {  	v1 =	vshrl.u32 v1, $0x10;
	[tilespmem:$0x2870] =	vst v2  }
0x90: {  	[tilespmem:$0x2970] =	vst v1  }
0x91: {  	[tilespmem:s13], [sflag:$0x1] =	stream.indirect.gather [hbm4b:s4+s15], $0x80, s16, s15, $0xb8;
	[tilespmem:$0x1EA00] =	vst v63  }
0x92: {  	_ =	swait.ge [sflag:s24], $0x4000  }
0x93: {  	[sflag:s24] =	ssyncset.done $0x0  }
0x94: {  	[sflag:s24] =	ssyncadd.s32 $0xFFFFC000  }
0x95: {  	v1 =	vld [tilespmem:s26+$0xFFFFFF90];
	_ =	sdelay $0x4  }
0x96: {  	v2 =	vand.u32 $0xFFFF, v1  }
0x97: {  	v1 =	vshrl.u32 v1, $0x10;
	[tilespmem:$0x2880] =	vst v2  }
0x98: {  	[tilespmem:$0x2980] =	vst v1  }
0x99: {  	v1 =	vld [tilespmem:s26+$0xFFFFFFA0];
	_ =	sdelay $0x4  }
0x9a: {  	v2 =	vand.u32 $0xFFFF, v1  }
0x9b: {  	v1 =	vshrl.u32 v1, $0x10;
	[tilespmem:$0x2890] =	vst v2  }
0x9c: {  	[tilespmem:$0x2990] =	vst v1  }
0x9d: {  	v1 =	vld [tilespmem:s26+$0xFFFFFFB0];
	_ =	sdelay $0x4  }
0x9e: {  	v2 =	vand.u32 $0xFFFF, v1  }
0x9f: {  	v1 =	vshrl.u32 v1, $0x10;
	[tilespmem:$0x28A0] =	vst v2  }
0xa0: {  	[tilespmem:$0x29A0] =	vst v1  }
0xa1: {  	v1 =	vld [tilespmem:s26+$0xFFFFFFC0];
	_ =	sdelay $0x4  }
0xa2: {  	v2 =	vand.u32 $0xFFFF, v1  }
0xa3: {  	v1 =	vshrl.u32 v1, $0x10;
	[tilespmem:$0x28B0] =	vst v2  }
0xa4: {  	[tilespmem:$0x29B0] =	vst v1  }
0xa5: {  	v1 =	vld [tilespmem:s26+$0xFFFFFFD0];
	_ =	sdelay $0x4  }
0xa6: {  	v2 =	vand.u32 $0xFFFF, v1  }
0xa7: {  	v1 =	vshrl.u32 v1, $0x10;
	[tilespmem:$0x28C0] =	vst v2  }
0xa8: {  	[tilespmem:$0x29C0] =	vst v1  }
0xa9: {  	v1 =	vld [tilespmem:s26+$0xFFFFFFE0];
	_ =	sdelay $0x4  }
0xaa: {  	v2 =	vand.u32 $0xFFFF, v1  }
0xab: {  	v1 =	vshrl.u32 v1, $0x10;
	[tilespmem:$0x28D0] =	vst v2  }
0xac: {  	s28 =	simm.s32 $0xBC0;
	[tilespmem:$0x29D0] =	vst v1  }
.LBB2_4:
0xad: {  	p0 =	sne.s32 s28, $0x9FC0;
	v1 =	vld [tilespmem:s26+$0xFFFFFFF0];
	s29 =	smov.u32 s28;
	s28 =	sadd.s32 $0x400, s28  }
0xae: {  	_ =	sdelay $0x3  }
0xaf: {  	v2 =	vand.u32 $0xFFFF, v1;
	v1 =	vshrl.u32 v1, $0x10  }
0xb0: {  	[tilespmem:$0x28E0] =	vst v2  }
0xb1: {  	[tilespmem:$0x29E0] =	vst v1  }
0xb2: {  	v1 =	vld [tilespmem:s26+$0x0];
	_ =	sdelay $0x4  }
0xb3: {  	v2 =	vand.u32 $0xFFFF, v1;
	v1 =	vshrl.u32 v1, $0x10  }
0xb4: {  	[tilespmem:$0x28F0] =	vst v2  }
0xb5: {  	[tilespmem:$0x29F0] =	vst v1  }
0xb6: {  	[tilespmem:s18], [sflag:$0x2] =	stream.indirect.gather [hbm4b:s4+s15], $0x80, s17, s15, $0xb8;
	[tilespmem:$0x1EA00] =	vst v63  }
0xb7: {  	_ =	swait.ge [sflag:s19], $0x4000  }
0xb8: {  	[sflag:s19] =	ssyncset.done $0x0  }
0xb9: {  	[sflag:s19] =	ssyncadd.s32 $0xFFFFC000  }
0xba: {  	[spmem:s1] =	stream.indirect.scatter.add.f32 [tilespmem:s13], [sflag:$0x3], $0x80, s20, s15, $0xb8;
	[tilespmem:$0x1EA00] =	vst v63  }
0xbb: {  	_ =	swait.ge [sflag:s21], $0x4000  }
0xbc: {  	[sflag:s21] =	ssyncset.done $0x0  }
0xbd: {  	[sflag:s21] =	ssyncadd.s32 $0xFFFFC000  }
0xbe: {  	[spmem:s1] =	stream.indirect.scatter.add.f32 [tilespmem:s18], [sflag:$0x4], $0x80, s22, s15, $0xb8;
	[tilespmem:$0x1EA00] =	vst v63  }
0xbf: {  	_ =	swait.ge [sflag:s23], $0x4000  }
0xc0: {  	[sflag:s23] =	ssyncset.done $0x0  }
0xc1: {  	s26 =	sshra.s32 s29, $0x2;
	[sflag:s23] =	ssyncadd.s32 $0xFFFFC000  }
0xc2: {  	v1 =	vld [tilespmem:s26+$0xFFFFFF10];
	_ =	sdelay $0x4  }
0xc3: {  	v2 =	vand.u32 $0xFFFF, v1;
	v1 =	vshrl.u32 v1, $0x10  }
0xc4: {  	[tilespmem:$0x2800] =	vst v2  }
0xc5: {  	[tilespmem:$0x2900] =	vst v1  }
0xc6: {  	v1 =	vld [tilespmem:s26+$0xFFFFFF20];
	_ =	sdelay $0x4  }
0xc7: {  	v2 =	vand.u32 $0xFFFF, v1;
	v1 =	vshrl.u32 v1, $0x10  }
0xc8: {  	[tilespmem:$0x2810] =	vst v2  }
0xc9: {  	[tilespmem:$0x2910] =	vst v1  }
0xca: {  	v1 =	vld [tilespmem:s26+$0xFFFFFF30];
	_ =	sdelay $0x4  }
0xcb: {  	v2 =	vand.u32 $0xFFFF, v1;
	v1 =	vshrl.u32 v1, $0x10  }
0xcc: {  	[tilespmem:$0x2820] =	vst v2  }
0xcd: {  	[tilespmem:$0x2920] =	vst v1  }
0xce: {  	v1 =	vld [tilespmem:s26+$0xFFFFFF40];
	_ =	sdelay $0x4  }
0xcf: {  	v2 =	vand.u32 $0xFFFF, v1;
	v1 =	vshrl.u32 v1, $0x10  }
0xd0: {  	[tilespmem:$0x2830] =	vst v2  }
0xd1: {  	[tilespmem:$0x2930] =	vst v1  }
0xd2: {  	v1 =	vld [tilespmem:s26+$0xFFFFFF50];
	_ =	sdelay $0x4  }
0xd3: {  	v2 =	vand.u32 $0xFFFF, v1;
	v1 =	vshrl.u32 v1, $0x10  }
0xd4: {  	[tilespmem:$0x2840] =	vst v2  }
0xd5: {  	[tilespmem:$0x2940] =	vst v1  }
0xd6: {  	v1 =	vld [tilespmem:s26+$0xFFFFFF60];
	_ =	sdelay $0x4  }
0xd7: {  	v2 =	vand.u32 $0xFFFF, v1;
	v1 =	vshrl.u32 v1, $0x10  }
0xd8: {  	[tilespmem:$0x2850] =	vst v2  }
0xd9: {  	[tilespmem:$0x2950] =	vst v1  }
0xda: {  	v1 =	vld [tilespmem:s26+$0xFFFFFF70];
	_ =	sdelay $0x4  }
0xdb: {  	v2 =	vand.u32 $0xFFFF, v1;
	v1 =	vshrl.u32 v1, $0x10  }
0xdc: {  	[tilespmem:$0x2860] =	vst v2  }
0xdd: {  	[tilespmem:$0x2960] =	vst v1  }
0xde: {  	v1 =	vld [tilespmem:s26+$0xFFFFFF80];
	_ =	sdelay $0x4  }
0xdf: {  	v2 =	vand.u32 $0xFFFF, v1;
	v1 =	vshrl.u32 v1, $0x10  }
0xe0: {  	[tilespmem:$0x2870] =	vst v2  }
0xe1: {  	[tilespmem:$0x2970] =	vst v1  }
0xe2: {  	[tilespmem:s13], [sflag:$0x1] =	stream.indirect.gather [hbm4b:s4+s15], $0x80, s16, s15, $0xb8;
	[tilespmem:$0x1EA00] =	vst v63  }
0xe3: {  	_ =	swait.ge [sflag:s24], $0x4000  }
0xe4: {  	[sflag:s24] =	ssyncset.done $0x0  }
0xe5: {  	[sflag:s24] =	ssyncadd.s32 $0xFFFFC000  }
0xe6: {  	v1 =	vld [tilespmem:s26+$0xFFFFFF90];
	_ =	sdelay $0x4  }
0xe7: {  	v2 =	vand.u32 $0xFFFF, v1;
	v1 =	vshrl.u32 v1, $0x10  }
0xe8: {  	[tilespmem:$0x2880] =	vst v2  }
0xe9: {  	[tilespmem:$0x2980] =	vst v1  }
0xea: {  	v1 =	vld [tilespmem:s26+$0xFFFFFFA0];
	_ =	sdelay $0x4  }
0xeb: {  	v2 =	vand.u32 $0xFFFF, v1;
	v1 =	vshrl.u32 v1, $0x10  }
0xec: {  	[tilespmem:$0x2890] =	vst v2  }
0xed: {  	[tilespmem:$0x2990] =	vst v1  }
0xee: {  	v1 =	vld [tilespmem:s26+$0xFFFFFFB0];
	_ =	sdelay $0x4  }
0xef: {  	v2 =	vand.u32 $0xFFFF, v1;
	v1 =	vshrl.u32 v1, $0x10  }
0xf0: {  	[tilespmem:$0x28A0] =	vst v2  }
0xf1: {  	[tilespmem:$0x29A0] =	vst v1  }
0xf2: {  	v1 =	vld [tilespmem:s26+$0xFFFFFFC0];
	_ =	sdelay $0x4  }
0xf3: {  	v2 =	vand.u32 $0xFFFF, v1;
	v1 =	vshrl.u32 v1, $0x10  }
0xf4: {  	[tilespmem:$0x28B0] =	vst v2  }
0xf5: {  	[tilespmem:$0x29B0] =	vst v1  }
0xf6: {  	v1 =	vld [tilespmem:s26+$0xFFFFFFD0];
	_ =	sdelay $0x4  }
0xf7: {  	v2 =	vand.u32 $0xFFFF, v1;
	v1 =	vshrl.u32 v1, $0x10  }
0xf8: {  	[tilespmem:$0x28C0] =	vst v2  }
0xf9: {  	[tilespmem:$0x29C0] =	vst v1  }
0xfa: {  	v1 =	vld [tilespmem:s26+$0xFFFFFFE0];
	_ =	sdelay $0x2  }
.Ltmp1:
0xfb: {  	(pc) =	sbr.rel @p0 .LBB2_4-.Ltmp1, $4  }
0xfc: {  	_ = 	snop  }
0xfd: {  	v2 =	vand.u32 $0xFFFF, v1;
	v1 =	vshrl.u32 v1, $0x10  }
0xfe: {  	[tilespmem:$0x28D0] =	vst v2  }
0xff: {  	[tilespmem:$0x29D0] =	vst v1  }
0x100: {  	v1 =	vld [tilespmem:s26+$0xFFFFFFF0];
	_ =	sdelay $0x4  }
0x101: {  	v2 =	vand.u32 $0xFFFF, v1  }
0x102: {  	v1 =	vshrl.u32 v1, $0x10;
	[tilespmem:$0x28E0] =	vst v2  }
0x103: {  	[tilespmem:$0x29E0] =	vst v1  }
0x104: {  	v1 =	vld [tilespmem:s26+$0x0];
	_ =	sdelay $0x4  }
0x105: {  	v2 =	vand.u32 $0xFFFF, v1  }
0x106: {  	v1 =	vshrl.u32 v1, $0x10;
	[tilespmem:$0x28F0] =	vst v2  }
0x107: {  	[tilespmem:$0x29F0] =	vst v1  }
0x108: {  	[tilespmem:s18], [sflag:$0x2] =	stream.indirect.gather [hbm4b:s4+s15], $0x80, s17, s15, $0xb8;
	[tilespmem:$0x1EA00] =	vst v63  }
0x109: {  	_ =	swait.ge [sflag:s19], $0x4000  }
0x10a: {  	[sflag:s19] =	ssyncset.done $0x0  }
0x10b: {  	[sflag:s19] =	ssyncadd.s32 $0xFFFFC000  }
0x10c: {  	[spmem:s1] =	stream.indirect.scatter.add.f32 [tilespmem:s13], [sflag:$0x3], $0x80, s20, s15, $0xb8;
	[tilespmem:$0x1EA00] =	vst v63  }
0x10d: {  	_ =	swait.ge [sflag:s21], $0x4000  }
0x10e: {  	[sflag:s21] =	ssyncset.done $0x0  }
0x10f: {  	[sflag:s21] =	ssyncadd.s32 $0xFFFFC000  }
0x110: {  	[spmem:s1] =	stream.indirect.scatter.add.f32 [tilespmem:s18], [sflag:$0x4], $0x80, s22, s15, $0xb8;
	[tilespmem:$0x1EA00] =	vst v63  }
0x111: {  	_ =	swait.ge [sflag:s23], $0x4000  }
0x112: {  	[sflag:s23] =	ssyncset.done $0x0  }
0x113: {  	[sflag:s23] =	ssyncadd.s32 $0xFFFFC000  }
0x114: {  	_ =	swait.ge [sflag:s24], $0x4000  }
0x115: {  	s31 =	sshll.u32 s2, $0x6;
	s25 =	sadd.s32 $0x1, s25;
	[sflag:s24] =	ssyncset.done $0x0  }
0x116: {  	s28 =	sshrl.u32 s5, $0x3;
	p0 =	sne.s32 s25, s8;
	[sflag:s24] =	ssyncadd.s32 $0xFFFFC000  }
.Ltmp2:
0x117: {  	s26 =	sor.u32 $0x1C05, s31;
	[bflag:$0x0] =	sbarrier.arrive $0xFFFF;
	(pc) =	sbr.rel @p0 .LBB2_1-.Ltmp2, $4  }
0x118: {  	[hbm:s7], [sflag:s26] =	dma.local [spmem:s28], $0x2800  }
0x119: {  	_ =	swait.ge [sflag:s14], $0x2800  }
0x11a: {  	[sflag:s14] =	ssyncset.done $0x0  }
0x11b: {  	[sflag:s14] =	ssyncadd.s32 $0xFFFFD800  }
0x11c: {  	_ =	sfence.sel $0x180000  }
0x11d: {  	[bflag:$0x0] =	sbarrier.arrive $0xFFFF  }
0x11e: {  	p0 =	sne.s32 s2, $0x0;
	_ =	strace $0x9000004D  }
0x11f: {  	s0 =	sadd.s32 @!p0 $0x100000, s0;
	[bflag:$0x2] =	sbarrier.arrive $0xFFFF  }
0x120: {  	[sflag:s0] =	ssyncadd.tile.s32 @!p0 $0x1;
	_ =	shalt  }
.Lfunc_end2:
_tile_overlayer_lowered:
.L_overlay_start_2:
0x121: {  	(tag) =	ssettag $0x2  }
0x122: {  	s0 =	rddreg [dreg:$0x0];
	s2 =	stileid.u32  }
0x123: {  	s1 =	rddreg [dreg:$0x1];
	p0 =	sne.s32 s2, $0x0  }
0x124: {  	s3 =	rddreg [dreg:$0x2];
	[bflag:$0x3] =	sbarrier.arrive $0xFFFF;
	s2 =	simm.s32 @!p0 $0x1C05  }
0x125: {  	[timem:s3], [sflag:s2] =	dma.local @!p0 [hbm:s0], s1  }
0x126: {  	s0 =	simm.s32 @!p0 $0x5  }
0x127: {  	_ =	swait.ge @!p0 [sflag:s0], s1  }
0x128: {  	s1 =	ssub.s32 @!p0 $0x0, s1;
	[sflag:s0] =	ssyncset.done @!p0 $0x0  }
0x129: {  	[sflag:s0] =	ssyncadd.s32 @!p0 s1  }
0x12a: {  	[bflag:$0x3] =	sbarrier.arrive $0xFFFF  }
0x12b: {  	_ =	shalt  }

// kernel: kernel.8.cloned.1.call-start
scs
__scs_entry_jumppad:
0x0: {  	(pc) =	sbr.rel $0x88, $3  }
0x1: {  	(tag) =	ssettag $0x0;
	lr =	simm.s32 $0x1  }
0x2: {  	[smem:$0x3F9B] =	sst lr;
	_ =	strace $0xD0000000  }
0x3: {  	_ = 	snop  }
0x4: {  	_ = 	snop  }
0x5: {  	_ = 	snop  }
0x6: {  	_ = 	snop  }
0x7: {  	_ = 	snop  }
__scs_overlays_trampoline_lowered:
0x8: {  	[smem:$0x3FAA] =	sst s0  }
0x9: {  	[smem:$0x3FAB] =	sst s1  }
0xa: {  	[smem:$0x3FAC] =	sst s2  }
0xb: {  	[smem:$0x3FAD] =	sst s3  }
0xc: {  	[smem:$0x3FAE] =	sst s4  }
0xd: {  	[smem:$0x3FAF] =	sst s5  }
0xe: {  	[smem:$0x3FB0] =	sst s6  }
0xf: {  	[smem:$0x3FB1] =	sst s7  }
0x10: {  	[smem:$0x3FB2] =	sst s8  }
0x11: {  	[smem:$0x3FB3] =	sst s9;
	s0 =	simm.s32 @!p0 $0x0  }
0x12: {  	s1 =	sld [smem:$0x3F99];
	s0 =	simm.s32 @p0 $0x1  }
0x13: {  	[smem:$0x3FB4] =	sst s0;
	s0 =	simm.s32 @!p1 $0x0  }
0x14: {  	s2 =	sld [smem:$0x3F98];
	s0 =	simm.s32 @p1 $0x1  }
0x15: {  	[smem:$0x3FB5] =	sst s0;
	s0 =	simm.s32 @!p2 $0x0  }
0x16: {  	s3 =	sld [smem:$0x3FDB];
	s0 =	simm.s32 @p2 $0x1  }
0x17: {  	s4 =	simm.s32 $0x1BF5;
	[smem:$0x3FB7] =	sst s0  }
0x18: {  	s0 =	sld [smem:$0x3F9A];
	_ =	swait.ge [sflag:s4], $0x0  }
0x19: {  	s7 =	sld [smem:$0x3F9B]  }
0x1a: {  	s8 =	sadd.s32 $0xFFFFE003, lr  }
0x1b: {  	s9 =	sadd.s32 $0xFFFFFEF7, lr;
	s5 =	simm.s32 $0xFFFFFFFF;
	p2 =	slt.u32 s8, $0xFFFFF086  }
0x1c: {  	p1 =	slt.u32 s9, $0xF7A;
	s5 =	simm.s32 @!p2 $0x0  }
0x1d: {  	s5 =	simm.s32 @p1 $0x1;
	p0 =	seq.s32 s7, s2  }
0x1e: {  	s7 =	smul.u32 @!p0 $0xF7A, s2;
	p2 =	seq.s32 @!p0 s5, $0x0  }
0x1f: {  	s9 =	smul.u32 $0xF7A, s1;
	s8 =	simm.s32 @!p0 $0x1BF5;
	p2 =	por !p2, p0  }
0x20: {  	[sflag:s8] =	ssyncset.s32 @!p0 $0xFFFFF086;
	s6 =	sadd.s32 @!p0 s3, s7;
	s7 =	simm.s32 @!p0 $0x108  }
0x21: {  	s3 =	sadd.s32 s3, s9;
	s6 =	sadd.s32 @!p0 $0x88, s6;
	s7 =	simm.s32 @p2 $0x1082  }
0x22: {  	[simem:s7], [sflag:s8] =	dma.local @!p0 [hbm:s6], $0xF7A  }
0x23: {  	s9 =	sor.u32 $0xD0000000, s2;
	s6 =	simm.s32 $0x108;
	_ =	swait.ge @!p0 [sflag:s8], $0x0  }
0x24: {  	s3 =	sadd.s32 $0x88, s3;
	s6 =	simm.s32 @!p1 $0x1082;
	[sflag:s4] =	ssyncset.s32 $0xFFFFF086  }
0x25: {  	[simem:s6], [sflag:s4] =	dma.local [hbm:s3], $0xF7A  }
0x26: {  	[smem:$0x3F9B] =	sst s1;
	(tag) =	ssettag s2;
	_ =	strace s9  }
0x27: {  	s1 =	sld [smem:$0x3FAB]  }
0x28: {  	s2 =	sld [smem:$0x3FAC]  }
0x29: {  	s4 =	sld [smem:$0x3FAE]  }
0x2a: {  	p0 =	seq.s32 s5, $0x0;
	s5 =	sld [smem:$0x3FAF]  }
0x2b: {  	s6 =	sld [smem:$0x3FB0]  }
0x2c: {  	s7 =	sld [smem:$0x3FB1]  }
0x2d: {  	s3 =	simm.s32 $0x108;
	s8 =	sld [smem:$0x3FB2]  }
0x2e: {  	s3 =	simm.s32 @!p0 $0x1082;
	s9 =	sld [smem:$0x3FB3]  }
0x2f: {  	lr =	sadd.s32 s0, s3;
	s0 =	sld [smem:$0x3FAA]  }
0x30: {  	s3 =	sld [smem:$0x3FAD]  }
0x31: {  	[smem:$0x3FB6] =	sst s10  }
0x32: {  	s10 =	sld [smem:$0x3FB4];
	_ =	sdelay $0x3  }
0x33: {  	p0 =	seq.s32 s10, $0x1;
	s10 =	sld [smem:$0x3FB6];
	_ =	sdelay $0x3  }
0x34: {  	[smem:$0x3FB6] =	sst s10  }
0x35: {  	s10 =	sld [smem:$0x3FB5];
	_ =	sdelay $0x3  }
0x36: {  	p1 =	seq.s32 s10, $0x1;
	s10 =	sld [smem:$0x3FB6];
	_ =	sdelay $0x3  }
0x37: {  	[smem:$0x3FB6] =	sst s10  }
0x38: {  	s10 =	sld [smem:$0x3FB7]  }
0x39: {  	_ = 	snop;
	(pc) =	sbr.ind lr, $3  }
0x3a: {  	_ = 	snop  }
0x3b: {  	_ = 	snop  }
0x3c: {  	p2 =	seq.s32 s10, $0x1;
	s10 =	sld [smem:$0x3FB6]  }
0x3d: {  	_ =	shalt  }
0x3e: {  	_ =	shalt  }
0x3f: {  	_ =	shalt  }
0x40: {  	_ =	shalt  }
0x41: {  	_ =	shalt  }
0x42: {  	_ =	shalt  }
0x43: {  	_ =	shalt  }
0x44: {  	_ =	shalt  }
0x45: {  	_ =	shalt  }
0x46: {  	_ =	shalt  }
0x47: {  	_ =	shalt  }
0x48: {  	_ =	shalt  }
0x49: {  	_ =	shalt  }
0x4a: {  	_ =	shalt  }
0x4b: {  	_ =	shalt  }
0x4c: {  	_ =	shalt  }
0x4d: {  	_ =	shalt  }
0x4e: {  	_ =	shalt  }
0x4f: {  	_ =	shalt  }
0x50: {  	_ =	shalt  }
0x51: {  	_ =	shalt  }
0x52: {  	_ =	shalt  }
0x53: {  	_ =	shalt  }
0x54: {  	_ =	shalt  }
0x55: {  	_ =	shalt  }
0x56: {  	_ =	shalt  }
0x57: {  	_ =	shalt  }
0x58: {  	_ =	shalt  }
0x59: {  	_ =	shalt  }
0x5a: {  	_ =	shalt  }
0x5b: {  	_ =	shalt  }
0x5c: {  	_ =	shalt  }
0x5d: {  	_ =	shalt  }
0x5e: {  	_ =	shalt  }
0x5f: {  	_ =	shalt  }
0x60: {  	_ =	shalt  }
0x61: {  	_ =	shalt  }
0x62: {  	_ =	shalt  }
0x63: {  	_ =	shalt  }
0x64: {  	_ =	shalt  }
0x65: {  	_ =	shalt  }
0x66: {  	_ =	shalt  }
0x67: {  	_ =	shalt  }
0x68: {  	_ =	shalt  }
0x69: {  	_ =	shalt  }
0x6a: {  	_ =	shalt  }
0x6b: {  	_ =	shalt  }
0x6c: {  	_ =	shalt  }
0x6d: {  	_ =	shalt  }
0x6e: {  	_ =	shalt  }
0x6f: {  	_ =	shalt  }
0x70: {  	_ =	shalt  }
0x71: {  	_ =	shalt  }
0x72: {  	_ =	shalt  }
0x73: {  	_ =	shalt  }
0x74: {  	_ =	shalt  }
0x75: {  	_ =	shalt  }
0x76: {  	_ =	shalt  }
0x77: {  	_ =	shalt  }
0x78: {  	_ =	shalt  }
0x79: {  	_ =	shalt  }
0x7a: {  	_ =	shalt  }
0x7b: {  	_ =	shalt  }
0x7c: {  	_ =	shalt  }
0x7d: {  	_ =	shalt  }
0x7e: {  	_ =	shalt  }
0x7f: {  	_ =	shalt  }
0x80: {  	_ =	shalt  }
0x81: {  	_ =	shalt  }
0x82: {  	_ =	shalt  }
0x83: {  	_ =	shalt  }
0x84: {  	_ =	shalt  }
0x85: {  	_ =	shalt  }
0x86: {  	_ =	shalt  }
0x87: {  	_ =	shalt  }
.Lfunc_end0:
.L_simem_size_0:
called_computation_lowered:
.L_overlay_start_0:
0x88: {  	s2 =	sld [smem:$0x3FD9]  }
0x89: {  	s3 =	sld [smem:$0x3FFE];
	_ =	sdelay $0x1  }
0x8a: {  	s1 =	srdreg.scid  }
0x8b: {  	s0 =	sand.u32 $0x1, s1  }
0x8c: {  	s17 =	sshll.u32 s0, $0xA;
	s2 =	sadd.s32 s3, s2  }
0x8d: {  	s2 =	sadd.s32 s2, s17  }
0x8e: {  	[smem:$0x3FC2] =	sst s2  }
0x8f: {  	_ = 	snop  }
0x90: {  	s2 =	sld [smem:$0x3FD0];
	(tm) =	ssettm $0x1  }
0x91: {  	s18 =	sld [smem:$0x3FFB];
	_ =	sdelay $0x3  }
0x92: {  	_ =	strace s18  }
0x93: {  	s3 =	sld [smem:$0x3FFC];
	_ =	sdelay $0x3  }
0x94: {  	_ =	strace s3  }
0x95: {  	s3 =	sld [smem:$0x3FFD];
	_ =	sdelay $0x3  }
0x96: {  	_ =	strace s3  }
0x97: {  	_ =	strace $0x8FFFFFFF  }
0x98: {  	s19 =	sld [smem:$0x3FDB];
	_ =	sdelay $0x1  }
0x99: {  	s4 =	simm.s32 $_scs_section_size  }
0x9a: {  	s5 =	simm.s32 $_size__tile_overlayer_lowered;
	s6 =	simm.s32 $_tile_overlayer_lowered  }
0x9b: {  	s22 =	simm.s32 $0x1BFF;
	s21 =	sshll.u32 s6, $0x1;
	s3 =	sadd.s32 s4, s19  }
0x9c: {  	s7 =	simm.s32 $0x0;
	s20 =	sshll.u32 s5, $0x1;
	s5 =	sadd.s32 s21, s3  }
0x9d: {  	[timem:s7], [sflag:s22] =	dma.local [hbm:s5], s20  }
0x9e: {  	_ =	swait.ge [sflag:s22], s20  }
0x9f: {  	s4 =	ssub.s32 $0x0, s20;
	[sflag:s22] =	ssyncset.done $0x0  }
0xa0: {  	[sflag:s22] =	ssyncadd.s32 s4;
	_ =	sdelay $0x1  }
0xa1: {  	s23 =	simm.s32 $0x1B8B  }
0xa2: {  	_ =	swait.ge [sflag:s23], $0x1  }
0xa3: {  	[sflag:s23] =	ssyncset.done $0x0  }
0xa4: {  	s25 =	simm.s32 $0x1B8E;
	s24 =	sld [smem:$0x3FFE];
	[sflag:s23] =	ssyncadd.s32 $0xFFFFFFFF  }
0xa5: {  	s26 =	simm.s32 $execute0_lowered;
	[smem:$0x3FD2] =	sst s25  }
0xa6: {  	s5 =	sshll.u32 s26, $0x1;
	_ =	strace $0x80000046;
	[dreg:$0x1] =	wrdreg $0xFFFFFFFF  }
0xa7: {  	s28 =	simm.s32 $_size_execute0_lowered;
	s3 =	sadd.s32 s3, s5;
	[dreg:$0x0] =	wrdreg $0x0  }
0xa8: {  	s5 =	sshll.u32 s28, $0x1;
	[dreg:$0x2] =	wrdreg s3  }
0xa9: {  	[dreg:$0x3] =	wrdreg s5  }
0xaa: {  	[dreg:$0x4] =	wrdreg $0xC0  }
0xab: {  	_ =	task [dreg:s7], $0x5FFFF  }
0xac: {  	[dreg:$0x1] =	wrdreg $0xFFFFFFFF  }
0xad: {  	[dreg:$0x0] =	wrdreg $0x60  }
0xae: {  	[dreg:$0x2] =	wrdreg s2  }
0xaf: {  	[dreg:$0x3] =	wrdreg s24  }
0xb0: {  	[dreg:$0x4] =	wrdreg $0x54800  }
0xb1: {  	[dreg:$0x5] =	wrdreg $0x9  }
0xb2: {  	_ =	task.clear_ibuf [dreg:s7], $0x6FFFF;
	_ =	strace $0x90000046  }
0xb3: {  	s29 =	simm.s32 $0x9;
	_ =	strace $0x80000048  }
0xb4: {  	_ =	swait.ge [sflag:s29], $0x1  }
0xb5: {  	[sflag:s29] =	ssyncadd.s32 $0xFFFFFFFF  }
0xb6: {  	_ =	strace $0x90000048  }
0xb7: {  	_ =	sfence  }
0xb8: {  	s30 =	sld [smem:$0x0];
	_ =	sdelay $0x2  }
0xb9: {  	s31 =	sshll.u32 s1, $0xD;
	s1 =	sshrl.u32 s1, $0x2  }
0xba: {  	s3 =	sand.u32 $0x4000, s31;
	s1 =	sadd.s32 s1, s30  }
0xbb: {  	s0 =	sor.u32 s3, s0;
	s1 =	sshll.u32 s1, $0x11  }
0xbc: {  	s0 =	sor.u32 s1, s0  }
0xbd: {  	s0 =	sadd.s32 $0x8F2B, s0  }
0xbe: {  	[sflag:s0] =	ssyncadd.remote.s32 $0x1  }
0xbf: {  	_ =	sfence.sel $0xFFFF  }
0xc0: {  	[dreg:$0x0] =	wrdreg $0xFFFFFFFF;
	(pc) =	sbr.abs _section_cstart, $3  }
0xc1: {  	[dreg:$0x1] =	wrdreg $0xFFFFFFFF  }
0xc2: {  	_ =	task.clear_ibuf [dreg:s7], $0x2FFFF;
	_ =	strace $0x9FFFFFFF  }
0xc3: {  	(tm) =	ssettm $0x7FFFFFFF  }
tec
execute0_lowered:
.L_overlay_start_1:
0x0: {  	(tag) =	ssettag $0x1  }
0x1: {  	s5 =	rddreg [dreg:$0x0]  }
0x2: {  	s4 =	rddreg [dreg:$0x1]  }
0x3: {  	s1 =	rddreg [dreg:$0x2]  }
0x4: {  	s2 =	srdreg.scid;
	s0 =	rddreg [dreg:$0x3];
	s3 =	simm.s32 $0x0  }
0x5: {  	s11 =	simm.s32 $0x5000;
	s6 =	sand.u32 $0x1, s2;
	s2 =	stileid.u32  }
0x6: {  	[smem:$0x7FF] =	sst s3;
	s7 =	smul.u32 $0x2800, s6;
	s8 =	sshll.u32 s2, $0xA  }
0x7: {  	s9 =	sshll.u32 s6, $0x4;
	s6 =	ssub.s32 $0x2, s6;
	_ =	strace $0x80000047  }
0x8: {  	p0 =	sgt.u32 s2, $0x9;
	s9 =	sor.u32 s2, s9;
	s10 =	sshrl.u32 s6, $0x1  }
0x9: {  	s12 =	sshll.u32 @!p0 s2, $0x6;
	s7 =	sadd.s32 s7, s8;
	s9 =	smul.u32 $0x500, s9  }
0xa: {  	s10 =	ssub.s32 s6, s10;
	s12 =	sor.u32 @!p0 $0x1C01, s12;
	s7 =	sshrl.u32 s7, $0x3  }
0xb: {  	v0 =	vlaneseq.u32;
	s7 =	sadd.s32 s7, s4;
	s4 =	sadd.s32 s8, s1;
	s5 =	sadd.s32 s5, s9  }
0xc: {  	v1 =	vimm.f32 $0.0e+00;
	v6 =	vimm.f32 $1.000000000e+00;
	v2 =	vor.u32 $0x10, v0;
	s8 =	simm.s32 $0x1;
	s9 =	simm.s32 $0x2800;
	s6 =	sadd.s32 $0x2600, s7  }
0xd: {  	v3 =	vor.u32 $0x20, v0;
	v4 =	vor.u32 $0x30, v0;
	v5 =	vor.u32 $0x40, v0;
	s7 =	smax.u32 s10, $0x1;
	s10 =	simm.s32 $0x50;
	s13 =	sshrl.u32 @!p0 s4, $0x3  }
.LBB2_1:
0xe: {  	[tilespmem:$0x5080] =	vst v1  }
0xf: {  	[tilespmem:$0x5090] =	vst v1  }
0x10: {  	[tilespmem:$0x50A0] =	vst v1  }
0x11: {  	[tilespmem:$0x50B0] =	vst v1  }
0x12: {  	[tilespmem:$0x50C0] =	vst v1  }
0x13: {  	[tilespmem:$0x50D0] =	vst v1  }
0x14: {  	[tilespmem:$0x50E0] =	vst v1  }
0x15: {  	[tilespmem:$0x50F0] =	vst v1  }
0x16: {  	[tilespmem:$0x5100] =	vst v1  }
0x17: {  	[tilespmem:$0x5110] =	vst v1  }
0x18: {  	[tilespmem:$0x5120] =	vst v1  }
0x19: {  	[tilespmem:$0x5130] =	vst v1  }
0x1a: {  	[tilespmem:$0x5140] =	vst v1  }
0x1b: {  	[tilespmem:$0x5150] =	vst v1  }
0x1c: {  	[tilespmem:$0x5160] =	vst v1  }
0x1d: {  	[tilespmem:$0x5170] =	vst v1  }
0x1e: {  	[tilespmem:$0x5180] =	vst v1  }
0x1f: {  	[tilespmem:$0x5190] =	vst v1  }
0x20: {  	[tilespmem:$0x51A0] =	vst v1  }
0x21: {  	[tilespmem:$0x51B0] =	vst v1  }
0x22: {  	[tilespmem:$0x51C0] =	vst v1  }
0x23: {  	[tilespmem:$0x51D0] =	vst v1  }
0x24: {  	[tilespmem:$0x51E0] =	vst v1  }
0x25: {  	[tilespmem:$0x51F0] =	vst v1  }
0x26: {  	[tilespmem:$0x5200] =	vst v1  }
0x27: {  	[tilespmem:$0x5210] =	vst v1  }
0x28: {  	[tilespmem:$0x5220] =	vst v1  }
0x29: {  	[tilespmem:$0x5230] =	vst v1  }
0x2a: {  	[tilespmem:$0x5240] =	vst v1  }
0x2b: {  	[tilespmem:$0x5250] =	vst v1  }
0x2c: {  	[tilespmem:$0x5260] =	vst v1  }
0x2d: {  	[tilespmem:$0x5270] =	vst v1  }
0x2e: {  	[tilespmem:$0x5280] =	vst v1  }
0x2f: {  	[tilespmem:$0x5290] =	vst v1  }
0x30: {  	[tilespmem:$0x52A0] =	vst v1  }
0x31: {  	[tilespmem:$0x52B0] =	vst v1  }
0x32: {  	[tilespmem:$0x52C0] =	vst v1  }
0x33: {  	[tilespmem:$0x52D0] =	vst v1  }
0x34: {  	[tilespmem:$0x52E0] =	vst v1  }
0x35: {  	[tilespmem:$0x52F0] =	vst v1  }
0x36: {  	[tilespmem:$0x5300] =	vst v1  }
0x37: {  	[tilespmem:$0x5310] =	vst v1  }
0x38: {  	[tilespmem:$0x5320] =	vst v1  }
0x39: {  	[tilespmem:$0x5330] =	vst v1  }
0x3a: {  	[tilespmem:$0x5340] =	vst v1  }
0x3b: {  	[tilespmem:$0x5350] =	vst v1  }
0x3c: {  	[tilespmem:$0x5360] =	vst v1  }
0x3d: {  	[tilespmem:$0x5370] =	vst v1  }
0x3e: {  	[tilespmem:$0x5380] =	vst v1  }
0x3f: {  	[tilespmem:$0x5390] =	vst v1  }
0x40: {  	[tilespmem:$0x53A0] =	vst v1  }
0x41: {  	[tilespmem:$0x53B0] =	vst v1  }
0x42: {  	[tilespmem:$0x53C0] =	vst v1  }
0x43: {  	[tilespmem:$0x53D0] =	vst v1  }
0x44: {  	[tilespmem:$0x53E0] =	vst v1  }
0x45: {  	[tilespmem:$0x53F0] =	vst v1  }
0x46: {  	[tilespmem:$0x5400] =	vst v1  }
0x47: {  	[tilespmem:$0x5410] =	vst v1  }
0x48: {  	[tilespmem:$0x5420] =	vst v1  }
0x49: {  	[tilespmem:$0x5430] =	vst v1  }
0x4a: {  	[tilespmem:$0x5440] =	vst v1  }
0x4b: {  	[tilespmem:$0x5450] =	vst v1  }
0x4c: {  	[tilespmem:$0x5460] =	vst v1  }
0x4d: {  	[tilespmem:$0x5470] =	vst v1;
	s14 =	simm.s32 @!p0 $0x5080  }
0x4e: {  	[spmem:s4] =	stream.linear.scatter @!p0 [tilespmem:s14], [sflag:$0x1], $0x400, $0x38;
	[tilespmem:$0x5700] =	vst v63  }
0x4f: {  	s14 =	simm.s32 @!p0 $0x1  }
0x50: {  	_ =	swait.ge @!p0 [sflag:s14], $0x400  }
0x51: {  	[sflag:s14] =	ssyncset.done @!p0 $0x0  }
0x52: {  	s15 =	simm.s32 $0x200;
	[sflag:s14] =	ssyncadd.s32 @!p0 $0xFFFFFC00;
	s14 =	simm.s32 $0x0  }
.LBB2_2:
0x53: {  	p1 =	sne.s32 s15, $0x9E00;
	[tilespmem:s14+$0x2870] =	vst v1  }
0x54: {  	[tilespmem:s14+$0x2800] =	vst v1  }
0x55: {  	[tilespmem:s14+$0x2810] =	vst v1  }
.Ltmp0:
0x56: {  	[tilespmem:s14+$0x2820] =	vst v1;
	(pc) =	sbr.rel @p1 .LBB2_2-.Ltmp0, $4  }
0x57: {  	[tilespmem:s14+$0x2830] =	vst v1  }
0x58: {  	[tilespmem:s14+$0x2840] =	vst v1  }
0x59: {  	[tilespmem:s14+$0x2850] =	vst v1  }
0x5a: {  	[tilespmem:s14+$0x2860] =	vst v1;
	s14 =	sshra.s32 s15, $0x2;
	s15 =	sadd.s32 $0x200, s15  }
0x5b: {  	[tilespmem:s14+$0x2870] =	vst v1  }
0x5c: {  	[tilespmem:s14+$0x2800] =	vst v1  }
0x5d: {  	[tilespmem:s14+$0x2810] =	vst v1  }
0x5e: {  	[tilespmem:s14+$0x2820] =	vst v1  }
0x5f: {  	[tilespmem:s14+$0x2830] =	vst v1  }
0x60: {  	[tilespmem:s14+$0x2840] =	vst v1  }
0x61: {  	[tilespmem:s14+$0x2850] =	vst v1  }
0x62: {  	[tilespmem:s14+$0x2860] =	vst v1  }
0x63: {  	[tilespmem:$0x5000] =	vst v0  }
0x64: {  	[tilespmem:$0x5010] =	vst v2  }
0x65: {  	[tilespmem:$0x5020] =	vst v3  }
0x66: {  	[tilespmem:$0x5030] =	vst v4  }
0x67: {  	s14 =	simm.s32 $0x0;
	[tilespmem:$0x5040] =	vst v5  }
0x68: {  	[tilespmem:s14], [sflag:$0x1] =	stream.linear.gather [hbm4b:s5+s14], $0x2800, $0x38;
	[tilespmem:$0x5700] =	vst v63  }
0x69: {  	_ =	swait.ge [sflag:s8], $0x2800  }
0x6a: {  	[sflag:s8] =	ssyncset.done $0x0  }
0x6b: {  	[sflag:s8] =	ssyncadd.s32 $0xFFFFD800  }
.LBB2_4:
0x6c: {  	s15 =	sshra.s32 s14, $0x2  }
0x6d: {  	v7 =	vld [tilespmem:s15+$0x0];
	_ =	sdelay $0x4  }
0x6e: {  	v7 =	vshrl.u32 v7, $0x10;
	_ =	sdelay $0x4  }
0x6f: {  	[tilespmem:v7+s9+$0x0] =	vst.idx.add.f32.msk $0xffff, v6  }
0x70: {  	v7 =	vld [tilespmem:s15+$0x10];
	_ =	sdelay $0x4  }
0x71: {  	v7 =	vshrl.u32 v7, $0x10;
	_ =	sdelay $0x4  }
0x72: {  	[tilespmem:v7+s9+$0x0] =	vst.idx.add.f32.msk $0xffff, v6  }
0x73: {  	v7 =	vld [tilespmem:s15+$0x20];
	_ =	sdelay $0x4  }
0x74: {  	v7 =	vshrl.u32 v7, $0x10;
	_ =	sdelay $0x4  }
0x75: {  	[tilespmem:v7+s9+$0x0] =	vst.idx.add.f32.msk $0xffff, v6  }
0x76: {  	v7 =	vld [tilespmem:s15+$0x30];
	_ =	sdelay $0x4  }
0x77: {  	v7 =	vshrl.u32 v7, $0x10;
	_ =	sdelay $0x4  }
0x78: {  	[tilespmem:v7+s9+$0x0] =	vst.idx.add.f32.msk $0xffff, v6  }
0x79: {  	v7 =	vld [tilespmem:s15+$0x40];
	_ =	sdelay $0x4  }
0x7a: {  	v7 =	vshrl.u32 v7, $0x10;
	_ =	sdelay $0x4  }
0x7b: {  	[tilespmem:v7+s9+$0x0] =	vst.idx.add.f32.msk $0xffff, v6  }
0x7c: {  	v7 =	vld [tilespmem:s15+$0x50];
	_ =	sdelay $0x4  }
0x7d: {  	v7 =	vshrl.u32 v7, $0x10;
	_ =	sdelay $0x4  }
0x7e: {  	[tilespmem:v7+s9+$0x0] =	vst.idx.add.f32.msk $0xffff, v6  }
0x7f: {  	v7 =	vld [tilespmem:s15+$0x60];
	_ =	sdelay $0x4  }
0x80: {  	v7 =	vshrl.u32 v7, $0x10;
	_ =	sdelay $0x4  }
0x81: {  	[tilespmem:v7+s9+$0x0] =	vst.idx.add.f32.msk $0xffff, v6  }
0x82: {  	v7 =	vld [tilespmem:s15+$0x70];
	_ =	sdelay $0x4  }
0x83: {  	p1 =	sne.s32 s14, $0x9E00;
	v7 =	vshrl.u32 v7, $0x10  }
.Ltmp1:
0x84: {  	_ = 	snop;
	(pc) =	sbr.rel @p1 .LBB2_4-.Ltmp1, $2  }
0x85: {  	_ =	sdelay $0x2  }
0x86: {  	s14 =	sadd.s32 $0x200, s14;
	[tilespmem:v7+s9+$0x0] =	vst.idx.add.f32.msk $0xffff, v6  }
0x87: {  	[bflag:$0x0] =	sbarrier.arrive $0xFFFF  }
0x88: {  	[spmem:s1] =	stream.indirect.scatter.add.f32 [tilespmem:s9], [sflag:$0x1], $0x80, s11, s10, $0xb8;
	[tilespmem:$0x5700] =	vst v63  }
0x89: {  	_ =	swait.ge [sflag:s8], $0x2800  }
0x8a: {  	s3 =	sadd.s32 $0x1, s3;
	[sflag:s8] =	ssyncset.done $0x0  }
0x8b: {  	p1 =	sne.s32 s3, s7;
	[sflag:s8] =	ssyncadd.s32 $0xFFFFD800  }
.Ltmp2:
0x8c: {  	s14 =	simm.s32 @!p0 $0x1;
	[bflag:$0x0] =	sbarrier.arrive $0xFFFF;
	(pc) =	sbr.rel @p1 .LBB2_1-.Ltmp2, $4  }
0x8d: {  	[hbm:s6], [sflag:s12] =	dma.local @!p0 [spmem:s13], $0x80  }
0x8e: {  	_ =	swait.ge @!p0 [sflag:s14], $0x80  }
0x8f: {  	[sflag:s14] =	ssyncset.done @!p0 $0x0  }
0x90: {  	[sflag:s14] =	ssyncadd.s32 @!p0 $0xFFFFFF80  }
0x91: {  	_ =	sfence.sel $0x180000  }
0x92: {  	[bflag:$0x0] =	sbarrier.arrive $0xFFFF  }
0x93: {  	p0 =	sne.s32 s2, $0x0;
	_ =	strace $0x90000047  }
0x94: {  	s0 =	sadd.s32 @!p0 $0x100000, s0;
	[bflag:$0x2] =	sbarrier.arrive $0xFFFF  }
0x95: {  	[sflag:s0] =	ssyncadd.tile.s32 @!p0 $0x1;
	_ =	shalt  }
.Lfunc_end2:
_tile_overlayer_lowered:
.L_overlay_start_2:
0x96: {  	(tag) =	ssettag $0x2  }
0x97: {  	s0 =	rddreg [dreg:$0x0];
	s2 =	stileid.u32  }
0x98: {  	s1 =	rddreg [dreg:$0x1];
	p0 =	sne.s32 s2, $0x0  }
0x99: {  	s3 =	rddreg [dreg:$0x2];
	[bflag:$0x3] =	sbarrier.arrive $0xFFFF;
	s2 =	simm.s32 @!p0 $0x1C01  }
0x9a: {  	[timem:s3], [sflag:s2] =	dma.local @!p0 [hbm:s0], s1  }
0x9b: {  	s0 =	simm.s32 @!p0 $0x1  }
0x9c: {  	_ =	swait.ge @!p0 [sflag:s0], s1  }
0x9d: {  	s1 =	ssub.s32 @!p0 $0x0, s1;
	[sflag:s0] =	ssyncset.done @!p0 $0x0  }
0x9e: {  	[sflag:s0] =	ssyncadd.s32 @!p0 s1  }
0x9f: {  	[bflag:$0x3] =	sbarrier.arrive $0xFFFF  }
0xa0: {  	_ =	shalt  }

</sc_bundles>
